<compile_context>
chip_gen: v7x
topology: tpu7x:2x2x1
jax: 0.10.2.dev20260603
libtpu: 0.0.44.dev20260713+nightly
codegen_flags: <defaults>
</compile_context>

<pallas_src>
import jax
import jax.numpy as jnp
from jax import lax
from jax.experimental import pallas as pl
from jax.experimental.pallas import tpu as pltpu
from jax.experimental.pallas import tpu_sc as plsc

B = 16384
K = 16
NC = 2
NS = 16
NW = NC * NS
BPW = B // NW
CH = 8
NCH = BPW // CH


def _sc_body(uid_hbm, iid_hbm, uwt_hbm, iwt_hbm, dummy_hbm, out_hbm,
             uidx_v, iidx_v, blk, outv, sems):
    wid = lax.axis_index("s") * NC + lax.axis_index("c")
    base = wid * BPW

    pltpu.sync_copy(uid_hbm.at[pl.ds(base, BPW)], uidx_v)
    pltpu.sync_copy(iid_hbm.at[pl.ds(base, BPW)], iidx_v)

    iota = lax.iota(jnp.int32, 2 * CH)
    slot8 = iota & 7

    def issue(c):
        buf = lax.rem(c, 3)
        uvec = plsc.load_gather(uidx_v, [c * CH + slot8])
        ivec = plsc.load_gather(iidx_v, [c * CH + slot8])
        ucb = lax.shift_left(lax.shift_right_logical(uvec, 7), 7)
        icb = lax.shift_left(lax.shift_right_logical(ivec, 7), 7)
        for l in range(CH):
            uo = pl.multiple_of(ucb[l], 128)
            io = pl.multiple_of(icb[l], 128)
            for b in range(2):
                pltpu.async_copy(
                    uwt_hbm.at[pl.ds(8 * b, 8), pl.ds(uo, 128)],
                    blk.at[buf, l, pl.ds(8 * b, 8)], sems.at[buf])
                pltpu.async_copy(
                    iwt_hbm.at[pl.ds(8 * b, 8), pl.ds(io, 128)],
                    blk.at[buf, CH + l, pl.ds(8 * b, 8)], sems.at[buf])

    def chunk(c, carry):
        buf = lax.rem(c, 3)

        @pl.when(c + 2 < NCH)
        def _():
            issue(c + 2)

        pltpu.make_async_copy(dummy_hbm, blk.at[buf], sems.at[buf]).wait()

        ulane = plsc.load_gather(uidx_v, [c * CH + slot8]) & 127
        ilane = plsc.load_gather(iidx_v, [c * CH + slot8]) & 127
        bufv = jnp.full((2 * CH,), buf, jnp.int32)
        acc = jnp.zeros((2 * CH,), jnp.float32)
        for k in range(K):
            kv = jnp.full((2 * CH,), k, jnp.int32)
            uc = plsc.load_gather(blk, [bufv, slot8, kv, ulane])
            ic = plsc.load_gather(blk, [bufv, slot8 + CH, kv, ilane])
            acc = acc + uc * ic
        outv[pl.ds(c * CH, 2 * CH)] = acc
        return carry

    issue(0)
    issue(1)
    lax.fori_loop(0, NCH, chunk, 0)

    pltpu.sync_copy(outv.at[pl.ds(0, BPW)], out_hbm.at[pl.ds(base, BPW)])


@jax.jit
def kernel(train_x, user_weight, item_weight):
    uid = train_x[:, 0]
    iid = train_x[:, 1]
    dummy = jnp.zeros((2 * CH, K, 128), jnp.float32)

    mesh = plsc.VectorSubcoreMesh(
        core_axis_name="c", subcore_axis_name="s",
        num_cores=NC, num_subcores=NS)
    fn = pl.kernel(
        _sc_body,
        out_type=jax.ShapeDtypeStruct((B,), jnp.float32),
        mesh=mesh,
        scratch_types=[
            pltpu.VMEM((BPW,), jnp.int32),
            pltpu.VMEM((BPW,), jnp.int32),
            pltpu.VMEM((3, 2 * CH, K, 128), jnp.float32),
            pltpu.VMEM((BPW + CH,), jnp.float32),
            pltpu.SemaphoreType.DMA((3,)),
        ],
        compiler_params=pltpu.CompilerParams(needs_layout_passes=False),
    )
    return fn(uid, iid, user_weight.T, item_weight.T, dummy)

# --- scband reference (transcript-rebuilt; emitter-appended) ---
"""Pipeline reference for scband-wide-net-82961588290358 (READ-ONLY COPY).

The authoritative reference and input builder live on the scoring server;
editing this copy changes nothing except your own understanding.
"""

import jax, jax.numpy as jnp
import numpy as np

N_USER = 1000000
N_ITEM = 1000000
K = 16
BATCH = 16384


def setup_inputs(seed: int = 0) -> dict:
    key = jax.random.key(seed)
    k1, k2, k3 = jax.random.split(key, 3)
    train_x = jax.random.randint(k1, (BATCH, 2), 0, N_USER, dtype=jnp.int64) if jax.config.jax_enable_x64 else jax.random.randint(k1, (BATCH, 2), 0, N_USER, dtype=jnp.int32)
    user_weight = jax.random.normal(k2, (N_USER, K), dtype=jnp.float32)
    item_weight = jax.random.normal(k3, (N_ITEM, K), dtype=jnp.float32)
    return {"train_x": train_x, "user_weight": user_weight, "item_weight": item_weight}


def reference(train_x, user_weight, item_weight):
    user_id = train_x[:, 0]
    item_id = train_x[:, 1]
    vector_user = jnp.take(user_weight, user_id, axis=0)
    vector_item = jnp.take(item_weight, item_id, axis=0)
    ui_interaction = jnp.sum(vector_user * vector_item, axis=1)
    return ui_interaction

if __name__ == "__main__":
    import jax
    _d = setup_inputs()
    print(jax.jit(kernel)(*tuple(_d.values())))

</pallas_src>

<mosaic_0001>
#map = affine_map<(d0, d1) -> (0)>
#map1 = affine_map<(d0, d1) -> (0, 0)>
#map2 = affine_map<(d0, d1) -> (0, 0, 0)>
module attributes {stable_mosaic.version = 14 : i64} {
  func.func @_sc_body(%arg0: i32, %arg1: i32, %arg2: memref<16384xi32, #tpu.memory_space<hbm>>, %arg3: memref<16384xi32, #tpu.memory_space<hbm>>, %arg4: memref<16x1000000xf32, #tpu.memory_space<hbm>>, %arg5: memref<16x1000000xf32, #tpu.memory_space<hbm>>, %arg6: memref<16x16x128xf32, #tpu.memory_space<hbm>>, %arg7: memref<16384xf32, #tpu.memory_space<hbm>>, %arg8: memref<512xi32, #tpu.memory_space<vmem>>, %arg9: memref<512xi32, #tpu.memory_space<vmem>>, %arg10: memref<3x16x16x128xf32, #tpu.memory_space<vmem>>, %arg11: memref<520xf32, #tpu.memory_space<vmem>>, %arg12: memref<3x!tpu.dma_semaphore, #tpu.memory_space<semaphore_mem>>) attributes {dimension_semantics = [#tpu.dimension_semantics<core_parallel>, #tpu.dimension_semantics<subcore_parallel>], iteration_bounds = array<i64: 2, 16>, scalar_prefetch = 0 : i64, scratch_operands = 5 : i64, tpu.core_type = #tpu.core_type<sc_vector_subcore>, window_params = [{transform_indices = #map}, {transform_indices = #map}, {transform_indices = #map1}, {transform_indices = #map1}, {transform_indices = #map2}, {transform_indices = #map}]} {
    %mul3A = arith.constant 2 : i32
    %mul3A_0 = arith.muli %arg1, %mul3A : i32
    %add3A = arith.addi %mul3A_0, %arg0 : i32
    %mul3A_1 = arith.constant 512 : i32
    %mul3A_2 = arith.muli %add3A, %mul3A_1 : i32
    "tpu.region"() ({
      %run_scoped3A = tpu.sem_alloc : memref<!tpu.dma_semaphore, #tpu.memory_space<semaphore_mem>>
      %dma_start3A_1104 = tpu.memref_slice %arg2[%mul3A_2] : memref<16384xi32, #tpu.memory_space<hbm>> -> memref<512xi32, #tpu.memory_space<hbm>>
      %dma_start3A_1105 = tpu.memref_slice %arg2[%mul3A_2] : memref<16384xi32, #tpu.memory_space<hbm>> -> memref<512xi32, #tpu.memory_space<hbm>>
      tpu.enqueue_dma source(%dma_start3A_1105 : memref<512xi32, #tpu.memory_space<hbm>>) target(%arg8 : memref<512xi32, #tpu.memory_space<vmem>>) target_semaphore(%run_scoped3A : memref<!tpu.dma_semaphore, #tpu.memory_space<semaphore_mem>>)
      %dma_wait3A = tpu.memref_slice %arg2[%mul3A_2] : memref<16384xi32, #tpu.memory_space<hbm>> -> memref<512xi32, #tpu.memory_space<hbm>>
      %dma_wait3A_1106 = tpu.memref_slice %arg2[%mul3A_2] : memref<16384xi32, #tpu.memory_space<hbm>> -> memref<512xi32, #tpu.memory_space<hbm>>
      tpu.wait_dma2 semaphore(%run_scoped3A : memref<!tpu.dma_semaphore, #tpu.memory_space<semaphore_mem>>) src(%dma_wait3A_1106 : memref<512xi32, #tpu.memory_space<hbm>>) dst(%arg8 : memref<512xi32, #tpu.memory_space<vmem>>)
      tpu.yield
    }) : () -> ()
    "tpu.region"() ({
      %run_scoped3A = tpu.sem_alloc : memref<!tpu.dma_semaphore, #tpu.memory_space<semaphore_mem>>
      %dma_start3A_1104 = tpu.memref_slice %arg3[%mul3A_2] : memref<16384xi32, #tpu.memory_space<hbm>> -> memref<512xi32, #tpu.memory_space<hbm>>
      %dma_start3A_1105 = tpu.memref_slice %arg3[%mul3A_2] : memref<16384xi32, #tpu.memory_space<hbm>> -> memref<512xi32, #tpu.memory_space<hbm>>
      tpu.enqueue_dma source(%dma_start3A_1105 : memref<512xi32, #tpu.memory_space<hbm>>) target(%arg9 : memref<512xi32, #tpu.memory_space<vmem>>) target_semaphore(%run_scoped3A : memref<!tpu.dma_semaphore, #tpu.memory_space<semaphore_mem>>)
      %dma_wait3A = tpu.memref_slice %arg3[%mul3A_2] : memref<16384xi32, #tpu.memory_space<hbm>> -> memref<512xi32, #tpu.memory_space<hbm>>
      %dma_wait3A_1106 = tpu.memref_slice %arg3[%mul3A_2] : memref<16384xi32, #tpu.memory_space<hbm>> -> memref<512xi32, #tpu.memory_space<hbm>>
      tpu.wait_dma2 semaphore(%run_scoped3A : memref<!tpu.dma_semaphore, #tpu.memory_space<semaphore_mem>>) src(%dma_wait3A_1106 : memref<512xi32, #tpu.memory_space<hbm>>) dst(%arg9 : memref<512xi32, #tpu.memory_space<vmem>>)
      tpu.yield
    }) : () -> ()
    %iota3A = tpu.iota {dimensions = array<i32: 0>} : vector<16xi32>
    %and3A = arith.constant 7 : i32
    %and3A_3 = vector.broadcast %and3A : i32 to vector<16xi32>
    %and3A_4 = arith.andi %iota3A, %and3A_3 : vector<16xi32>
    %rem3A = arith.constant 0 : i32
    %rem3A_5 = arith.constant 3 : i32
    %rem3A_6 = arith.remsi %rem3A, %rem3A_5 : i32
    %add3A_7 = arith.constant 0 : i32
    %add3A_8 = vector.broadcast %add3A_7 : i32 to vector<16xi32>
    %add3A_9 = arith.addi %add3A_8, %and3A_4 : vector<16xi32>
    %gather3A = tpu.vector_load_idx %arg8[%add3A_9] : memref<512xi32, #tpu.memory_space<vmem>>[vector<16xi32>], vector<16xi32>,
    %add3A_10 = arith.constant 0 : i32
    %add3A_11 = vector.broadcast %add3A_10 : i32 to vector<16xi32>
    %add3A_12 = arith.addi %add3A_11, %and3A_4 : vector<16xi32>
    %gather3A_13 = tpu.vector_load_idx %arg9[%add3A_12] : memref<512xi32, #tpu.memory_space<vmem>>[vector<16xi32>], vector<16xi32>,
    %shift_right_logical3A = arith.constant 7 : i32
    %shift_right_logical3A_14 = vector.broadcast %shift_right_logical3A : i32 to vector<16xi32>
    %shift_right_logical3A_15 = arith.shrui %gather3A, %shift_right_logical3A_14 : vector<16xi32>
    %shift_left3A = arith.constant 7 : i32
    %shift_left3A_16 = vector.broadcast %shift_left3A : i32 to vector<16xi32>
    %shift_left3A_17 = arith.shli %shift_right_logical3A_15, %shift_left3A_16 : vector<16xi32>
    %shift_right_logical3A_18 = arith.constant 7 : i32
    %shift_right_logical3A_19 = vector.broadcast %shift_right_logical3A_18 : i32 to vector<16xi32>
    %shift_right_logical3A_20 = arith.shrui %gather3A_13, %shift_right_logical3A_19 : vector<16xi32>
    %shift_left3A_21 = arith.constant 7 : i32
    %shift_left3A_22 = vector.broadcast %shift_left3A_21 : i32 to vector<16xi32>
    %shift_left3A_23 = arith.shli %shift_right_logical3A_20, %shift_left3A_22 : vector<16xi32>
    %slice3A = vector.extract_strided_slice %shift_left3A_17 {offsets = [0], sizes = [1], strides = [1]} : vector<16xi32> to vector<1xi32>
    %squeeze3A = vector.extract %slice3A[0] : i32 from vector<1xi32>
    %multiple_of3A = tpu.assume_multiple %squeeze3A, 128 : i32
    %slice3A_24 = vector.extract_strided_slice %shift_left3A_23 {offsets = [0], sizes = [1], strides = [1]} : vector<16xi32> to vector<1xi32>
    %squeeze3A_25 = vector.extract %slice3A_24[0] : i32 from vector<1xi32>
    %multiple_of3A_26 = tpu.assume_multiple %squeeze3A_25, 128 : i32
    %dma_start3A = arith.constant 0 : i32
    %dma_start3A_27 = arith.constant 0 : i32
    %dma_start3A_28 = arith.constant 0 : i32
    %dma_start3A_29 = tpu.memref_slice %arg10[%rem3A_6, %dma_start3A, %dma_start3A_27, %dma_start3A_28] : memref<3x16x16x128xf32, #tpu.memory_space<vmem>> -> memref<1x1x8x128xf32, #tpu.memory_space<vmem>>
    %dma_start3A_30 = tpu.memref_squeeze %dma_start3A_29 : memref<1x1x8x128xf32, #tpu.memory_space<vmem>> -> memref<8x128xf32, #tpu.memory_space<vmem>>
    %dma_start3A_31 = arith.constant 0 : i32
    %dma_start3A_32 = tpu.memref_slice %arg4[%dma_start3A_31, %multiple_of3A] : memref<16x1000000xf32, #tpu.memory_space<hbm>> -> memref<8x128xf32, #tpu.memory_space<hbm>>
    %dma_start3A_33 = tpu.memref_slice %arg12[%rem3A_6] : memref<3x!tpu.dma_semaphore, #tpu.memory_space<semaphore_mem>> -> memref<1x!tpu.dma_semaphore, #tpu.memory_space<semaphore_mem>>
    %dma_start3A_34 = tpu.memref_squeeze %dma_start3A_33 : memref<1x!tpu.dma_semaphore, #tpu.memory_space<semaphore_mem>> -> memref<!tpu.dma_semaphore, #tpu.memory_space<semaphore_mem>>
    %dma_start3A_35 = arith.constant 0 : i32
    %dma_start3A_36 = arith.constant 0 : i32
    %dma_start3A_37 = tpu.memref_slice %arg10[%rem3A_6, %dma_start3A, %dma_start3A_35, %dma_start3A_36] : memref<3x16x16x128xf32, #tpu.memory_space<vmem>> -> memref<1x1x8x128xf32, #tpu.memory_space<vmem>>
    %dma_start3A_38 = tpu.memref_squeeze %dma_start3A_37 : memref<1x1x8x128xf32, #tpu.memory_space<vmem>> -> memref<8x128xf32, #tpu.memory_space<vmem>>
    %dma_start3A_39 = arith.constant 0 : i32
    %dma_start3A_40 = tpu.memref_slice %arg4[%dma_start3A_39, %multiple_of3A] : memref<16x1000000xf32, #tpu.memory_space<hbm>> -> memref<8x128xf32, #tpu.memory_space<hbm>>
    tpu.enqueue_dma source(%dma_start3A_40 : memref<8x128xf32, #tpu.memory_space<hbm>>) target(%dma_start3A_38 : memref<8x128xf32, #tpu.memory_space<vmem>>) target_semaphore(%dma_start3A_34 : memref<!tpu.dma_semaphore, #tpu.memory_space<semaphore_mem>>)
    %dma_start3A_41 = arith.constant 8 : i32
    %dma_start3A_42 = arith.constant 0 : i32
    %dma_start3A_43 = arith.constant 0 : i32
    %dma_start3A_44 = tpu.memref_slice %arg10[%rem3A_6, %dma_start3A_41, %dma_start3A_42, %dma_start3A_43] : memref<3x16x16x128xf32, #tpu.memory_space<vmem>> -> memref<1x1x8x128xf32, #tpu.memory_space<vmem>>
    %dma_start3A_45 = tpu.memref_squeeze %dma_start3A_44 : memref<1x1x8x128xf32, #tpu.memory_space<vmem>> -> memref<8x128xf32, #tpu.memory_space<vmem>>
    %dma_start3A_46 = arith.constant 0 : i32
    %dma_start3A_47 = tpu.memref_slice %arg5[%dma_start3A_46, %multiple_of3A_26] : memref<16x1000000xf32, #tpu.memory_space<hbm>> -> memref<8x128xf32, #tpu.memory_space<hbm>>
    %dma_start3A_48 = tpu.memref_slice %arg12[%rem3A_6] : memref<3x!tpu.dma_semaphore, #tpu.memory_space<semaphore_mem>> -> memref<1x!tpu.dma_semaphore, #tpu.memory_space<semaphore_mem>>
    %dma_start3A_49 = tpu.memref_squeeze %dma_start3A_48 : memref<1x!tpu.dma_semaphore, #tpu.memory_space<semaphore_mem>> -> memref<!tpu.dma_semaphore, #tpu.memory_space<semaphore_mem>>
    %dma_start3A_50 = arith.constant 0 : i32
    %dma_start3A_51 = arith.constant 0 : i32
    %dma_start3A_52 = tpu.memref_slice %arg10[%rem3A_6, %dma_start3A_41, %dma_start3A_50, %dma_start3A_51] : memref<3x16x16x128xf32, #tpu.memory_space<vmem>> -> memref<1x1x8x128xf32, #tpu.memory_space<vmem>>
    %dma_start3A_53 = tpu.memref_squeeze %dma_start3A_52 : memref<1x1x8x128xf32, #tpu.memory_space<vmem>> -> memref<8x128xf32, #tpu.memory_space<vmem>>
    %dma_start3A_54 = arith.constant 0 : i32
    %dma_start3A_55 = tpu.memref_slice %arg5[%dma_start3A_54, %multiple_of3A_26] : memref<16x1000000xf32, #tpu.memory_space<hbm>> -> memref<8x128xf32, #tpu.memory_space<hbm>>
    tpu.enqueue_dma source(%dma_start3A_55 : memref<8x128xf32, #tpu.memory_space<hbm>>) target(%dma_start3A_53 : memref<8x128xf32, #tpu.memory_space<vmem>>) target_semaphore(%dma_start3A_49 : memref<!tpu.dma_semaphore, #tpu.memory_space<semaphore_mem>>)
    %dma_start3A_56 = arith.constant 0 : i32
    %dma_start3A_57 = arith.constant 8 : i32
    %dma_start3A_58 = arith.constant 0 : i32
    %dma_start3A_59 = tpu.memref_slice %arg10[%rem3A_6, %dma_start3A_56, %dma_start3A_57, %dma_start3A_58] : memref<3x16x16x128xf32, #tpu.memory_space<vmem>> -> memref<1x1x8x128xf32, #tpu.memory_space<vmem>>
    %dma_start3A_60 = tpu.memref_squeeze %dma_start3A_59 : memref<1x1x8x128xf32, #tpu.memory_space<vmem>> -> memref<8x128xf32, #tpu.memory_space<vmem>>
    %dma_start3A_61 = arith.constant 8 : i32
    %dma_start3A_62 = tpu.memref_slice %arg4[%dma_start3A_61, %multiple_of3A] : memref<16x1000000xf32, #tpu.memory_space<hbm>> -> memref<8x128xf32, #tpu.memory_space<hbm>>
    %dma_start3A_63 = tpu.memref_slice %arg12[%rem3A_6] : memref<3x!tpu.dma_semaphore, #tpu.memory_space<semaphore_mem>> -> memref<1x!tpu.dma_semaphore, #tpu.memory_space<semaphore_mem>>
    %dma_start3A_64 = tpu.memref_squeeze %dma_start3A_63 : memref<1x!tpu.dma_semaphore, #tpu.memory_space<semaphore_mem>> -> memref<!tpu.dma_semaphore, #tpu.memory_space<semaphore_mem>>
    %dma_start3A_65 = arith.constant 8 : i32
    %dma_start3A_66 = arith.constant 0 : i32
    %dma_start3A_67 = tpu.memref_slice %arg10[%rem3A_6, %dma_start3A_56, %dma_start3A_65, %dma_start3A_66] : memref<3x16x16x128xf32, #tpu.memory_space<vmem>> -> memref<1x1x8x128xf32, #tpu.memory_space<vmem>>
    %dma_start3A_68 = tpu.memref_squeeze %dma_start3A_67 : memref<1x1x8x128xf32, #tpu.memory_space<vmem>> -> memref<8x128xf32, #tpu.memory_space<vmem>>
    %dma_start3A_69 = arith.constant 8 : i32
    %dma_start3A_70 = tpu.memref_slice %arg4[%dma_start3A_69, %multiple_of3A] : memref<16x1000000xf32, #tpu.memory_space<hbm>> -> memref<8x128xf32, #tpu.memory_space<hbm>>
    tpu.enqueue_dma source(%dma_start3A_70 : memref<8x128xf32, #tpu.memory_space<hbm>>) target(%dma_start3A_68 : memref<8x128xf32, #tpu.memory_space<vmem>>) target_semaphore(%dma_start3A_64 : memref<!tpu.dma_semaphore, #tpu.memory_space<semaphore_mem>>)
    %dma_start3A_71 = arith.constant 8 : i32
    %dma_start3A_72 = arith.constant 8 : i32
    %dma_start3A_73 = arith.constant 0 : i32
    %dma_start3A_74 = tpu.memref_slice %arg10[%rem3A_6, %dma_start3A_71, %dma_start3A_72, %dma_start3A_73] : memref<3x16x16x128xf32, #tpu.memory_space<vmem>> -> memref<1x1x8x128xf32, #tpu.memory_space<vmem>>
    %dma_start3A_75 = tpu.memref_squeeze %dma_start3A_74 : memref<1x1x8x128xf32, #tpu.memory_space<vmem>> -> memref<8x128xf32, #tpu.memory_space<vmem>>
    %dma_start3A_76 = arith.constant 8 : i32
    %dma_start3A_77 = tpu.memref_slice %arg5[%dma_start3A_76, %multiple_of3A_26] : memref<16x1000000xf32, #tpu.memory_space<hbm>> -> memref<8x128xf32, #tpu.memory_space<hbm>>
    %dma_start3A_78 = tpu.memref_slice %arg12[%rem3A_6] : memref<3x!tpu.dma_semaphore, #tpu.memory_space<semaphore_mem>> -> memref<1x!tpu.dma_semaphore, #tpu.memory_space<semaphore_mem>>
    %dma_start3A_79 = tpu.memref_squeeze %dma_start3A_78 : memref<1x!tpu.dma_semaphore, #tpu.memory_space<semaphore_mem>> -> memref<!tpu.dma_semaphore, #tpu.memory_space<semaphore_mem>>
    %dma_start3A_80 = arith.constant 8 : i32
    %dma_start3A_81 = arith.constant 0 : i32
    %dma_start3A_82 = tpu.memref_slice %arg10[%rem3A_6, %dma_start3A_71, %dma_start3A_80, %dma_start3A_81] : memref<3x16x16x128xf32, #tpu.memory_space<vmem>> -> memref<1x1x8x128xf32, #tpu.memory_space<vmem>>
    %dma_start3A_83 = tpu.memref_squeeze %dma_start3A_82 : memref<1x1x8x128xf32, #tpu.memory_space<vmem>> -> memref<8x128xf32, #tpu.memory_space<vmem>>
    %dma_start3A_84 = arith.constant 8 : i32
    %dma_start3A_85 = tpu.memref_slice %arg5[%dma_start3A_84, %multiple_of3A_26] : memref<16x1000000xf32, #tpu.memory_space<hbm>> -> memref<8x128xf32, #tpu.memory_space<hbm>>
    tpu.enqueue_dma source(%dma_start3A_85 : memref<8x128xf32, #tpu.memory_space<hbm>>) target(%dma_start3A_83 : memref<8x128xf32, #tpu.memory_space<vmem>>) target_semaphore(%dma_start3A_79 : memref<!tpu.dma_semaphore, #tpu.memory_space<semaphore_mem>>)
    %slice3A_86 = vector.extract_strided_slice %shift_left3A_17 {offsets = [1], sizes = [1], strides = [1]} : vector<16xi32> to vector<1xi32>
    %squeeze3A_87 = vector.extract %slice3A_86[0] : i32 from vector<1xi32>
    %multiple_of3A_88 = tpu.assume_multiple %squeeze3A_87, 128 : i32
    %slice3A_89 = vector.extract_strided_slice %shift_left3A_23 {offsets = [1], sizes = [1], strides = [1]} : vector<16xi32> to vector<1xi32>
    %squeeze3A_90 = vector.extract %slice3A_89[0] : i32 from vector<1xi32>
    %multiple_of3A_91 = tpu.assume_multiple %squeeze3A_90, 128 : i32
    %dma_start3A_92 = arith.constant 1 : i32
    %dma_start3A_93 = arith.constant 0 : i32
    %dma_start3A_94 = arith.constant 0 : i32
    %dma_start3A_95 = tpu.memref_slice %arg10[%rem3A_6, %dma_start3A_92, %dma_start3A_93, %dma_start3A_94] : memref<3x16x16x128xf32, #tpu.memory_space<vmem>> -> memref<1x1x8x128xf32, #tpu.memory_space<vmem>>
    %dma_start3A_96 = tpu.memref_squeeze %dma_start3A_95 : memref<1x1x8x128xf32, #tpu.memory_space<vmem>> -> memref<8x128xf32, #tpu.memory_space<vmem>>
    %dma_start3A_97 = arith.constant 0 : i32
    %dma_start3A_98 = tpu.memref_slice %arg4[%dma_start3A_97, %multiple_of3A_88] : memref<16x1000000xf32, #tpu.memory_space<hbm>> -> memref<8x128xf32, #tpu.memory_space<hbm>>
    %dma_start3A_99 = tpu.memref_slice %arg12[%rem3A_6] : memref<3x!tpu.dma_semaphore, #tpu.memory_space<semaphore_mem>> -> memref<1x!tpu.dma_semaphore, #tpu.memory_space<semaphore_mem>>
    %dma_start3A_100 = tpu.memref_squeeze %dma_start3A_99 : memref<1x!tpu.dma_semaphore, #tpu.memory_space<semaphore_mem>> -> memref<!tpu.dma_semaphore, #tpu.memory_space<semaphore_mem>>
    %dma_start3A_101 = arith.constant 0 : i32
    %dma_start3A_102 = arith.constant 0 : i32
    %dma_start3A_103 = tpu.memref_slice %arg10[%rem3A_6, %dma_start3A_92, %dma_start3A_101, %dma_start3A_102] : memref<3x16x16x128xf32, #tpu.memory_space<vmem>> -> memref<1x1x8x128xf32, #tpu.memory_space<vmem>>
    %dma_start3A_104 = tpu.memref_squeeze %dma_start3A_103 : memref<1x1x8x128xf32, #tpu.memory_space<vmem>> -> memref<8x128xf32, #tpu.memory_space<vmem>>
    %dma_start3A_105 = arith.constant 0 : i32
    %dma_start3A_106 = tpu.memref_slice %arg4[%dma_start3A_105, %multiple_of3A_88] : memref<16x1000000xf32, #tpu.memory_space<hbm>> -> memref<8x128xf32, #tpu.memory_space<hbm>>
    tpu.enqueue_dma source(%dma_start3A_106 : memref<8x128xf32, #tpu.memory_space<hbm>>) target(%dma_start3A_104 : memref<8x128xf32, #tpu.memory_space<vmem>>) target_semaphore(%dma_start3A_100 : memref<!tpu.dma_semaphore, #tpu.memory_space<semaphore_mem>>)
    %dma_start3A_107 = arith.constant 9 : i32
    %dma_start3A_108 = arith.constant 0 : i32
    %dma_start3A_109 = arith.constant 0 : i32
    %dma_start3A_110 = tpu.memref_slice %arg10[%rem3A_6, %dma_start3A_107, %dma_start3A_108, %dma_start3A_109] : memref<3x16x16x128xf32, #tpu.memory_space<vmem>> -> memref<1x1x8x128xf32, #tpu.memory_space<vmem>>
    %dma_start3A_111 = tpu.memref_squeeze %dma_start3A_110 : memref<1x1x8x128xf32, #tpu.memory_space<vmem>> -> memref<8x128xf32, #tpu.memory_space<vmem>>
    %dma_start3A_112 = arith.constant 0 : i32
    %dma_start3A_113 = tpu.memref_slice %arg5[%dma_start3A_112, %multiple_of3A_91] : memref<16x1000000xf32, #tpu.memory_space<hbm>> -> memref<8x128xf32, #tpu.memory_space<hbm>>
    %dma_start3A_114 = tpu.memref_slice %arg12[%rem3A_6] : memref<3x!tpu.dma_semaphore, #tpu.memory_space<semaphore_mem>> -> memref<1x!tpu.dma_semaphore, #tpu.memory_space<semaphore_mem>>
    %dma_start3A_115 = tpu.memref_squeeze %dma_start3A_114 : memref<1x!tpu.dma_semaphore, #tpu.memory_space<semaphore_mem>> -> memref<!tpu.dma_semaphore, #tpu.memory_space<semaphore_mem>>
    %dma_start3A_116 = arith.constant 0 : i32
    %dma_start3A_117 = arith.constant 0 : i32
    %dma_start3A_118 = tpu.memref_slice %arg10[%rem3A_6, %dma_start3A_107, %dma_start3A_116, %dma_start3A_117] : memref<3x16x16x128xf32, #tpu.memory_space<vmem>> -> memref<1x1x8x128xf32, #tpu.memory_space<vmem>>
    %dma_start3A_119 = tpu.memref_squeeze %dma_start3A_118 : memref<1x1x8x128xf32, #tpu.memory_space<vmem>> -> memref<8x128xf32, #tpu.memory_space<vmem>>
    %dma_start3A_120 = arith.constant 0 : i32
    %dma_start3A_121 = tpu.memref_slice %arg5[%dma_start3A_120, %multiple_of3A_91] : memref<16x1000000xf32, #tpu.memory_space<hbm>> -> memref<8x128xf32, #tpu.memory_space<hbm>>
    tpu.enqueue_dma source(%dma_start3A_121 : memref<8x128xf32, #tpu.memory_space<hbm>>) target(%dma_start3A_119 : memref<8x128xf32, #tpu.memory_space<vmem>>) target_semaphore(%dma_start3A_115 : memref<!tpu.dma_semaphore, #tpu.memory_space<semaphore_mem>>)
    %dma_start3A_122 = arith.constant 1 : i32
    %dma_start3A_123 = arith.constant 8 : i32
    %dma_start3A_124 = arith.constant 0 : i32
    %dma_start3A_125 = tpu.memref_slice %arg10[%rem3A_6, %dma_start3A_122, %dma_start3A_123, %dma_start3A_124] : memref<3x16x16x128xf32, #tpu.memory_space<vmem>> -> memref<1x1x8x128xf32, #tpu.memory_space<vmem>>
    %dma_start3A_126 = tpu.memref_squeeze %dma_start3A_125 : memref<1x1x8x128xf32, #tpu.memory_space<vmem>> -> memref<8x128xf32, #tpu.memory_space<vmem>>
    %dma_start3A_127 = arith.constant 8 : i32
    %dma_start3A_128 = tpu.memref_slice %arg4[%dma_start3A_127, %multiple_of3A_88] : memref<16x1000000xf32, #tpu.memory_space<hbm>> -> memref<8x128xf32, #tpu.memory_space<hbm>>
    %dma_start3A_129 = tpu.memref_slice %arg12[%rem3A_6] : memref<3x!tpu.dma_semaphore, #tpu.memory_space<semaphore_mem>> -> memref<1x!tpu.dma_semaphore, #tpu.memory_space<semaphore_mem>>
    %dma_start3A_130 = tpu.memref_squeeze %dma_start3A_129 : memref<1x!tpu.dma_semaphore, #tpu.memory_space<semaphore_mem>> -> memref<!tpu.dma_semaphore, #tpu.memory_space<semaphore_mem>>
    %dma_start3A_131 = arith.constant 8 : i32
    %dma_start3A_132 = arith.constant 0 : i32
    %dma_start3A_133 = tpu.memref_slice %arg10[%rem3A_6, %dma_start3A_122, %dma_start3A_131, %dma_start3A_132] : memref<3x16x16x128xf32, #tpu.memory_space<vmem>> -> memref<1x1x8x128xf32, #tpu.memory_space<vmem>>
    %dma_start3A_134 = tpu.memref_squeeze %dma_start3A_133 : memref<1x1x8x128xf32, #tpu.memory_space<vmem>> -> memref<8x128xf32, #tpu.memory_space<vmem>>
    %dma_start3A_135 = arith.constant 8 : i32
    %dma_start3A_136 = tpu.memref_slice %arg4[%dma_start3A_135, %multiple_of3A_88] : memref<16x1000000xf32, #tpu.memory_space<hbm>> -> memref<8x128xf32, #tpu.memory_space<hbm>>
    tpu.enqueue_dma source(%dma_start3A_136 : memref<8x128xf32, #tpu.memory_space<hbm>>) target(%dma_start3A_134 : memref<8x128xf32, #tpu.memory_space<vmem>>) target_semaphore(%dma_start3A_130 : memref<!tpu.dma_semaphore, #tpu.memory_space<semaphore_mem>>)
    %dma_start3A_137 = arith.constant 9 : i32
    %dma_start3A_138 = arith.constant 8 : i32
    %dma_start3A_139 = arith.constant 0 : i32
    %dma_start3A_140 = tpu.memref_slice %arg10[%rem3A_6, %dma_start3A_137, %dma_start3A_138, %dma_start3A_139] : memref<3x16x16x128xf32, #tpu.memory_space<vmem>> -> memref<1x1x8x128xf32, #tpu.memory_space<vmem>>
    %dma_start3A_141 = tpu.memref_squeeze %dma_start3A_140 : memref<1x1x8x128xf32, #tpu.memory_space<vmem>> -> memref<8x128xf32, #tpu.memory_space<vmem>>
    %dma_start3A_142 = arith.constant 8 : i32
    %dma_start3A_143 = tpu.memref_slice %arg5[%dma_start3A_142, %multiple_of3A_91] : memref<16x1000000xf32, #tpu.memory_space<hbm>> -> memref<8x128xf32, #tpu.memory_space<hbm>>
    %dma_start3A_144 = tpu.memref_slice %arg12[%rem3A_6] : memref<3x!tpu.dma_semaphore, #tpu.memory_space<semaphore_mem>> -> memref<1x!tpu.dma_semaphore, #tpu.memory_space<semaphore_mem>>
    %dma_start3A_145 = tpu.memref_squeeze %dma_start3A_144 : memref<1x!tpu.dma_semaphore, #tpu.memory_space<semaphore_mem>> -> memref<!tpu.dma_semaphore, #tpu.memory_space<semaphore_mem>>
    %dma_start3A_146 = arith.constant 8 : i32
    %dma_start3A_147 = arith.constant 0 : i32
    %dma_start3A_148 = tpu.memref_slice %arg10[%rem3A_6, %dma_start3A_137, %dma_start3A_146, %dma_start3A_147] : memref<3x16x16x128xf32, #tpu.memory_space<vmem>> -> memref<1x1x8x128xf32, #tpu.memory_space<vmem>>
    %dma_start3A_149 = tpu.memref_squeeze %dma_start3A_148 : memref<1x1x8x128xf32, #tpu.memory_space<vmem>> -> memref<8x128xf32, #tpu.memory_space<vmem>>
    %dma_start3A_150 = arith.constant 8 : i32
    %dma_start3A_151 = tpu.memref_slice %arg5[%dma_start3A_150, %multiple_of3A_91] : memref<16x1000000xf32, #tpu.memory_space<hbm>> -> memref<8x128xf32, #tpu.memory_space<hbm>>
    tpu.enqueue_dma source(%dma_start3A_151 : memref<8x128xf32, #tpu.memory_space<hbm>>) target(%dma_start3A_149 : memref<8x128xf32, #tpu.memory_space<vmem>>) target_semaphore(%dma_start3A_145 : memref<!tpu.dma_semaphore, #tpu.memory_space<semaphore_mem>>)
    %slice3A_152 = vector.extract_strided_slice %shift_left3A_17 {offsets = [2], sizes = [1], strides = [1]} : vector<16xi32> to vector<1xi32>
    %squeeze3A_153 = vector.extract %slice3A_152[0] : i32 from vector<1xi32>
    %multiple_of3A_154 = tpu.assume_multiple %squeeze3A_153, 128 : i32
    %slice3A_155 = vector.extract_strided_slice %shift_left3A_23 {offsets = [2], sizes = [1], strides = [1]} : vector<16xi32> to vector<1xi32>
    %squeeze3A_156 = vector.extract %slice3A_155[0] : i32 from vector<1xi32>
    %multiple_of3A_157 = tpu.assume_multiple %squeeze3A_156, 128 : i32
    %dma_start3A_158 = arith.constant 2 : i32
    %dma_start3A_159 = arith.constant 0 : i32
    %dma_start3A_160 = arith.constant 0 : i32
    %dma_start3A_161 = tpu.memref_slice %arg10[%rem3A_6, %dma_start3A_158, %dma_start3A_159, %dma_start3A_160] : memref<3x16x16x128xf32, #tpu.memory_space<vmem>> -> memref<1x1x8x128xf32, #tpu.memory_space<vmem>>
    %dma_start3A_162 = tpu.memref_squeeze %dma_start3A_161 : memref<1x1x8x128xf32, #tpu.memory_space<vmem>> -> memref<8x128xf32, #tpu.memory_space<vmem>>
    %dma_start3A_163 = arith.constant 0 : i32
    %dma_start3A_164 = tpu.memref_slice %arg4[%dma_start3A_163, %multiple_of3A_154] : memref<16x1000000xf32, #tpu.memory_space<hbm>> -> memref<8x128xf32, #tpu.memory_space<hbm>>
    %dma_start3A_165 = tpu.memref_slice %arg12[%rem3A_6] : memref<3x!tpu.dma_semaphore, #tpu.memory_space<semaphore_mem>> -> memref<1x!tpu.dma_semaphore, #tpu.memory_space<semaphore_mem>>
    %dma_start3A_166 = tpu.memref_squeeze %dma_start3A_165 : memref<1x!tpu.dma_semaphore, #tpu.memory_space<semaphore_mem>> -> memref<!tpu.dma_semaphore, #tpu.memory_space<semaphore_mem>>
    %dma_start3A_167 = arith.constant 0 : i32
    %dma_start3A_168 = arith.constant 0 : i32
    %dma_start3A_169 = tpu.memref_slice %arg10[%rem3A_6, %dma_start3A_158, %dma_start3A_167, %dma_start3A_168] : memref<3x16x16x128xf32, #tpu.memory_space<vmem>> -> memref<1x1x8x128xf32, #tpu.memory_space<vmem>>
    %dma_start3A_170 = tpu.memref_squeeze %dma_start3A_169 : memref<1x1x8x128xf32, #tpu.memory_space<vmem>> -> memref<8x128xf32, #tpu.memory_space<vmem>>
    %dma_start3A_171 = arith.constant 0 : i32
    %dma_start3A_172 = tpu.memref_slice %arg4[%dma_start3A_171, %multiple_of3A_154] : memref<16x1000000xf32, #tpu.memory_space<hbm>> -> memref<8x128xf32, #tpu.memory_space<hbm>>
    tpu.enqueue_dma source(%dma_start3A_172 : memref<8x128xf32, #tpu.memory_space<hbm>>) target(%dma_start3A_170 : memref<8x128xf32, #tpu.memory_space<vmem>>) target_semaphore(%dma_start3A_166 : memref<!tpu.dma_semaphore, #tpu.memory_space<semaphore_mem>>)
    %dma_start3A_173 = arith.constant 10 : i32
    %dma_start3A_174 = arith.constant 0 : i32
    %dma_start3A_175 = arith.constant 0 : i32
    %dma_start3A_176 = tpu.memref_slice %arg10[%rem3A_6, %dma_start3A_173, %dma_start3A_174, %dma_start3A_175] : memref<3x16x16x128xf32, #tpu.memory_space<vmem>> -> memref<1x1x8x128xf32, #tpu.memory_space<vmem>>
    %dma_start3A_177 = tpu.memref_squeeze %dma_start3A_176 : memref<1x1x8x128xf32, #tpu.memory_space<vmem>> -> memref<8x128xf32, #tpu.memory_space<vmem>>
    %dma_start3A_178 = arith.constant 0 : i32
    %dma_start3A_179 = tpu.memref_slice %arg5[%dma_start3A_178, %multiple_of3A_157] : memref<16x1000000xf32, #tpu.memory_space<hbm>> -> memref<8x128xf32, #tpu.memory_space<hbm>>
    %dma_start3A_180 = tpu.memref_slice %arg12[%rem3A_6] : memref<3x!tpu.dma_semaphore, #tpu.memory_space<semaphore_mem>> -> memref<1x!tpu.dma_semaphore, #tpu.memory_space<semaphore_mem>>
    %dma_start3A_181 = tpu.memref_squeeze %dma_start3A_180 : memref<1x!tpu.dma_semaphore, #tpu.memory_space<semaphore_mem>> -> memref<!tpu.dma_semaphore, #tpu.memory_space<semaphore_mem>>
    %dma_start3A_182 = arith.constant 0 : i32
    %dma_start3A_183 = arith.constant 0 : i32
    %dma_start3A_184 = tpu.memref_slice %arg10[%rem3A_6, %dma_start3A_173, %dma_start3A_182, %dma_start3A_183] : memref<3x16x16x128xf32, #tpu.memory_space<vmem>> -> memref<1x1x8x128xf32, #tpu.memory_space<vmem>>
    %dma_start3A_185 = tpu.memref_squeeze %dma_start3A_184 : memref<1x1x8x128xf32, #tpu.memory_space<vmem>> -> memref<8x128xf32, #tpu.memory_space<vmem>>
    %dma_start3A_186 = arith.constant 0 : i32
    %dma_start3A_187 = tpu.memref_slice %arg5[%dma_start3A_186, %multiple_of3A_157] : memref<16x1000000xf32, #tpu.memory_space<hbm>> -> memref<8x128xf32, #tpu.memory_space<hbm>>
    tpu.enqueue_dma source(%dma_start3A_187 : memref<8x128xf32, #tpu.memory_space<hbm>>) target(%dma_start3A_185 : memref<8x128xf32, #tpu.memory_space<vmem>>) target_semaphore(%dma_start3A_181 : memref<!tpu.dma_semaphore, #tpu.memory_space<semaphore_mem>>)
    %dma_start3A_188 = arith.constant 2 : i32
    %dma_start3A_189 = arith.constant 8 : i32
    %dma_start3A_190 = arith.constant 0 : i32
    %dma_start3A_191 = tpu.memref_slice %arg10[%rem3A_6, %dma_start3A_188, %dma_start3A_189, %dma_start3A_190] : memref<3x16x16x128xf32, #tpu.memory_space<vmem>> -> memref<1x1x8x128xf32, #tpu.memory_space<vmem>>
    %dma_start3A_192 = tpu.memref_squeeze %dma_start3A_191 : memref<1x1x8x128xf32, #tpu.memory_space<vmem>> -> memref<8x128xf32, #tpu.memory_space<vmem>>
    %dma_start3A_193 = arith.constant 8 : i32
    %dma_start3A_194 = tpu.memref_slice %arg4[%dma_start3A_193, %multiple_of3A_154] : memref<16x1000000xf32, #tpu.memory_space<hbm>> -> memref<8x128xf32, #tpu.memory_space<hbm>>
    %dma_start3A_195 = tpu.memref_slice %arg12[%rem3A_6] : memref<3x!tpu.dma_semaphore, #tpu.memory_space<semaphore_mem>> -> memref<1x!tpu.dma_semaphore, #tpu.memory_space<semaphore_mem>>
    %dma_start3A_196 = tpu.memref_squeeze %dma_start3A_195 : memref<1x!tpu.dma_semaphore, #tpu.memory_space<semaphore_mem>> -> memref<!tpu.dma_semaphore, #tpu.memory_space<semaphore_mem>>
    %dma_start3A_197 = arith.constant 8 : i32
    %dma_start3A_198 = arith.constant 0 : i32
    %dma_start3A_199 = tpu.memref_slice %arg10[%rem3A_6, %dma_start3A_188, %dma_start3A_197, %dma_start3A_198] : memref<3x16x16x128xf32, #tpu.memory_space<vmem>> -> memref<1x1x8x128xf32, #tpu.memory_space<vmem>>
    %dma_start3A_200 = tpu.memref_squeeze %dma_start3A_199 : memref<1x1x8x128xf32, #tpu.memory_space<vmem>> -> memref<8x128xf32, #tpu.memory_space<vmem>>
    %dma_start3A_201 = arith.constant 8 : i32
    %dma_start3A_202 = tpu.memref_slice %arg4[%dma_start3A_201, %multiple_of3A_154] : memref<16x1000000xf32, #tpu.memory_space<hbm>> -> memref<8x128xf32, #tpu.memory_space<hbm>>
    tpu.enqueue_dma source(%dma_start3A_202 : memref<8x128xf32, #tpu.memory_space<hbm>>) target(%dma_start3A_200 : memref<8x128xf32, #tpu.memory_space<vmem>>) target_semaphore(%dma_start3A_196 : memref<!tpu.dma_semaphore, #tpu.memory_space<semaphore_mem>>)
    %dma_start3A_203 = arith.constant 10 : i32
    %dma_start3A_204 = arith.constant 8 : i32
    %dma_start3A_205 = arith.constant 0 : i32
    %dma_start3A_206 = tpu.memref_slice %arg10[%rem3A_6, %dma_start3A_203, %dma_start3A_204, %dma_start3A_205] : memref<3x16x16x128xf32, #tpu.memory_space<vmem>> -> memref<1x1x8x128xf32, #tpu.memory_space<vmem>>
    %dma_start3A_207 = tpu.memref_squeeze %dma_start3A_206 : memref<1x1x8x128xf32, #tpu.memory_space<vmem>> -> memref<8x128xf32, #tpu.memory_space<vmem>>
    %dma_start3A_208 = arith.constant 8 : i32
    %dma_start3A_209 = tpu.memref_slice %arg5[%dma_start3A_208, %multiple_of3A_157] : memref<16x1000000xf32, #tpu.memory_space<hbm>> -> memref<8x128xf32, #tpu.memory_space<hbm>>
    %dma_start3A_210 = tpu.memref_slice %arg12[%rem3A_6] : memref<3x!tpu.dma_semaphore, #tpu.memory_space<semaphore_mem>> -> memref<1x!tpu.dma_semaphore, #tpu.memory_space<semaphore_mem>>
    %dma_start3A_211 = tpu.memref_squeeze %dma_start3A_210 : memref<1x!tpu.dma_semaphore, #tpu.memory_space<semaphore_mem>> -> memref<!tpu.dma_semaphore, #tpu.memory_space<semaphore_mem>>
    %dma_start3A_212 = arith.constant 8 : i32
    %dma_start3A_213 = arith.constant 0 : i32
    %dma_start3A_214 = tpu.memref_slice %arg10[%rem3A_6, %dma_start3A_203, %dma_start3A_212, %dma_start3A_213] : memref<3x16x16x128xf32, #tpu.memory_space<vmem>> -> memref<1x1x8x128xf32, #tpu.memory_space<vmem>>
    %dma_start3A_215 = tpu.memref_squeeze %dma_start3A_214 : memref<1x1x8x128xf32, #tpu.memory_space<vmem>> -> memref<8x128xf32, #tpu.memory_space<vmem>>
    %dma_start3A_216 = arith.constant 8 : i32
    %dma_start3A_217 = tpu.memref_slice %arg5[%dma_start3A_216, %multiple_of3A_157] : memref<16x1000000xf32, #tpu.memory_space<hbm>> -> memref<8x128xf32, #tpu.memory_space<hbm>>
    tpu.enqueue_dma source(%dma_start3A_217 : memref<8x128xf32, #tpu.memory_space<hbm>>) target(%dma_start3A_215 : memref<8x128xf32, #tpu.memory_space<vmem>>) target_semaphore(%dma_start3A_211 : memref<!tpu.dma_semaphore, #tpu.memory_space<semaphore_mem>>)
    %slice3A_218 = vector.extract_strided_slice %shift_left3A_17 {offsets = [3], sizes = [1], strides = [1]} : vector<16xi32> to vector<1xi32>
    %squeeze3A_219 = vector.extract %slice3A_218[0] : i32 from vector<1xi32>
    %multiple_of3A_220 = tpu.assume_multiple %squeeze3A_219, 128 : i32
    %slice3A_221 = vector.extract_strided_slice %shift_left3A_23 {offsets = [3], sizes = [1], strides = [1]} : vector<16xi32> to vector<1xi32>
    %squeeze3A_222 = vector.extract %slice3A_221[0] : i32 from vector<1xi32>
    %multiple_of3A_223 = tpu.assume_multiple %squeeze3A_222, 128 : i32
    %dma_start3A_224 = arith.constant 3 : i32
    %dma_start3A_225 = arith.constant 0 : i32
    %dma_start3A_226 = arith.constant 0 : i32
    %dma_start3A_227 = tpu.memref_slice %arg10[%rem3A_6, %dma_start3A_224, %dma_start3A_225, %dma_start3A_226] : memref<3x16x16x128xf32, #tpu.memory_space<vmem>> -> memref<1x1x8x128xf32, #tpu.memory_space<vmem>>
    %dma_start3A_228 = tpu.memref_squeeze %dma_start3A_227 : memref<1x1x8x128xf32, #tpu.memory_space<vmem>> -> memref<8x128xf32, #tpu.memory_space<vmem>>
    %dma_start3A_229 = arith.constant 0 : i32
    %dma_start3A_230 = tpu.memref_slice %arg4[%dma_start3A_229, %multiple_of3A_220] : memref<16x1000000xf32, #tpu.memory_space<hbm>> -> memref<8x128xf32, #tpu.memory_space<hbm>>
    %dma_start3A_231 = tpu.memref_slice %arg12[%rem3A_6] : memref<3x!tpu.dma_semaphore, #tpu.memory_space<semaphore_mem>> -> memref<1x!tpu.dma_semaphore, #tpu.memory_space<semaphore_mem>>
    %dma_start3A_232 = tpu.memref_squeeze %dma_start3A_231 : memref<1x!tpu.dma_semaphore, #tpu.memory_space<semaphore_mem>> -> memref<!tpu.dma_semaphore, #tpu.memory_space<semaphore_mem>>
    %dma_start3A_233 = arith.constant 0 : i32
    %dma_start3A_234 = arith.constant 0 : i32
    %dma_start3A_235 = tpu.memref_slice %arg10[%rem3A_6, %dma_start3A_224, %dma_start3A_233, %dma_start3A_234] : memref<3x16x16x128xf32, #tpu.memory_space<vmem>> -> memref<1x1x8x128xf32, #tpu.memory_space<vmem>>
    %dma_start3A_236 = tpu.memref_squeeze %dma_start3A_235 : memref<1x1x8x128xf32, #tpu.memory_space<vmem>> -> memref<8x128xf32, #tpu.memory_space<vmem>>
    %dma_start3A_237 = arith.constant 0 : i32
    %dma_start3A_238 = tpu.memref_slice %arg4[%dma_start3A_237, %multiple_of3A_220] : memref<16x1000000xf32, #tpu.memory_space<hbm>> -> memref<8x128xf32, #tpu.memory_space<hbm>>
    tpu.enqueue_dma source(%dma_start3A_238 : memref<8x128xf32, #tpu.memory_space<hbm>>) target(%dma_start3A_236 : memref<8x128xf32, #tpu.memory_space<vmem>>) target_semaphore(%dma_start3A_232 : memref<!tpu.dma_semaphore, #tpu.memory_space<semaphore_mem>>)
    %dma_start3A_239 = arith.constant 11 : i32
    %dma_start3A_240 = arith.constant 0 : i32
    %dma_start3A_241 = arith.constant 0 : i32
    %dma_start3A_242 = tpu.memref_slice %arg10[%rem3A_6, %dma_start3A_239, %dma_start3A_240, %dma_start3A_241] : memref<3x16x16x128xf32, #tpu.memory_space<vmem>> -> memref<1x1x8x128xf32, #tpu.memory_space<vmem>>
    %dma_start3A_243 = tpu.memref_squeeze %dma_start3A_242 : memref<1x1x8x128xf32, #tpu.memory_space<vmem>> -> memref<8x128xf32, #tpu.memory_space<vmem>>
    %dma_start3A_244 = arith.constant 0 : i32
    %dma_start3A_245 = tpu.memref_slice %arg5[%dma_start3A_244, %multiple_of3A_223] : memref<16x1000000xf32, #tpu.memory_space<hbm>> -> memref<8x128xf32, #tpu.memory_space<hbm>>
    %dma_start3A_246 = tpu.memref_slice %arg12[%rem3A_6] : memref<3x!tpu.dma_semaphore, #tpu.memory_space<semaphore_mem>> -> memref<1x!tpu.dma_semaphore, #tpu.memory_space<semaphore_mem>>
    %dma_start3A_247 = tpu.memref_squeeze %dma_start3A_246 : memref<1x!tpu.dma_semaphore, #tpu.memory_space<semaphore_mem>> -> memref<!tpu.dma_semaphore, #tpu.memory_space<semaphore_mem>>
    %dma_start3A_248 = arith.constant 0 : i32
    %dma_start3A_249 = arith.constant 0 : i32
    %dma_start3A_250 = tpu.memref_slice %arg10[%rem3A_6, %dma_start3A_239, %dma_start3A_248, %dma_start3A_249] : memref<3x16x16x128xf32, #tpu.memory_space<vmem>> -> memref<1x1x8x128xf32, #tpu.memory_space<vmem>>
    %dma_start3A_251 = tpu.memref_squeeze %dma_start3A_250 : memref<1x1x8x128xf32, #tpu.memory_space<vmem>> -> memref<8x128xf32, #tpu.memory_space<vmem>>
    %dma_start3A_252 = arith.constant 0 : i32
    %dma_start3A_253 = tpu.memref_slice %arg5[%dma_start3A_252, %multiple_of3A_223] : memref<16x1000000xf32, #tpu.memory_space<hbm>> -> memref<8x128xf32, #tpu.memory_space<hbm>>
    tpu.enqueue_dma source(%dma_start3A_253 : memref<8x128xf32, #tpu.memory_space<hbm>>) target(%dma_start3A_251 : memref<8x128xf32, #tpu.memory_space<vmem>>) target_semaphore(%dma_start3A_247 : memref<!tpu.dma_semaphore, #tpu.memory_space<semaphore_mem>>)
    %dma_start3A_254 = arith.constant 3 : i32
    %dma_start3A_255 = arith.constant 8 : i32
    %dma_start3A_256 = arith.constant 0 : i32
    %dma_start3A_257 = tpu.memref_slice %arg10[%rem3A_6, %dma_start3A_254, %dma_start3A_255, %dma_start3A_256] : memref<3x16x16x128xf32, #tpu.memory_space<vmem>> -> memref<1x1x8x128xf32, #tpu.memory_space<vmem>>
    %dma_start3A_258 = tpu.memref_squeeze %dma_start3A_257 : memref<1x1x8x128xf32, #tpu.memory_space<vmem>> -> memref<8x128xf32, #tpu.memory_space<vmem>>
    %dma_start3A_259 = arith.constant 8 : i32
    %dma_start3A_260 = tpu.memref_slice %arg4[%dma_start3A_259, %multiple_of3A_220] : memref<16x1000000xf32, #tpu.memory_space<hbm>> -> memref<8x128xf32, #tpu.memory_space<hbm>>
    %dma_start3A_261 = tpu.memref_slice %arg12[%rem3A_6] : memref<3x!tpu.dma_semaphore, #tpu.memory_space<semaphore_mem>> -> memref<1x!tpu.dma_semaphore, #tpu.memory_space<semaphore_mem>>
    %dma_start3A_262 = tpu.memref_squeeze %dma_start3A_261 : memref<1x!tpu.dma_semaphore, #tpu.memory_space<semaphore_mem>> -> memref<!tpu.dma_semaphore, #tpu.memory_space<semaphore_mem>>
    %dma_start3A_263 = arith.constant 8 : i32
    %dma_start3A_264 = arith.constant 0 : i32
    %dma_start3A_265 = tpu.memref_slice %arg10[%rem3A_6, %dma_start3A_254, %dma_start3A_263, %dma_start3A_264] : memref<3x16x16x128xf32, #tpu.memory_space<vmem>> -> memref<1x1x8x128xf32, #tpu.memory_space<vmem>>
    %dma_start3A_266 = tpu.memref_squeeze %dma_start3A_265 : memref<1x1x8x128xf32, #tpu.memory_space<vmem>> -> memref<8x128xf32, #tpu.memory_space<vmem>>
    %dma_start3A_267 = arith.constant 8 : i32
    %dma_start3A_268 = tpu.memref_slice %arg4[%dma_start3A_267, %multiple_of3A_220] : memref<16x1000000xf32, #tpu.memory_space<hbm>> -> memref<8x128xf32, #tpu.memory_space<hbm>>
    tpu.enqueue_dma source(%dma_start3A_268 : memref<8x128xf32, #tpu.memory_space<hbm>>) target(%dma_start3A_266 : memref<8x128xf32, #tpu.memory_space<vmem>>) target_semaphore(%dma_start3A_262 : memref<!tpu.dma_semaphore, #tpu.memory_space<semaphore_mem>>)
    %dma_start3A_269 = arith.constant 11 : i32
    %dma_start3A_270 = arith.constant 8 : i32
    %dma_start3A_271 = arith.constant 0 : i32
    %dma_start3A_272 = tpu.memref_slice %arg10[%rem3A_6, %dma_start3A_269, %dma_start3A_270, %dma_start3A_271] : memref<3x16x16x128xf32, #tpu.memory_space<vmem>> -> memref<1x1x8x128xf32, #tpu.memory_space<vmem>>
    %dma_start3A_273 = tpu.memref_squeeze %dma_start3A_272 : memref<1x1x8x128xf32, #tpu.memory_space<vmem>> -> memref<8x128xf32, #tpu.memory_space<vmem>>
    %dma_start3A_274 = arith.constant 8 : i32
    %dma_start3A_275 = tpu.memref_slice %arg5[%dma_start3A_274, %multiple_of3A_223] : memref<16x1000000xf32, #tpu.memory_space<hbm>> -> memref<8x128xf32, #tpu.memory_space<hbm>>
    %dma_start3A_276 = tpu.memref_slice %arg12[%rem3A_6] : memref<3x!tpu.dma_semaphore, #tpu.memory_space<semaphore_mem>> -> memref<1x!tpu.dma_semaphore, #tpu.memory_space<semaphore_mem>>
    %dma_start3A_277 = tpu.memref_squeeze %dma_start3A_276 : memref<1x!tpu.dma_semaphore, #tpu.memory_space<semaphore_mem>> -> memref<!tpu.dma_semaphore, #tpu.memory_space<semaphore_mem>>
    %dma_start3A_278 = arith.constant 8 : i32
    %dma_start3A_279 = arith.constant 0 : i32
    %dma_start3A_280 = tpu.memref_slice %arg10[%rem3A_6, %dma_start3A_269, %dma_start3A_278, %dma_start3A_279] : memref<3x16x16x128xf32, #tpu.memory_space<vmem>> -> memref<1x1x8x128xf32, #tpu.memory_space<vmem>>
    %dma_start3A_281 = tpu.memref_squeeze %dma_start3A_280 : memref<1x1x8x128xf32, #tpu.memory_space<vmem>> -> memref<8x128xf32, #tpu.memory_space<vmem>>
    %dma_start3A_282 = arith.constant 8 : i32
    %dma_start3A_283 = tpu.memref_slice %arg5[%dma_start3A_282, %multiple_of3A_223] : memref<16x1000000xf32, #tpu.memory_space<hbm>> -> memref<8x128xf32, #tpu.memory_space<hbm>>
    tpu.enqueue_dma source(%dma_start3A_283 : memref<8x128xf32, #tpu.memory_space<hbm>>) target(%dma_start3A_281 : memref<8x128xf32, #tpu.memory_space<vmem>>) target_semaphore(%dma_start3A_277 : memref<!tpu.dma_semaphore, #tpu.memory_space<semaphore_mem>>)
    %slice3A_284 = vector.extract_strided_slice %shift_left3A_17 {offsets = [4], sizes = [1], strides = [1]} : vector<16xi32> to vector<1xi32>
    %squeeze3A_285 = vector.extract %slice3A_284[0] : i32 from vector<1xi32>
    %multiple_of3A_286 = tpu.assume_multiple %squeeze3A_285, 128 : i32
    %slice3A_287 = vector.extract_strided_slice %shift_left3A_23 {offsets = [4], sizes = [1], strides = [1]} : vector<16xi32> to vector<1xi32>
    %squeeze3A_288 = vector.extract %slice3A_287[0] : i32 from vector<1xi32>
    %multiple_of3A_289 = tpu.assume_multiple %squeeze3A_288, 128 : i32
    %dma_start3A_290 = arith.constant 4 : i32
    %dma_start3A_291 = arith.constant 0 : i32
    %dma_start3A_292 = arith.constant 0 : i32
    %dma_start3A_293 = tpu.memref_slice %arg10[%rem3A_6, %dma_start3A_290, %dma_start3A_291, %dma_start3A_292] : memref<3x16x16x128xf32, #tpu.memory_space<vmem>> -> memref<1x1x8x128xf32, #tpu.memory_space<vmem>>
    %dma_start3A_294 = tpu.memref_squeeze %dma_start3A_293 : memref<1x1x8x128xf32, #tpu.memory_space<vmem>> -> memref<8x128xf32, #tpu.memory_space<vmem>>
    %dma_start3A_295 = arith.constant 0 : i32
    %dma_start3A_296 = tpu.memref_slice %arg4[%dma_start3A_295, %multiple_of3A_286] : memref<16x1000000xf32, #tpu.memory_space<hbm>> -> memref<8x128xf32, #tpu.memory_space<hbm>>
    %dma_start3A_297 = tpu.memref_slice %arg12[%rem3A_6] : memref<3x!tpu.dma_semaphore, #tpu.memory_space<semaphore_mem>> -> memref<1x!tpu.dma_semaphore, #tpu.memory_space<semaphore_mem>>
    %dma_start3A_298 = tpu.memref_squeeze %dma_start3A_297 : memref<1x!tpu.dma_semaphore, #tpu.memory_space<semaphore_mem>> -> memref<!tpu.dma_semaphore, #tpu.memory_space<semaphore_mem>>
    %dma_start3A_299 = arith.constant 0 : i32
    %dma_start3A_300 = arith.constant 0 : i32
    %dma_start3A_301 = tpu.memref_slice %arg10[%rem3A_6, %dma_start3A_290, %dma_start3A_299, %dma_start3A_300] : memref<3x16x16x128xf32, #tpu.memory_space<vmem>> -> memref<1x1x8x128xf32, #tpu.memory_space<vmem>>
    %dma_start3A_302 = tpu.memref_squeeze %dma_start3A_301 : memref<1x1x8x128xf32, #tpu.memory_space<vmem>> -> memref<8x128xf32, #tpu.memory_space<vmem>>
    %dma_start3A_303 = arith.constant 0 : i32
    %dma_start3A_304 = tpu.memref_slice %arg4[%dma_start3A_303, %multiple_of3A_286] : memref<16x1000000xf32, #tpu.memory_space<hbm>> -> memref<8x128xf32, #tpu.memory_space<hbm>>
    tpu.enqueue_dma source(%dma_start3A_304 : memref<8x128xf32, #tpu.memory_space<hbm>>) target(%dma_start3A_302 : memref<8x128xf32, #tpu.memory_space<vmem>>) target_semaphore(%dma_start3A_298 : memref<!tpu.dma_semaphore, #tpu.memory_space<semaphore_mem>>)
    %dma_start3A_305 = arith.constant 12 : i32
    %dma_start3A_306 = arith.constant 0 : i32
    %dma_start3A_307 = arith.constant 0 : i32
    %dma_start3A_308 = tpu.memref_slice %arg10[%rem3A_6, %dma_start3A_305, %dma_start3A_306, %dma_start3A_307] : memref<3x16x16x128xf32, #tpu.memory_space<vmem>> -> memref<1x1x8x128xf32, #tpu.memory_space<vmem>>
    %dma_start3A_309 = tpu.memref_squeeze %dma_start3A_308 : memref<1x1x8x128xf32, #tpu.memory_space<vmem>> -> memref<8x128xf32, #tpu.memory_space<vmem>>
    %dma_start3A_310 = arith.constant 0 : i32
    %dma_start3A_311 = tpu.memref_slice %arg5[%dma_start3A_310, %multiple_of3A_289] : memref<16x1000000xf32, #tpu.memory_space<hbm>> -> memref<8x128xf32, #tpu.memory_space<hbm>>
    %dma_start3A_312 = tpu.memref_slice %arg12[%rem3A_6] : memref<3x!tpu.dma_semaphore, #tpu.memory_space<semaphore_mem>> -> memref<1x!tpu.dma_semaphore, #tpu.memory_space<semaphore_mem>>
    %dma_start3A_313 = tpu.memref_squeeze %dma_start3A_312 : memref<1x!tpu.dma_semaphore, #tpu.memory_space<semaphore_mem>> -> memref<!tpu.dma_semaphore, #tpu.memory_space<semaphore_mem>>
    %dma_start3A_314 = arith.constant 0 : i32
    %dma_start3A_315 = arith.constant 0 : i32
    %dma_start3A_316 = tpu.memref_slice %arg10[%rem3A_6, %dma_start3A_305, %dma_start3A_314, %dma_start3A_315] : memref<3x16x16x128xf32, #tpu.memory_space<vmem>> -> memref<1x1x8x128xf32, #tpu.memory_space<vmem>>
    %dma_start3A_317 = tpu.memref_squeeze %dma_start3A_316 : memref<1x1x8x128xf32, #tpu.memory_space<vmem>> -> memref<8x128xf32, #tpu.memory_space<vmem>>
    %dma_start3A_318 = arith.constant 0 : i32
    %dma_start3A_319 = tpu.memref_slice %arg5[%dma_start3A_318, %multiple_of3A_289] : memref<16x1000000xf32, #tpu.memory_space<hbm>> -> memref<8x128xf32, #tpu.memory_space<hbm>>
    tpu.enqueue_dma source(%dma_start3A_319 : memref<8x128xf32, #tpu.memory_space<hbm>>) target(%dma_start3A_317 : memref<8x128xf32, #tpu.memory_space<vmem>>) target_semaphore(%dma_start3A_313 : memref<!tpu.dma_semaphore, #tpu.memory_space<semaphore_mem>>)
    %dma_start3A_320 = arith.constant 4 : i32
    %dma_start3A_321 = arith.constant 8 : i32
    %dma_start3A_322 = arith.constant 0 : i32
    %dma_start3A_323 = tpu.memref_slice %arg10[%rem3A_6, %dma_start3A_320, %dma_start3A_321, %dma_start3A_322] : memref<3x16x16x128xf32, #tpu.memory_space<vmem>> -> memref<1x1x8x128xf32, #tpu.memory_space<vmem>>
    %dma_start3A_324 = tpu.memref_squeeze %dma_start3A_323 : memref<1x1x8x128xf32, #tpu.memory_space<vmem>> -> memref<8x128xf32, #tpu.memory_space<vmem>>
    %dma_start3A_325 = arith.constant 8 : i32
    %dma_start3A_326 = tpu.memref_slice %arg4[%dma_start3A_325, %multiple_of3A_286] : memref<16x1000000xf32, #tpu.memory_space<hbm>> -> memref<8x128xf32, #tpu.memory_space<hbm>>
    %dma_start3A_327 = tpu.memref_slice %arg12[%rem3A_6] : memref<3x!tpu.dma_semaphore, #tpu.memory_space<semaphore_mem>> -> memref<1x!tpu.dma_semaphore, #tpu.memory_space<semaphore_mem>>
    %dma_start3A_328 = tpu.memref_squeeze %dma_start3A_327 : memref<1x!tpu.dma_semaphore, #tpu.memory_space<semaphore_mem>> -> memref<!tpu.dma_semaphore, #tpu.memory_space<semaphore_mem>>
    %dma_start3A_329 = arith.constant 8 : i32
    %dma_start3A_330 = arith.constant 0 : i32
    %dma_start3A_331 = tpu.memref_slice %arg10[%rem3A_6, %dma_start3A_320, %dma_start3A_329, %dma_start3A_330] : memref<3x16x16x128xf32, #tpu.memory_space<vmem>> -> memref<1x1x8x128xf32, #tpu.memory_space<vmem>>
    %dma_start3A_332 = tpu.memref_squeeze %dma_start3A_331 : memref<1x1x8x128xf32, #tpu.memory_space<vmem>> -> memref<8x128xf32, #tpu.memory_space<vmem>>
    %dma_start3A_333 = arith.constant 8 : i32
    %dma_start3A_334 = tpu.memref_slice %arg4[%dma_start3A_333, %multiple_of3A_286] : memref<16x1000000xf32, #tpu.memory_space<hbm>> -> memref<8x128xf32, #tpu.memory_space<hbm>>
    tpu.enqueue_dma source(%dma_start3A_334 : memref<8x128xf32, #tpu.memory_space<hbm>>) target(%dma_start3A_332 : memref<8x128xf32, #tpu.memory_space<vmem>>) target_semaphore(%dma_start3A_328 : memref<!tpu.dma_semaphore, #tpu.memory_space<semaphore_mem>>)
    %dma_start3A_335 = arith.constant 12 : i32
    %dma_start3A_336 = arith.constant 8 : i32
    %dma_start3A_337 = arith.constant 0 : i32
    %dma_start3A_338 = tpu.memref_slice %arg10[%rem3A_6, %dma_start3A_335, %dma_start3A_336, %dma_start3A_337] : memref<3x16x16x128xf32, #tpu.memory_space<vmem>> -> memref<1x1x8x128xf32, #tpu.memory_space<vmem>>
    %dma_start3A_339 = tpu.memref_squeeze %dma_start3A_338 : memref<1x1x8x128xf32, #tpu.memory_space<vmem>> -> memref<8x128xf32, #tpu.memory_space<vmem>>
    %dma_start3A_340 = arith.constant 8 : i32
    %dma_start3A_341 = tpu.memref_slice %arg5[%dma_start3A_340, %multiple_of3A_289] : memref<16x1000000xf32, #tpu.memory_space<hbm>> -> memref<8x128xf32, #tpu.memory_space<hbm>>
    %dma_start3A_342 = tpu.memref_slice %arg12[%rem3A_6] : memref<3x!tpu.dma_semaphore, #tpu.memory_space<semaphore_mem>> -> memref<1x!tpu.dma_semaphore, #tpu.memory_space<semaphore_mem>>
    %dma_start3A_343 = tpu.memref_squeeze %dma_start3A_342 : memref<1x!tpu.dma_semaphore, #tpu.memory_space<semaphore_mem>> -> memref<!tpu.dma_semaphore, #tpu.memory_space<semaphore_mem>>
    %dma_start3A_344 = arith.constant 8 : i32
    %dma_start3A_345 = arith.constant 0 : i32
    %dma_start3A_346 = tpu.memref_slice %arg10[%rem3A_6, %dma_start3A_335, %dma_start3A_344, %dma_start3A_345] : memref<3x16x16x128xf32, #tpu.memory_space<vmem>> -> memref<1x1x8x128xf32, #tpu.memory_space<vmem>>
    %dma_start3A_347 = tpu.memref_squeeze %dma_start3A_346 : memref<1x1x8x128xf32, #tpu.memory_space<vmem>> -> memref<8x128xf32, #tpu.memory_space<vmem>>
    %dma_start3A_348 = arith.constant 8 : i32
    %dma_start3A_349 = tpu.memref_slice %arg5[%dma_start3A_348, %multiple_of3A_289] : memref<16x1000000xf32, #tpu.memory_space<hbm>> -> memref<8x128xf32, #tpu.memory_space<hbm>>
    tpu.enqueue_dma source(%dma_start3A_349 : memref<8x128xf32, #tpu.memory_space<hbm>>) target(%dma_start3A_347 : memref<8x128xf32, #tpu.memory_space<vmem>>) target_semaphore(%dma_start3A_343 : memref<!tpu.dma_semaphore, #tpu.memory_space<semaphore_mem>>)
    %slice3A_350 = vector.extract_strided_slice %shift_left3A_17 {offsets = [5], sizes = [1], strides = [1]} : vector<16xi32> to vector<1xi32>
    %squeeze3A_351 = vector.extract %slice3A_350[0] : i32 from vector<1xi32>
    %multiple_of3A_352 = tpu.assume_multiple %squeeze3A_351, 128 : i32
    %slice3A_353 = vector.extract_strided_slice %shift_left3A_23 {offsets = [5], sizes = [1], strides = [1]} : vector<16xi32> to vector<1xi32>
    %squeeze3A_354 = vector.extract %slice3A_353[0] : i32 from vector<1xi32>
    %multiple_of3A_355 = tpu.assume_multiple %squeeze3A_354, 128 : i32
    %dma_start3A_356 = arith.constant 5 : i32
    %dma_start3A_357 = arith.constant 0 : i32
    %dma_start3A_358 = arith.constant 0 : i32
    %dma_start3A_359 = tpu.memref_slice %arg10[%rem3A_6, %dma_start3A_356, %dma_start3A_357, %dma_start3A_358] : memref<3x16x16x128xf32, #tpu.memory_space<vmem>> -> memref<1x1x8x128xf32, #tpu.memory_space<vmem>>
    %dma_start3A_360 = tpu.memref_squeeze %dma_start3A_359 : memref<1x1x8x128xf32, #tpu.memory_space<vmem>> -> memref<8x128xf32, #tpu.memory_space<vmem>>
    %dma_start3A_361 = arith.constant 0 : i32
    %dma_start3A_362 = tpu.memref_slice %arg4[%dma_start3A_361, %multiple_of3A_352] : memref<16x1000000xf32, #tpu.memory_space<hbm>> -> memref<8x128xf32, #tpu.memory_space<hbm>>
    %dma_start3A_363 = tpu.memref_slice %arg12[%rem3A_6] : memref<3x!tpu.dma_semaphore, #tpu.memory_space<semaphore_mem>> -> memref<1x!tpu.dma_semaphore, #tpu.memory_space<semaphore_mem>>
    %dma_start3A_364 = tpu.memref_squeeze %dma_start3A_363 : memref<1x!tpu.dma_semaphore, #tpu.memory_space<semaphore_mem>> -> memref<!tpu.dma_semaphore, #tpu.memory_space<semaphore_mem>>
    %dma_start3A_365 = arith.constant 0 : i32
    %dma_start3A_366 = arith.constant 0 : i32
    %dma_start3A_367 = tpu.memref_slice %arg10[%rem3A_6, %dma_start3A_356, %dma_start3A_365, %dma_start3A_366] : memref<3x16x16x128xf32, #tpu.memory_space<vmem>> -> memref<1x1x8x128xf32, #tpu.memory_space<vmem>>
    %dma_start3A_368 = tpu.memref_squeeze %dma_start3A_367 : memref<1x1x8x128xf32, #tpu.memory_space<vmem>> -> memref<8x128xf32, #tpu.memory_space<vmem>>
    %dma_start3A_369 = arith.constant 0 : i32
    %dma_start3A_370 = tpu.memref_slice %arg4[%dma_start3A_369, %multiple_of3A_352] : memref<16x1000000xf32, #tpu.memory_space<hbm>> -> memref<8x128xf32, #tpu.memory_space<hbm>>
    tpu.enqueue_dma source(%dma_start3A_370 : memref<8x128xf32, #tpu.memory_space<hbm>>) target(%dma_start3A_368 : memref<8x128xf32, #tpu.memory_space<vmem>>) target_semaphore(%dma_start3A_364 : memref<!tpu.dma_semaphore, #tpu.memory_space<semaphore_mem>>)
    %dma_start3A_371 = arith.constant 13 : i32
    %dma_start3A_372 = arith.constant 0 : i32
    %dma_start3A_373 = arith.constant 0 : i32
    %dma_start3A_374 = tpu.memref_slice %arg10[%rem3A_6, %dma_start3A_371, %dma_start3A_372, %dma_start3A_373] : memref<3x16x16x128xf32, #tpu.memory_space<vmem>> -> memref<1x1x8x128xf32, #tpu.memory_space<vmem>>
    %dma_start3A_375 = tpu.memref_squeeze %dma_start3A_374 : memref<1x1x8x128xf32, #tpu.memory_space<vmem>> -> memref<8x128xf32, #tpu.memory_space<vmem>>
    %dma_start3A_376 = arith.constant 0 : i32
    %dma_start3A_377 = tpu.memref_slice %arg5[%dma_start3A_376, %multiple_of3A_355] : memref<16x1000000xf32, #tpu.memory_space<hbm>> -> memref<8x128xf32, #tpu.memory_space<hbm>>
    %dma_start3A_378 = tpu.memref_slice %arg12[%rem3A_6] : memref<3x!tpu.dma_semaphore, #tpu.memory_space<semaphore_mem>> -> memref<1x!tpu.dma_semaphore, #tpu.memory_space<semaphore_mem>>
    %dma_start3A_379 = tpu.memref_squeeze %dma_start3A_378 : memref<1x!tpu.dma_semaphore, #tpu.memory_space<semaphore_mem>> -> memref<!tpu.dma_semaphore, #tpu.memory_space<semaphore_mem>>
    %dma_start3A_380 = arith.constant 0 : i32
    %dma_start3A_381 = arith.constant 0 : i32
    %dma_start3A_382 = tpu.memref_slice %arg10[%rem3A_6, %dma_start3A_371, %dma_start3A_380, %dma_start3A_381] : memref<3x16x16x128xf32, #tpu.memory_space<vmem>> -> memref<1x1x8x128xf32, #tpu.memory_space<vmem>>
    %dma_start3A_383 = tpu.memref_squeeze %dma_start3A_382 : memref<1x1x8x128xf32, #tpu.memory_space<vmem>> -> memref<8x128xf32, #tpu.memory_space<vmem>>
    %dma_start3A_384 = arith.constant 0 : i32
    %dma_start3A_385 = tpu.memref_slice %arg5[%dma_start3A_384, %multiple_of3A_355] : memref<16x1000000xf32, #tpu.memory_space<hbm>> -> memref<8x128xf32, #tpu.memory_space<hbm>>
    tpu.enqueue_dma source(%dma_start3A_385 : memref<8x128xf32, #tpu.memory_space<hbm>>) target(%dma_start3A_383 : memref<8x128xf32, #tpu.memory_space<vmem>>) target_semaphore(%dma_start3A_379 : memref<!tpu.dma_semaphore, #tpu.memory_space<semaphore_mem>>)
    %dma_start3A_386 = arith.constant 5 : i32
    %dma_start3A_387 = arith.constant 8 : i32
    %dma_start3A_388 = arith.constant 0 : i32
    %dma_start3A_389 = tpu.memref_slice %arg10[%rem3A_6, %dma_start3A_386, %dma_start3A_387, %dma_start3A_388] : memref<3x16x16x128xf32, #tpu.memory_space<vmem>> -> memref<1x1x8x128xf32, #tpu.memory_space<vmem>>
    %dma_start3A_390 = tpu.memref_squeeze %dma_start3A_389 : memref<1x1x8x128xf32, #tpu.memory_space<vmem>> -> memref<8x128xf32, #tpu.memory_space<vmem>>
    %dma_start3A_391 = arith.constant 8 : i32
    %dma_start3A_392 = tpu.memref_slice %arg4[%dma_start3A_391, %multiple_of3A_352] : memref<16x1000000xf32, #tpu.memory_space<hbm>> -> memref<8x128xf32, #tpu.memory_space<hbm>>
    %dma_start3A_393 = tpu.memref_slice %arg12[%rem3A_6] : memref<3x!tpu.dma_semaphore, #tpu.memory_space<semaphore_mem>> -> memref<1x!tpu.dma_semaphore, #tpu.memory_space<semaphore_mem>>
    %dma_start3A_394 = tpu.memref_squeeze %dma_start3A_393 : memref<1x!tpu.dma_semaphore, #tpu.memory_space<semaphore_mem>> -> memref<!tpu.dma_semaphore, #tpu.memory_space<semaphore_mem>>
    %dma_start3A_395 = arith.constant 8 : i32
    %dma_start3A_396 = arith.constant 0 : i32
    %dma_start3A_397 = tpu.memref_slice %arg10[%rem3A_6, %dma_start3A_386, %dma_start3A_395, %dma_start3A_396] : memref<3x16x16x128xf32, #tpu.memory_space<vmem>> -> memref<1x1x8x128xf32, #tpu.memory_space<vmem>>
    %dma_start3A_398 = tpu.memref_squeeze %dma_start3A_397 : memref<1x1x8x128xf32, #tpu.memory_space<vmem>> -> memref<8x128xf32, #tpu.memory_space<vmem>>
    %dma_start3A_399 = arith.constant 8 : i32
    %dma_start3A_400 = tpu.memref_slice %arg4[%dma_start3A_399, %multiple_of3A_352] : memref<16x1000000xf32, #tpu.memory_space<hbm>> -> memref<8x128xf32, #tpu.memory_space<hbm>>
    tpu.enqueue_dma source(%dma_start3A_400 : memref<8x128xf32, #tpu.memory_space<hbm>>) target(%dma_start3A_398 : memref<8x128xf32, #tpu.memory_space<vmem>>) target_semaphore(%dma_start3A_394 : memref<!tpu.dma_semaphore, #tpu.memory_space<semaphore_mem>>)
    %dma_start3A_401 = arith.constant 13 : i32
    %dma_start3A_402 = arith.constant 8 : i32
    %dma_start3A_403 = arith.constant 0 : i32
    %dma_start3A_404 = tpu.memref_slice %arg10[%rem3A_6, %dma_start3A_401, %dma_start3A_402, %dma_start3A_403] : memref<3x16x16x128xf32, #tpu.memory_space<vmem>> -> memref<1x1x8x128xf32, #tpu.memory_space<vmem>>
    %dma_start3A_405 = tpu.memref_squeeze %dma_start3A_404 : memref<1x1x8x128xf32, #tpu.memory_space<vmem>> -> memref<8x128xf32, #tpu.memory_space<vmem>>
    %dma_start3A_406 = arith.constant 8 : i32
    %dma_start3A_407 = tpu.memref_slice %arg5[%dma_start3A_406, %multiple_of3A_355] : memref<16x1000000xf32, #tpu.memory_space<hbm>> -> memref<8x128xf32, #tpu.memory_space<hbm>>
    %dma_start3A_408 = tpu.memref_slice %arg12[%rem3A_6] : memref<3x!tpu.dma_semaphore, #tpu.memory_space<semaphore_mem>> -> memref<1x!tpu.dma_semaphore, #tpu.memory_space<semaphore_mem>>
    %dma_start3A_409 = tpu.memref_squeeze %dma_start3A_408 : memref<1x!tpu.dma_semaphore, #tpu.memory_space<semaphore_mem>> -> memref<!tpu.dma_semaphore, #tpu.memory_space<semaphore_mem>>
    %dma_start3A_410 = arith.constant 8 : i32
    %dma_start3A_411 = arith.constant 0 : i32
    %dma_start3A_412 = tpu.memref_slice %arg10[%rem3A_6, %dma_start3A_401, %dma_start3A_410, %dma_start3A_411] : memref<3x16x16x128xf32, #tpu.memory_space<vmem>> -> memref<1x1x8x128xf32, #tpu.memory_space<vmem>>
    %dma_start3A_413 = tpu.memref_squeeze %dma_start3A_412 : memref<1x1x8x128xf32, #tpu.memory_space<vmem>> -> memref<8x128xf32, #tpu.memory_space<vmem>>
    %dma_start3A_414 = arith.constant 8 : i32
    %dma_start3A_415 = tpu.memref_slice %arg5[%dma_start3A_414, %multiple_of3A_355] : memref<16x1000000xf32, #tpu.memory_space<hbm>> -> memref<8x128xf32, #tpu.memory_space<hbm>>
    tpu.enqueue_dma source(%dma_start3A_415 : memref<8x128xf32, #tpu.memory_space<hbm>>) target(%dma_start3A_413 : memref<8x128xf32, #tpu.memory_space<vmem>>) target_semaphore(%dma_start3A_409 : memref<!tpu.dma_semaphore, #tpu.memory_space<semaphore_mem>>)
    %slice3A_416 = vector.extract_strided_slice %shift_left3A_17 {offsets = [6], sizes = [1], strides = [1]} : vector<16xi32> to vector<1xi32>
    %squeeze3A_417 = vector.extract %slice3A_416[0] : i32 from vector<1xi32>
    %multiple_of3A_418 = tpu.assume_multiple %squeeze3A_417, 128 : i32
    %slice3A_419 = vector.extract_strided_slice %shift_left3A_23 {offsets = [6], sizes = [1], strides = [1]} : vector<16xi32> to vector<1xi32>
    %squeeze3A_420 = vector.extract %slice3A_419[0] : i32 from vector<1xi32>
    %multiple_of3A_421 = tpu.assume_multiple %squeeze3A_420, 128 : i32
    %dma_start3A_422 = arith.constant 6 : i32
    %dma_start3A_423 = arith.constant 0 : i32
    %dma_start3A_424 = arith.constant 0 : i32
    %dma_start3A_425 = tpu.memref_slice %arg10[%rem3A_6, %dma_start3A_422, %dma_start3A_423, %dma_start3A_424] : memref<3x16x16x128xf32, #tpu.memory_space<vmem>> -> memref<1x1x8x128xf32, #tpu.memory_space<vmem>>
    %dma_start3A_426 = tpu.memref_squeeze %dma_start3A_425 : memref<1x1x8x128xf32, #tpu.memory_space<vmem>> -> memref<8x128xf32, #tpu.memory_space<vmem>>
    %dma_start3A_427 = arith.constant 0 : i32
    %dma_start3A_428 = tpu.memref_slice %arg4[%dma_start3A_427, %multiple_of3A_418] : memref<16x1000000xf32, #tpu.memory_space<hbm>> -> memref<8x128xf32, #tpu.memory_space<hbm>>
    %dma_start3A_429 = tpu.memref_slice %arg12[%rem3A_6] : memref<3x!tpu.dma_semaphore, #tpu.memory_space<semaphore_mem>> -> memref<1x!tpu.dma_semaphore, #tpu.memory_space<semaphore_mem>>
    %dma_start3A_430 = tpu.memref_squeeze %dma_start3A_429 : memref<1x!tpu.dma_semaphore, #tpu.memory_space<semaphore_mem>> -> memref<!tpu.dma_semaphore, #tpu.memory_space<semaphore_mem>>
    %dma_start3A_431 = arith.constant 0 : i32
    %dma_start3A_432 = arith.constant 0 : i32
    %dma_start3A_433 = tpu.memref_slice %arg10[%rem3A_6, %dma_start3A_422, %dma_start3A_431, %dma_start3A_432] : memref<3x16x16x128xf32, #tpu.memory_space<vmem>> -> memref<1x1x8x128xf32, #tpu.memory_space<vmem>>
    %dma_start3A_434 = tpu.memref_squeeze %dma_start3A_433 : memref<1x1x8x128xf32, #tpu.memory_space<vmem>> -> memref<8x128xf32, #tpu.memory_space<vmem>>
    %dma_start3A_435 = arith.constant 0 : i32
    %dma_start3A_436 = tpu.memref_slice %arg4[%dma_start3A_435, %multiple_of3A_418] : memref<16x1000000xf32, #tpu.memory_space<hbm>> -> memref<8x128xf32, #tpu.memory_space<hbm>>
    tpu.enqueue_dma source(%dma_start3A_436 : memref<8x128xf32, #tpu.memory_space<hbm>>) target(%dma_start3A_434 : memref<8x128xf32, #tpu.memory_space<vmem>>) target_semaphore(%dma_start3A_430 : memref<!tpu.dma_semaphore, #tpu.memory_space<semaphore_mem>>)
    %dma_start3A_437 = arith.constant 14 : i32
    %dma_start3A_438 = arith.constant 0 : i32
    %dma_start3A_439 = arith.constant 0 : i32
    %dma_start3A_440 = tpu.memref_slice %arg10[%rem3A_6, %dma_start3A_437, %dma_start3A_438, %dma_start3A_439] : memref<3x16x16x128xf32, #tpu.memory_space<vmem>> -> memref<1x1x8x128xf32, #tpu.memory_space<vmem>>
    %dma_start3A_441 = tpu.memref_squeeze %dma_start3A_440 : memref<1x1x8x128xf32, #tpu.memory_space<vmem>> -> memref<8x128xf32, #tpu.memory_space<vmem>>
    %dma_start3A_442 = arith.constant 0 : i32
    %dma_start3A_443 = tpu.memref_slice %arg5[%dma_start3A_442, %multiple_of3A_421] : memref<16x1000000xf32, #tpu.memory_space<hbm>> -> memref<8x128xf32, #tpu.memory_space<hbm>>
    %dma_start3A_444 = tpu.memref_slice %arg12[%rem3A_6] : memref<3x!tpu.dma_semaphore, #tpu.memory_space<semaphore_mem>> -> memref<1x!tpu.dma_semaphore, #tpu.memory_space<semaphore_mem>>
    %dma_start3A_445 = tpu.memref_squeeze %dma_start3A_444 : memref<1x!tpu.dma_semaphore, #tpu.memory_space<semaphore_mem>> -> memref<!tpu.dma_semaphore, #tpu.memory_space<semaphore_mem>>
    %dma_start3A_446 = arith.constant 0 : i32
    %dma_start3A_447 = arith.constant 0 : i32
    %dma_start3A_448 = tpu.memref_slice %arg10[%rem3A_6, %dma_start3A_437, %dma_start3A_446, %dma_start3A_447] : memref<3x16x16x128xf32, #tpu.memory_space<vmem>> -> memref<1x1x8x128xf32, #tpu.memory_space<vmem>>
    %dma_start3A_449 = tpu.memref_squeeze %dma_start3A_448 : memref<1x1x8x128xf32, #tpu.memory_space<vmem>> -> memref<8x128xf32, #tpu.memory_space<vmem>>
    %dma_start3A_450 = arith.constant 0 : i32
    %dma_start3A_451 = tpu.memref_slice %arg5[%dma_start3A_450, %multiple_of3A_421] : memref<16x1000000xf32, #tpu.memory_space<hbm>> -> memref<8x128xf32, #tpu.memory_space<hbm>>
    tpu.enqueue_dma source(%dma_start3A_451 : memref<8x128xf32, #tpu.memory_space<hbm>>) target(%dma_start3A_449 : memref<8x128xf32, #tpu.memory_space<vmem>>) target_semaphore(%dma_start3A_445 : memref<!tpu.dma_semaphore, #tpu.memory_space<semaphore_mem>>)
    %dma_start3A_452 = arith.constant 6 : i32
    %dma_start3A_453 = arith.constant 8 : i32
    %dma_start3A_454 = arith.constant 0 : i32
    %dma_start3A_455 = tpu.memref_slice %arg10[%rem3A_6, %dma_start3A_452, %dma_start3A_453, %dma_start3A_454] : memref<3x16x16x128xf32, #tpu.memory_space<vmem>> -> memref<1x1x8x128xf32, #tpu.memory_space<vmem>>
    %dma_start3A_456 = tpu.memref_squeeze %dma_start3A_455 : memref<1x1x8x128xf32, #tpu.memory_space<vmem>> -> memref<8x128xf32, #tpu.memory_space<vmem>>
    %dma_start3A_457 = arith.constant 8 : i32
    %dma_start3A_458 = tpu.memref_slice %arg4[%dma_start3A_457, %multiple_of3A_418] : memref<16x1000000xf32, #tpu.memory_space<hbm>> -> memref<8x128xf32, #tpu.memory_space<hbm>>
    %dma_start3A_459 = tpu.memref_slice %arg12[%rem3A_6] : memref<3x!tpu.dma_semaphore, #tpu.memory_space<semaphore_mem>> -> memref<1x!tpu.dma_semaphore, #tpu.memory_space<semaphore_mem>>
    %dma_start3A_460 = tpu.memref_squeeze %dma_start3A_459 : memref<1x!tpu.dma_semaphore, #tpu.memory_space<semaphore_mem>> -> memref<!tpu.dma_semaphore, #tpu.memory_space<semaphore_mem>>
    %dma_start3A_461 = arith.constant 8 : i32
    %dma_start3A_462 = arith.constant 0 : i32
    %dma_start3A_463 = tpu.memref_slice %arg10[%rem3A_6, %dma_start3A_452, %dma_start3A_461, %dma_start3A_462] : memref<3x16x16x128xf32, #tpu.memory_space<vmem>> -> memref<1x1x8x128xf32, #tpu.memory_space<vmem>>
    %dma_start3A_464 = tpu.memref_squeeze %dma_start3A_463 : memref<1x1x8x128xf32, #tpu.memory_space<vmem>> -> memref<8x128xf32, #tpu.memory_space<vmem>>
    %dma_start3A_465 = arith.constant 8 : i32
    %dma_start3A_466 = tpu.memref_slice %arg4[%dma_start3A_465, %multiple_of3A_418] : memref<16x1000000xf32, #tpu.memory_space<hbm>> -> memref<8x128xf32, #tpu.memory_space<hbm>>
    tpu.enqueue_dma source(%dma_start3A_466 : memref<8x128xf32, #tpu.memory_space<hbm>>) target(%dma_start3A_464 : memref<8x128xf32, #tpu.memory_space<vmem>>) target_semaphore(%dma_start3A_460 : memref<!tpu.dma_semaphore, #tpu.memory_space<semaphore_mem>>)
    %dma_start3A_467 = arith.constant 14 : i32
    %dma_start3A_468 = arith.constant 8 : i32
    %dma_start3A_469 = arith.constant 0 : i32
    %dma_start3A_470 = tpu.memref_slice %arg10[%rem3A_6, %dma_start3A_467, %dma_start3A_468, %dma_start3A_469] : memref<3x16x16x128xf32, #tpu.memory_space<vmem>> -> memref<1x1x8x128xf32, #tpu.memory_space<vmem>>
    %dma_start3A_471 = tpu.memref_squeeze %dma_start3A_470 : memref<1x1x8x128xf32, #tpu.memory_space<vmem>> -> memref<8x128xf32, #tpu.memory_space<vmem>>
    %dma_start3A_472 = arith.constant 8 : i32
    %dma_start3A_473 = tpu.memref_slice %arg5[%dma_start3A_472, %multiple_of3A_421] : memref<16x1000000xf32, #tpu.memory_space<hbm>> -> memref<8x128xf32, #tpu.memory_space<hbm>>
    %dma_start3A_474 = tpu.memref_slice %arg12[%rem3A_6] : memref<3x!tpu.dma_semaphore, #tpu.memory_space<semaphore_mem>> -> memref<1x!tpu.dma_semaphore, #tpu.memory_space<semaphore_mem>>
    %dma_start3A_475 = tpu.memref_squeeze %dma_start3A_474 : memref<1x!tpu.dma_semaphore, #tpu.memory_space<semaphore_mem>> -> memref<!tpu.dma_semaphore, #tpu.memory_space<semaphore_mem>>
    %dma_start3A_476 = arith.constant 8 : i32
    %dma_start3A_477 = arith.constant 0 : i32
    %dma_start3A_478 = tpu.memref_slice %arg10[%rem3A_6, %dma_start3A_467, %dma_start3A_476, %dma_start3A_477] : memref<3x16x16x128xf32, #tpu.memory_space<vmem>> -> memref<1x1x8x128xf32, #tpu.memory_space<vmem>>
    %dma_start3A_479 = tpu.memref_squeeze %dma_start3A_478 : memref<1x1x8x128xf32, #tpu.memory_space<vmem>> -> memref<8x128xf32, #tpu.memory_space<vmem>>
    %dma_start3A_480 = arith.constant 8 : i32
    %dma_start3A_481 = tpu.memref_slice %arg5[%dma_start3A_480, %multiple_of3A_421] : memref<16x1000000xf32, #tpu.memory_space<hbm>> -> memref<8x128xf32, #tpu.memory_space<hbm>>
    tpu.enqueue_dma source(%dma_start3A_481 : memref<8x128xf32, #tpu.memory_space<hbm>>) target(%dma_start3A_479 : memref<8x128xf32, #tpu.memory_space<vmem>>) target_semaphore(%dma_start3A_475 : memref<!tpu.dma_semaphore, #tpu.memory_space<semaphore_mem>>)
    %slice3A_482 = vector.extract_strided_slice %shift_left3A_17 {offsets = [7], sizes = [1], strides = [1]} : vector<16xi32> to vector<1xi32>
    %squeeze3A_483 = vector.extract %slice3A_482[0] : i32 from vector<1xi32>
    %multiple_of3A_484 = tpu.assume_multiple %squeeze3A_483, 128 : i32
    %slice3A_485 = vector.extract_strided_slice %shift_left3A_23 {offsets = [7], sizes = [1], strides = [1]} : vector<16xi32> to vector<1xi32>
    %squeeze3A_486 = vector.extract %slice3A_485[0] : i32 from vector<1xi32>
    %multiple_of3A_487 = tpu.assume_multiple %squeeze3A_486, 128 : i32
    %dma_start3A_488 = arith.constant 7 : i32
    %dma_start3A_489 = arith.constant 0 : i32
    %dma_start3A_490 = arith.constant 0 : i32
    %dma_start3A_491 = tpu.memref_slice %arg10[%rem3A_6, %dma_start3A_488, %dma_start3A_489, %dma_start3A_490] : memref<3x16x16x128xf32, #tpu.memory_space<vmem>> -> memref<1x1x8x128xf32, #tpu.memory_space<vmem>>
    %dma_start3A_492 = tpu.memref_squeeze %dma_start3A_491 : memref<1x1x8x128xf32, #tpu.memory_space<vmem>> -> memref<8x128xf32, #tpu.memory_space<vmem>>
    %dma_start3A_493 = arith.constant 0 : i32
    %dma_start3A_494 = tpu.memref_slice %arg4[%dma_start3A_493, %multiple_of3A_484] : memref<16x1000000xf32, #tpu.memory_space<hbm>> -> memref<8x128xf32, #tpu.memory_space<hbm>>
    %dma_start3A_495 = tpu.memref_slice %arg12[%rem3A_6] : memref<3x!tpu.dma_semaphore, #tpu.memory_space<semaphore_mem>> -> memref<1x!tpu.dma_semaphore, #tpu.memory_space<semaphore_mem>>
    %dma_start3A_496 = tpu.memref_squeeze %dma_start3A_495 : memref<1x!tpu.dma_semaphore, #tpu.memory_space<semaphore_mem>> -> memref<!tpu.dma_semaphore, #tpu.memory_space<semaphore_mem>>
    %dma_start3A_497 = arith.constant 0 : i32
    %dma_start3A_498 = arith.constant 0 : i32
    %dma_start3A_499 = tpu.memref_slice %arg10[%rem3A_6, %dma_start3A_488, %dma_start3A_497, %dma_start3A_498] : memref<3x16x16x128xf32, #tpu.memory_space<vmem>> -> memref<1x1x8x128xf32, #tpu.memory_space<vmem>>
    %dma_start3A_500 = tpu.memref_squeeze %dma_start3A_499 : memref<1x1x8x128xf32, #tpu.memory_space<vmem>> -> memref<8x128xf32, #tpu.memory_space<vmem>>
    %dma_start3A_501 = arith.constant 0 : i32
    %dma_start3A_502 = tpu.memref_slice %arg4[%dma_start3A_501, %multiple_of3A_484] : memref<16x1000000xf32, #tpu.memory_space<hbm>> -> memref<8x128xf32, #tpu.memory_space<hbm>>
    tpu.enqueue_dma source(%dma_start3A_502 : memref<8x128xf32, #tpu.memory_space<hbm>>) target(%dma_start3A_500 : memref<8x128xf32, #tpu.memory_space<vmem>>) target_semaphore(%dma_start3A_496 : memref<!tpu.dma_semaphore, #tpu.memory_space<semaphore_mem>>)
    %dma_start3A_503 = arith.constant 15 : i32
    %dma_start3A_504 = arith.constant 0 : i32
    %dma_start3A_505 = arith.constant 0 : i32
    %dma_start3A_506 = tpu.memref_slice %arg10[%rem3A_6, %dma_start3A_503, %dma_start3A_504, %dma_start3A_505] : memref<3x16x16x128xf32, #tpu.memory_space<vmem>> -> memref<1x1x8x128xf32, #tpu.memory_space<vmem>>
    %dma_start3A_507 = tpu.memref_squeeze %dma_start3A_506 : memref<1x1x8x128xf32, #tpu.memory_space<vmem>> -> memref<8x128xf32, #tpu.memory_space<vmem>>
    %dma_start3A_508 = arith.constant 0 : i32
    %dma_start3A_509 = tpu.memref_slice %arg5[%dma_start3A_508, %multiple_of3A_487] : memref<16x1000000xf32, #tpu.memory_space<hbm>> -> memref<8x128xf32, #tpu.memory_space<hbm>>
    %dma_start3A_510 = tpu.memref_slice %arg12[%rem3A_6] : memref<3x!tpu.dma_semaphore, #tpu.memory_space<semaphore_mem>> -> memref<1x!tpu.dma_semaphore, #tpu.memory_space<semaphore_mem>>
    %dma_start3A_511 = tpu.memref_squeeze %dma_start3A_510 : memref<1x!tpu.dma_semaphore, #tpu.memory_space<semaphore_mem>> -> memref<!tpu.dma_semaphore, #tpu.memory_space<semaphore_mem>>
    %dma_start3A_512 = arith.constant 0 : i32
    %dma_start3A_513 = arith.constant 0 : i32
    %dma_start3A_514 = tpu.memref_slice %arg10[%rem3A_6, %dma_start3A_503, %dma_start3A_512, %dma_start3A_513] : memref<3x16x16x128xf32, #tpu.memory_space<vmem>> -> memref<1x1x8x128xf32, #tpu.memory_space<vmem>>
    %dma_start3A_515 = tpu.memref_squeeze %dma_start3A_514 : memref<1x1x8x128xf32, #tpu.memory_space<vmem>> -> memref<8x128xf32, #tpu.memory_space<vmem>>
    %dma_start3A_516 = arith.constant 0 : i32
    %dma_start3A_517 = tpu.memref_slice %arg5[%dma_start3A_516, %multiple_of3A_487] : memref<16x1000000xf32, #tpu.memory_space<hbm>> -> memref<8x128xf32, #tpu.memory_space<hbm>>
    tpu.enqueue_dma source(%dma_start3A_517 : memref<8x128xf32, #tpu.memory_space<hbm>>) target(%dma_start3A_515 : memref<8x128xf32, #tpu.memory_space<vmem>>) target_semaphore(%dma_start3A_511 : memref<!tpu.dma_semaphore, #tpu.memory_space<semaphore_mem>>)
    %dma_start3A_518 = arith.constant 7 : i32
    %dma_start3A_519 = arith.constant 8 : i32
    %dma_start3A_520 = arith.constant 0 : i32
    %dma_start3A_521 = tpu.memref_slice %arg10[%rem3A_6, %dma_start3A_518, %dma_start3A_519, %dma_start3A_520] : memref<3x16x16x128xf32, #tpu.memory_space<vmem>> -> memref<1x1x8x128xf32, #tpu.memory_space<vmem>>
    %dma_start3A_522 = tpu.memref_squeeze %dma_start3A_521 : memref<1x1x8x128xf32, #tpu.memory_space<vmem>> -> memref<8x128xf32, #tpu.memory_space<vmem>>
    %dma_start3A_523 = arith.constant 8 : i32
    %dma_start3A_524 = tpu.memref_slice %arg4[%dma_start3A_523, %multiple_of3A_484] : memref<16x1000000xf32, #tpu.memory_space<hbm>> -> memref<8x128xf32, #tpu.memory_space<hbm>>
    %dma_start3A_525 = tpu.memref_slice %arg12[%rem3A_6] : memref<3x!tpu.dma_semaphore, #tpu.memory_space<semaphore_mem>> -> memref<1x!tpu.dma_semaphore, #tpu.memory_space<semaphore_mem>>
    %dma_start3A_526 = tpu.memref_squeeze %dma_start3A_525 : memref<1x!tpu.dma_semaphore, #tpu.memory_space<semaphore_mem>> -> memref<!tpu.dma_semaphore, #tpu.memory_space<semaphore_mem>>
    %dma_start3A_527 = arith.constant 8 : i32
    %dma_start3A_528 = arith.constant 0 : i32
    %dma_start3A_529 = tpu.memref_slice %arg10[%rem3A_6, %dma_start3A_518, %dma_start3A_527, %dma_start3A_528] : memref<3x16x16x128xf32, #tpu.memory_space<vmem>> -> memref<1x1x8x128xf32, #tpu.memory_space<vmem>>
    %dma_start3A_530 = tpu.memref_squeeze %dma_start3A_529 : memref<1x1x8x128xf32, #tpu.memory_space<vmem>> -> memref<8x128xf32, #tpu.memory_space<vmem>>
    %dma_start3A_531 = arith.constant 8 : i32
    %dma_start3A_532 = tpu.memref_slice %arg4[%dma_start3A_531, %multiple_of3A_484] : memref<16x1000000xf32, #tpu.memory_space<hbm>> -> memref<8x128xf32, #tpu.memory_space<hbm>>
    tpu.enqueue_dma source(%dma_start3A_532 : memref<8x128xf32, #tpu.memory_space<hbm>>) target(%dma_start3A_530 : memref<8x128xf32, #tpu.memory_space<vmem>>) target_semaphore(%dma_start3A_526 : memref<!tpu.dma_semaphore, #tpu.memory_space<semaphore_mem>>)
    %dma_start3A_533 = arith.constant 15 : i32
    %dma_start3A_534 = arith.constant 8 : i32
    %dma_start3A_535 = arith.constant 0 : i32
    %dma_start3A_536 = tpu.memref_slice %arg10[%rem3A_6, %dma_start3A_533, %dma_start3A_534, %dma_start3A_535] : memref<3x16x16x128xf32, #tpu.memory_space<vmem>> -> memref<1x1x8x128xf32, #tpu.memory_space<vmem>>
    %dma_start3A_537 = tpu.memref_squeeze %dma_start3A_536 : memref<1x1x8x128xf32, #tpu.memory_space<vmem>> -> memref<8x128xf32, #tpu.memory_space<vmem>>
    %dma_start3A_538 = arith.constant 8 : i32
    %dma_start3A_539 = tpu.memref_slice %arg5[%dma_start3A_538, %multiple_of3A_487] : memref<16x1000000xf32, #tpu.memory_space<hbm>> -> memref<8x128xf32, #tpu.memory_space<hbm>>
    %dma_start3A_540 = tpu.memref_slice %arg12[%rem3A_6] : memref<3x!tpu.dma_semaphore, #tpu.memory_space<semaphore_mem>> -> memref<1x!tpu.dma_semaphore, #tpu.memory_space<semaphore_mem>>
    %dma_start3A_541 = tpu.memref_squeeze %dma_start3A_540 : memref<1x!tpu.dma_semaphore, #tpu.memory_space<semaphore_mem>> -> memref<!tpu.dma_semaphore, #tpu.memory_space<semaphore_mem>>
    %dma_start3A_542 = arith.constant 8 : i32
    %dma_start3A_543 = arith.constant 0 : i32
    %dma_start3A_544 = tpu.memref_slice %arg10[%rem3A_6, %dma_start3A_533, %dma_start3A_542, %dma_start3A_543] : memref<3x16x16x128xf32, #tpu.memory_space<vmem>> -> memref<1x1x8x128xf32, #tpu.memory_space<vmem>>
    %dma_start3A_545 = tpu.memref_squeeze %dma_start3A_544 : memref<1x1x8x128xf32, #tpu.memory_space<vmem>> -> memref<8x128xf32, #tpu.memory_space<vmem>>
    %dma_start3A_546 = arith.constant 8 : i32
    %dma_start3A_547 = tpu.memref_slice %arg5[%dma_start3A_546, %multiple_of3A_487] : memref<16x1000000xf32, #tpu.memory_space<hbm>> -> memref<8x128xf32, #tpu.memory_space<hbm>>
    tpu.enqueue_dma source(%dma_start3A_547 : memref<8x128xf32, #tpu.memory_space<hbm>>) target(%dma_start3A_545 : memref<8x128xf32, #tpu.memory_space<vmem>>) target_semaphore(%dma_start3A_541 : memref<!tpu.dma_semaphore, #tpu.memory_space<semaphore_mem>>)
    %rem3A_548 = arith.constant 1 : i32
    %rem3A_549 = arith.constant 3 : i32
    %rem3A_550 = arith.remsi %rem3A_548, %rem3A_549 : i32
    %add3A_551 = arith.constant 8 : i32
    %add3A_552 = vector.broadcast %add3A_551 : i32 to vector<16xi32>
    %add3A_553 = arith.addi %add3A_552, %and3A_4 : vector<16xi32>
    %gather3A_554 = tpu.vector_load_idx %arg8[%add3A_553] : memref<512xi32, #tpu.memory_space<vmem>>[vector<16xi32>], vector<16xi32>,
    %add3A_555 = arith.constant 8 : i32
    %add3A_556 = vector.broadcast %add3A_555 : i32 to vector<16xi32>
    %add3A_557 = arith.addi %add3A_556, %and3A_4 : vector<16xi32>
    %gather3A_558 = tpu.vector_load_idx %arg9[%add3A_557] : memref<512xi32, #tpu.memory_space<vmem>>[vector<16xi32>], vector<16xi32>,
    %shift_right_logical3A_559 = arith.constant 7 : i32
    %shift_right_logical3A_560 = vector.broadcast %shift_right_logical3A_559 : i32 to vector<16xi32>
    %shift_right_logical3A_561 = arith.shrui %gather3A_554, %shift_right_logical3A_560 : vector<16xi32>
    %shift_left3A_562 = arith.constant 7 : i32
    %shift_left3A_563 = vector.broadcast %shift_left3A_562 : i32 to vector<16xi32>
    %shift_left3A_564 = arith.shli %shift_right_logical3A_561, %shift_left3A_563 : vector<16xi32>
    %shift_right_logical3A_565 = arith.constant 7 : i32
    %shift_right_logical3A_566 = vector.broadcast %shift_right_logical3A_565 : i32 to vector<16xi32>
    %shift_right_logical3A_567 = arith.shrui %gather3A_558, %shift_right_logical3A_566 : vector<16xi32>
    %shift_left3A_568 = arith.constant 7 : i32
    %shift_left3A_569 = vector.broadcast %shift_left3A_568 : i32 to vector<16xi32>
    %shift_left3A_570 = arith.shli %shift_right_logical3A_567, %shift_left3A_569 : vector<16xi32>
    %slice3A_571 = vector.extract_strided_slice %shift_left3A_564 {offsets = [0], sizes = [1], strides = [1]} : vector<16xi32> to vector<1xi32>
    %squeeze3A_572 = vector.extract %slice3A_571[0] : i32 from vector<1xi32>
    %multiple_of3A_573 = tpu.assume_multiple %squeeze3A_572, 128 : i32
    %slice3A_574 = vector.extract_strided_slice %shift_left3A_570 {offsets = [0], sizes = [1], strides = [1]} : vector<16xi32> to vector<1xi32>
    %squeeze3A_575 = vector.extract %slice3A_574[0] : i32 from vector<1xi32>
    %multiple_of3A_576 = tpu.assume_multiple %squeeze3A_575, 128 : i32
    %dma_start3A_577 = arith.constant 0 : i32
    %dma_start3A_578 = arith.constant 0 : i32
    %dma_start3A_579 = arith.constant 0 : i32
    %dma_start3A_580 = tpu.memref_slice %arg10[%rem3A_550, %dma_start3A_577, %dma_start3A_578, %dma_start3A_579] : memref<3x16x16x128xf32, #tpu.memory_space<vmem>> -> memref<1x1x8x128xf32, #tpu.memory_space<vmem>>
    %dma_start3A_581 = tpu.memref_squeeze %dma_start3A_580 : memref<1x1x8x128xf32, #tpu.memory_space<vmem>> -> memref<8x128xf32, #tpu.memory_space<vmem>>
    %dma_start3A_582 = arith.constant 0 : i32
    %dma_start3A_583 = tpu.memref_slice %arg4[%dma_start3A_582, %multiple_of3A_573] : memref<16x1000000xf32, #tpu.memory_space<hbm>> -> memref<8x128xf32, #tpu.memory_space<hbm>>
    %dma_start3A_584 = tpu.memref_slice %arg12[%rem3A_550] : memref<3x!tpu.dma_semaphore, #tpu.memory_space<semaphore_mem>> -> memref<1x!tpu.dma_semaphore, #tpu.memory_space<semaphore_mem>>
    %dma_start3A_585 = tpu.memref_squeeze %dma_start3A_584 : memref<1x!tpu.dma_semaphore, #tpu.memory_space<semaphore_mem>> -> memref<!tpu.dma_semaphore, #tpu.memory_space<semaphore_mem>>
    %dma_start3A_586 = arith.constant 0 : i32
    %dma_start3A_587 = arith.constant 0 : i32
    %dma_start3A_588 = tpu.memref_slice %arg10[%rem3A_550, %dma_start3A_577, %dma_start3A_586, %dma_start3A_587] : memref<3x16x16x128xf32, #tpu.memory_space<vmem>> -> memref<1x1x8x128xf32, #tpu.memory_space<vmem>>
    %dma_start3A_589 = tpu.memref_squeeze %dma_start3A_588 : memref<1x1x8x128xf32, #tpu.memory_space<vmem>> -> memref<8x128xf32, #tpu.memory_space<vmem>>
    %dma_start3A_590 = arith.constant 0 : i32
    %dma_start3A_591 = tpu.memref_slice %arg4[%dma_start3A_590, %multiple_of3A_573] : memref<16x1000000xf32, #tpu.memory_space<hbm>> -> memref<8x128xf32, #tpu.memory_space<hbm>>
    tpu.enqueue_dma source(%dma_start3A_591 : memref<8x128xf32, #tpu.memory_space<hbm>>) target(%dma_start3A_589 : memref<8x128xf32, #tpu.memory_space<vmem>>) target_semaphore(%dma_start3A_585 : memref<!tpu.dma_semaphore, #tpu.memory_space<semaphore_mem>>)
    %dma_start3A_592 = arith.constant 8 : i32
    %dma_start3A_593 = arith.constant 0 : i32
    %dma_start3A_594 = arith.constant 0 : i32
    %dma_start3A_595 = tpu.memref_slice %arg10[%rem3A_550, %dma_start3A_592, %dma_start3A_593, %dma_start3A_594] : memref<3x16x16x128xf32, #tpu.memory_space<vmem>> -> memref<1x1x8x128xf32, #tpu.memory_space<vmem>>
    %dma_start3A_596 = tpu.memref_squeeze %dma_start3A_595 : memref<1x1x8x128xf32, #tpu.memory_space<vmem>> -> memref<8x128xf32, #tpu.memory_space<vmem>>
    %dma_start3A_597 = arith.constant 0 : i32
    %dma_start3A_598 = tpu.memref_slice %arg5[%dma_start3A_597, %multiple_of3A_576] : memref<16x1000000xf32, #tpu.memory_space<hbm>> -> memref<8x128xf32, #tpu.memory_space<hbm>>
    %dma_start3A_599 = tpu.memref_slice %arg12[%rem3A_550] : memref<3x!tpu.dma_semaphore, #tpu.memory_space<semaphore_mem>> -> memref<1x!tpu.dma_semaphore, #tpu.memory_space<semaphore_mem>>
    %dma_start3A_600 = tpu.memref_squeeze %dma_start3A_599 : memref<1x!tpu.dma_semaphore, #tpu.memory_space<semaphore_mem>> -> memref<!tpu.dma_semaphore, #tpu.memory_space<semaphore_mem>>
    %dma_start3A_601 = arith.constant 0 : i32
    %dma_start3A_602 = arith.constant 0 : i32
    %dma_start3A_603 = tpu.memref_slice %arg10[%rem3A_550, %dma_start3A_592, %dma_start3A_601, %dma_start3A_602] : memref<3x16x16x128xf32, #tpu.memory_space<vmem>> -> memref<1x1x8x128xf32, #tpu.memory_space<vmem>>
    %dma_start3A_604 = tpu.memref_squeeze %dma_start3A_603 : memref<1x1x8x128xf32, #tpu.memory_space<vmem>> -> memref<8x128xf32, #tpu.memory_space<vmem>>
    %dma_start3A_605 = arith.constant 0 : i32
    %dma_start3A_606 = tpu.memref_slice %arg5[%dma_start3A_605, %multiple_of3A_576] : memref<16x1000000xf32, #tpu.memory_space<hbm>> -> memref<8x128xf32, #tpu.memory_space<hbm>>
    tpu.enqueue_dma source(%dma_start3A_606 : memref<8x128xf32, #tpu.memory_space<hbm>>) target(%dma_start3A_604 : memref<8x128xf32, #tpu.memory_space<vmem>>) target_semaphore(%dma_start3A_600 : memref<!tpu.dma_semaphore, #tpu.memory_space<semaphore_mem>>)
    %dma_start3A_607 = arith.constant 0 : i32
    %dma_start3A_608 = arith.constant 8 : i32
    %dma_start3A_609 = arith.constant 0 : i32
    %dma_start3A_610 = tpu.memref_slice %arg10[%rem3A_550, %dma_start3A_607, %dma_start3A_608, %dma_start3A_609] : memref<3x16x16x128xf32, #tpu.memory_space<vmem>> -> memref<1x1x8x128xf32, #tpu.memory_space<vmem>>
    %dma_start3A_611 = tpu.memref_squeeze %dma_start3A_610 : memref<1x1x8x128xf32, #tpu.memory_space<vmem>> -> memref<8x128xf32, #tpu.memory_space<vmem>>
    %dma_start3A_612 = arith.constant 8 : i32
    %dma_start3A_613 = tpu.memref_slice %arg4[%dma_start3A_612, %multiple_of3A_573] : memref<16x1000000xf32, #tpu.memory_space<hbm>> -> memref<8x128xf32, #tpu.memory_space<hbm>>
    %dma_start3A_614 = tpu.memref_slice %arg12[%rem3A_550] : memref<3x!tpu.dma_semaphore, #tpu.memory_space<semaphore_mem>> -> memref<1x!tpu.dma_semaphore, #tpu.memory_space<semaphore_mem>>
    %dma_start3A_615 = tpu.memref_squeeze %dma_start3A_614 : memref<1x!tpu.dma_semaphore, #tpu.memory_space<semaphore_mem>> -> memref<!tpu.dma_semaphore, #tpu.memory_space<semaphore_mem>>
    %dma_start3A_616 = arith.constant 8 : i32
    %dma_start3A_617 = arith.constant 0 : i32
    %dma_start3A_618 = tpu.memref_slice %arg10[%rem3A_550, %dma_start3A_607, %dma_start3A_616, %dma_start3A_617] : memref<3x16x16x128xf32, #tpu.memory_space<vmem>> -> memref<1x1x8x128xf32, #tpu.memory_space<vmem>>
    %dma_start3A_619 = tpu.memref_squeeze %dma_start3A_618 : memref<1x1x8x128xf32, #tpu.memory_space<vmem>> -> memref<8x128xf32, #tpu.memory_space<vmem>>
    %dma_start3A_620 = arith.constant 8 : i32
    %dma_start3A_621 = tpu.memref_slice %arg4[%dma_start3A_620, %multiple_of3A_573] : memref<16x1000000xf32, #tpu.memory_space<hbm>> -> memref<8x128xf32, #tpu.memory_space<hbm>>
    tpu.enqueue_dma source(%dma_start3A_621 : memref<8x128xf32, #tpu.memory_space<hbm>>) target(%dma_start3A_619 : memref<8x128xf32, #tpu.memory_space<vmem>>) target_semaphore(%dma_start3A_615 : memref<!tpu.dma_semaphore, #tpu.memory_space<semaphore_mem>>)
    %dma_start3A_622 = arith.constant 8 : i32
    %dma_start3A_623 = arith.constant 8 : i32
    %dma_start3A_624 = arith.constant 0 : i32
    %dma_start3A_625 = tpu.memref_slice %arg10[%rem3A_550, %dma_start3A_622, %dma_start3A_623, %dma_start3A_624] : memref<3x16x16x128xf32, #tpu.memory_space<vmem>> -> memref<1x1x8x128xf32, #tpu.memory_space<vmem>>
    %dma_start3A_626 = tpu.memref_squeeze %dma_start3A_625 : memref<1x1x8x128xf32, #tpu.memory_space<vmem>> -> memref<8x128xf32, #tpu.memory_space<vmem>>
    %dma_start3A_627 = arith.constant 8 : i32
    %dma_start3A_628 = tpu.memref_slice %arg5[%dma_start3A_627, %multiple_of3A_576] : memref<16x1000000xf32, #tpu.memory_space<hbm>> -> memref<8x128xf32, #tpu.memory_space<hbm>>
    %dma_start3A_629 = tpu.memref_slice %arg12[%rem3A_550] : memref<3x!tpu.dma_semaphore, #tpu.memory_space<semaphore_mem>> -> memref<1x!tpu.dma_semaphore, #tpu.memory_space<semaphore_mem>>
    %dma_start3A_630 = tpu.memref_squeeze %dma_start3A_629 : memref<1x!tpu.dma_semaphore, #tpu.memory_space<semaphore_mem>> -> memref<!tpu.dma_semaphore, #tpu.memory_space<semaphore_mem>>
    %dma_start3A_631 = arith.constant 8 : i32
    %dma_start3A_632 = arith.constant 0 : i32
    %dma_start3A_633 = tpu.memref_slice %arg10[%rem3A_550, %dma_start3A_622, %dma_start3A_631, %dma_start3A_632] : memref<3x16x16x128xf32, #tpu.memory_space<vmem>> -> memref<1x1x8x128xf32, #tpu.memory_space<vmem>>
    %dma_start3A_634 = tpu.memref_squeeze %dma_start3A_633 : memref<1x1x8x128xf32, #tpu.memory_space<vmem>> -> memref<8x128xf32, #tpu.memory_space<vmem>>
    %dma_start3A_635 = arith.constant 8 : i32
    %dma_start3A_636 = tpu.memref_slice %arg5[%dma_start3A_635, %multiple_of3A_576] : memref<16x1000000xf32, #tpu.memory_space<hbm>> -> memref<8x128xf32, #tpu.memory_space<hbm>>
    tpu.enqueue_dma source(%dma_start3A_636 : memref<8x128xf32, #tpu.memory_space<hbm>>) target(%dma_start3A_634 : memref<8x128xf32, #tpu.memory_space<vmem>>) target_semaphore(%dma_start3A_630 : memref<!tpu.dma_semaphore, #tpu.memory_space<semaphore_mem>>)
    %slice3A_637 = vector.extract_strided_slice %shift_left3A_564 {offsets = [1], sizes = [1], strides = [1]} : vector<16xi32> to vector<1xi32>
    %squeeze3A_638 = vector.extract %slice3A_637[0] : i32 from vector<1xi32>
    %multiple_of3A_639 = tpu.assume_multiple %squeeze3A_638, 128 : i32
    %slice3A_640 = vector.extract_strided_slice %shift_left3A_570 {offsets = [1], sizes = [1], strides = [1]} : vector<16xi32> to vector<1xi32>
    %squeeze3A_641 = vector.extract %slice3A_640[0] : i32 from vector<1xi32>
    %multiple_of3A_642 = tpu.assume_multiple %squeeze3A_641, 128 : i32
    %dma_start3A_643 = arith.constant 1 : i32
    %dma_start3A_644 = arith.constant 0 : i32
    %dma_start3A_645 = arith.constant 0 : i32
    %dma_start3A_646 = tpu.memref_slice %arg10[%rem3A_550, %dma_start3A_643, %dma_start3A_644, %dma_start3A_645] : memref<3x16x16x128xf32, #tpu.memory_space<vmem>> -> memref<1x1x8x128xf32, #tpu.memory_space<vmem>>
    %dma_start3A_647 = tpu.memref_squeeze %dma_start3A_646 : memref<1x1x8x128xf32, #tpu.memory_space<vmem>> -> memref<8x128xf32, #tpu.memory_space<vmem>>
    %dma_start3A_648 = arith.constant 0 : i32
    %dma_start3A_649 = tpu.memref_slice %arg4[%dma_start3A_648, %multiple_of3A_639] : memref<16x1000000xf32, #tpu.memory_space<hbm>> -> memref<8x128xf32, #tpu.memory_space<hbm>>
    %dma_start3A_650 = tpu.memref_slice %arg12[%rem3A_550] : memref<3x!tpu.dma_semaphore, #tpu.memory_space<semaphore_mem>> -> memref<1x!tpu.dma_semaphore, #tpu.memory_space<semaphore_mem>>
    %dma_start3A_651 = tpu.memref_squeeze %dma_start3A_650 : memref<1x!tpu.dma_semaphore, #tpu.memory_space<semaphore_mem>> -> memref<!tpu.dma_semaphore, #tpu.memory_space<semaphore_mem>>
    %dma_start3A_652 = arith.constant 0 : i32
    %dma_start3A_653 = arith.constant 0 : i32
    %dma_start3A_654 = tpu.memref_slice %arg10[%rem3A_550, %dma_start3A_643, %dma_start3A_652, %dma_start3A_653] : memref<3x16x16x128xf32, #tpu.memory_space<vmem>> -> memref<1x1x8x128xf32, #tpu.memory_space<vmem>>
    %dma_start3A_655 = tpu.memref_squeeze %dma_start3A_654 : memref<1x1x8x128xf32, #tpu.memory_space<vmem>> -> memref<8x128xf32, #tpu.memory_space<vmem>>
    %dma_start3A_656 = arith.constant 0 : i32
    %dma_start3A_657 = tpu.memref_slice %arg4[%dma_start3A_656, %multiple_of3A_639] : memref<16x1000000xf32, #tpu.memory_space<hbm>> -> memref<8x128xf32, #tpu.memory_space<hbm>>
    tpu.enqueue_dma source(%dma_start3A_657 : memref<8x128xf32, #tpu.memory_space<hbm>>) target(%dma_start3A_655 : memref<8x128xf32, #tpu.memory_space<vmem>>) target_semaphore(%dma_start3A_651 : memref<!tpu.dma_semaphore, #tpu.memory_space<semaphore_mem>>)
    %dma_start3A_658 = arith.constant 9 : i32
    %dma_start3A_659 = arith.constant 0 : i32
    %dma_start3A_660 = arith.constant 0 : i32
    %dma_start3A_661 = tpu.memref_slice %arg10[%rem3A_550, %dma_start3A_658, %dma_start3A_659, %dma_start3A_660] : memref<3x16x16x128xf32, #tpu.memory_space<vmem>> -> memref<1x1x8x128xf32, #tpu.memory_space<vmem>>
    %dma_start3A_662 = tpu.memref_squeeze %dma_start3A_661 : memref<1x1x8x128xf32, #tpu.memory_space<vmem>> -> memref<8x128xf32, #tpu.memory_space<vmem>>
    %dma_start3A_663 = arith.constant 0 : i32
    %dma_start3A_664 = tpu.memref_slice %arg5[%dma_start3A_663, %multiple_of3A_642] : memref<16x1000000xf32, #tpu.memory_space<hbm>> -> memref<8x128xf32, #tpu.memory_space<hbm>>
    %dma_start3A_665 = tpu.memref_slice %arg12[%rem3A_550] : memref<3x!tpu.dma_semaphore, #tpu.memory_space<semaphore_mem>> -> memref<1x!tpu.dma_semaphore, #tpu.memory_space<semaphore_mem>>
    %dma_start3A_666 = tpu.memref_squeeze %dma_start3A_665 : memref<1x!tpu.dma_semaphore, #tpu.memory_space<semaphore_mem>> -> memref<!tpu.dma_semaphore, #tpu.memory_space<semaphore_mem>>
    %dma_start3A_667 = arith.constant 0 : i32
    %dma_start3A_668 = arith.constant 0 : i32
    %dma_start3A_669 = tpu.memref_slice %arg10[%rem3A_550, %dma_start3A_658, %dma_start3A_667, %dma_start3A_668] : memref<3x16x16x128xf32, #tpu.memory_space<vmem>> -> memref<1x1x8x128xf32, #tpu.memory_space<vmem>>
    %dma_start3A_670 = tpu.memref_squeeze %dma_start3A_669 : memref<1x1x8x128xf32, #tpu.memory_space<vmem>> -> memref<8x128xf32, #tpu.memory_space<vmem>>
    %dma_start3A_671 = arith.constant 0 : i32
    %dma_start3A_672 = tpu.memref_slice %arg5[%dma_start3A_671, %multiple_of3A_642] : memref<16x1000000xf32, #tpu.memory_space<hbm>> -> memref<8x128xf32, #tpu.memory_space<hbm>>
    tpu.enqueue_dma source(%dma_start3A_672 : memref<8x128xf32, #tpu.memory_space<hbm>>) target(%dma_start3A_670 : memref<8x128xf32, #tpu.memory_space<vmem>>) target_semaphore(%dma_start3A_666 : memref<!tpu.dma_semaphore, #tpu.memory_space<semaphore_mem>>)
    %dma_start3A_673 = arith.constant 1 : i32
    %dma_start3A_674 = arith.constant 8 : i32
    %dma_start3A_675 = arith.constant 0 : i32
    %dma_start3A_676 = tpu.memref_slice %arg10[%rem3A_550, %dma_start3A_673, %dma_start3A_674, %dma_start3A_675] : memref<3x16x16x128xf32, #tpu.memory_space<vmem>> -> memref<1x1x8x128xf32, #tpu.memory_space<vmem>>
    %dma_start3A_677 = tpu.memref_squeeze %dma_start3A_676 : memref<1x1x8x128xf32, #tpu.memory_space<vmem>> -> memref<8x128xf32, #tpu.memory_space<vmem>>
    %dma_start3A_678 = arith.constant 8 : i32
    %dma_start3A_679 = tpu.memref_slice %arg4[%dma_start3A_678, %multiple_of3A_639] : memref<16x1000000xf32, #tpu.memory_space<hbm>> -> memref<8x128xf32, #tpu.memory_space<hbm>>
    %dma_start3A_680 = tpu.memref_slice %arg12[%rem3A_550] : memref<3x!tpu.dma_semaphore, #tpu.memory_space<semaphore_mem>> -> memref<1x!tpu.dma_semaphore, #tpu.memory_space<semaphore_mem>>
    %dma_start3A_681 = tpu.memref_squeeze %dma_start3A_680 : memref<1x!tpu.dma_semaphore, #tpu.memory_space<semaphore_mem>> -> memref<!tpu.dma_semaphore, #tpu.memory_space<semaphore_mem>>
    %dma_start3A_682 = arith.constant 8 : i32
    %dma_start3A_683 = arith.constant 0 : i32
    %dma_start3A_684 = tpu.memref_slice %arg10[%rem3A_550, %dma_start3A_673, %dma_start3A_682, %dma_start3A_683] : memref<3x16x16x128xf32, #tpu.memory_space<vmem>> -> memref<1x1x8x128xf32, #tpu.memory_space<vmem>>
    %dma_start3A_685 = tpu.memref_squeeze %dma_start3A_684 : memref<1x1x8x128xf32, #tpu.memory_space<vmem>> -> memref<8x128xf32, #tpu.memory_space<vmem>>
    %dma_start3A_686 = arith.constant 8 : i32
    %dma_start3A_687 = tpu.memref_slice %arg4[%dma_start3A_686, %multiple_of3A_639] : memref<16x1000000xf32, #tpu.memory_space<hbm>> -> memref<8x128xf32, #tpu.memory_space<hbm>>
    tpu.enqueue_dma source(%dma_start3A_687 : memref<8x128xf32, #tpu.memory_space<hbm>>) target(%dma_start3A_685 : memref<8x128xf32, #tpu.memory_space<vmem>>) target_semaphore(%dma_start3A_681 : memref<!tpu.dma_semaphore, #tpu.memory_space<semaphore_mem>>)
    %dma_start3A_688 = arith.constant 9 : i32
    %dma_start3A_689 = arith.constant 8 : i32
    %dma_start3A_690 = arith.constant 0 : i32
    %dma_start3A_691 = tpu.memref_slice %arg10[%rem3A_550, %dma_start3A_688, %dma_start3A_689, %dma_start3A_690] : memref<3x16x16x128xf32, #tpu.memory_space<vmem>> -> memref<1x1x8x128xf32, #tpu.memory_space<vmem>>
    %dma_start3A_692 = tpu.memref_squeeze %dma_start3A_691 : memref<1x1x8x128xf32, #tpu.memory_space<vmem>> -> memref<8x128xf32, #tpu.memory_space<vmem>>
    %dma_start3A_693 = arith.constant 8 : i32
    %dma_start3A_694 = tpu.memref_slice %arg5[%dma_start3A_693, %multiple_of3A_642] : memref<16x1000000xf32, #tpu.memory_space<hbm>> -> memref<8x128xf32, #tpu.memory_space<hbm>>
    %dma_start3A_695 = tpu.memref_slice %arg12[%rem3A_550] : memref<3x!tpu.dma_semaphore, #tpu.memory_space<semaphore_mem>> -> memref<1x!tpu.dma_semaphore, #tpu.memory_space<semaphore_mem>>
    %dma_start3A_696 = tpu.memref_squeeze %dma_start3A_695 : memref<1x!tpu.dma_semaphore, #tpu.memory_space<semaphore_mem>> -> memref<!tpu.dma_semaphore, #tpu.memory_space<semaphore_mem>>
    %dma_start3A_697 = arith.constant 8 : i32
    %dma_start3A_698 = arith.constant 0 : i32
    %dma_start3A_699 = tpu.memref_slice %arg10[%rem3A_550, %dma_start3A_688, %dma_start3A_697, %dma_start3A_698] : memref<3x16x16x128xf32, #tpu.memory_space<vmem>> -> memref<1x1x8x128xf32, #tpu.memory_space<vmem>>
    %dma_start3A_700 = tpu.memref_squeeze %dma_start3A_699 : memref<1x1x8x128xf32, #tpu.memory_space<vmem>> -> memref<8x128xf32, #tpu.memory_space<vmem>>
    %dma_start3A_701 = arith.constant 8 : i32
    %dma_start3A_702 = tpu.memref_slice %arg5[%dma_start3A_701, %multiple_of3A_642] : memref<16x1000000xf32, #tpu.memory_space<hbm>> -> memref<8x128xf32, #tpu.memory_space<hbm>>
    tpu.enqueue_dma source(%dma_start3A_702 : memref<8x128xf32, #tpu.memory_space<hbm>>) target(%dma_start3A_700 : memref<8x128xf32, #tpu.memory_space<vmem>>) target_semaphore(%dma_start3A_696 : memref<!tpu.dma_semaphore, #tpu.memory_space<semaphore_mem>>)
    %slice3A_703 = vector.extract_strided_slice %shift_left3A_564 {offsets = [2], sizes = [1], strides = [1]} : vector<16xi32> to vector<1xi32>
    %squeeze3A_704 = vector.extract %slice3A_703[0] : i32 from vector<1xi32>
    %multiple_of3A_705 = tpu.assume_multiple %squeeze3A_704, 128 : i32
    %slice3A_706 = vector.extract_strided_slice %shift_left3A_570 {offsets = [2], sizes = [1], strides = [1]} : vector<16xi32> to vector<1xi32>
    %squeeze3A_707 = vector.extract %slice3A_706[0] : i32 from vector<1xi32>
    %multiple_of3A_708 = tpu.assume_multiple %squeeze3A_707, 128 : i32
    %dma_start3A_709 = arith.constant 2 : i32
    %dma_start3A_710 = arith.constant 0 : i32
    %dma_start3A_711 = arith.constant 0 : i32
    %dma_start3A_712 = tpu.memref_slice %arg10[%rem3A_550, %dma_start3A_709, %dma_start3A_710, %dma_start3A_711] : memref<3x16x16x128xf32, #tpu.memory_space<vmem>> -> memref<1x1x8x128xf32, #tpu.memory_space<vmem>>
    %dma_start3A_713 = tpu.memref_squeeze %dma_start3A_712 : memref<1x1x8x128xf32, #tpu.memory_space<vmem>> -> memref<8x128xf32, #tpu.memory_space<vmem>>
    %dma_start3A_714 = arith.constant 0 : i32
    %dma_start3A_715 = tpu.memref_slice %arg4[%dma_start3A_714, %multiple_of3A_705] : memref<16x1000000xf32, #tpu.memory_space<hbm>> -> memref<8x128xf32, #tpu.memory_space<hbm>>
    %dma_start3A_716 = tpu.memref_slice %arg12[%rem3A_550] : memref<3x!tpu.dma_semaphore, #tpu.memory_space<semaphore_mem>> -> memref<1x!tpu.dma_semaphore, #tpu.memory_space<semaphore_mem>>
    %dma_start3A_717 = tpu.memref_squeeze %dma_start3A_716 : memref<1x!tpu.dma_semaphore, #tpu.memory_space<semaphore_mem>> -> memref<!tpu.dma_semaphore, #tpu.memory_space<semaphore_mem>>
    %dma_start3A_718 = arith.constant 0 : i32
    %dma_start3A_719 = arith.constant 0 : i32
    %dma_start3A_720 = tpu.memref_slice %arg10[%rem3A_550, %dma_start3A_709, %dma_start3A_718, %dma_start3A_719] : memref<3x16x16x128xf32, #tpu.memory_space<vmem>> -> memref<1x1x8x128xf32, #tpu.memory_space<vmem>>
    %dma_start3A_721 = tpu.memref_squeeze %dma_start3A_720 : memref<1x1x8x128xf32, #tpu.memory_space<vmem>> -> memref<8x128xf32, #tpu.memory_space<vmem>>
    %dma_start3A_722 = arith.constant 0 : i32
    %dma_start3A_723 = tpu.memref_slice %arg4[%dma_start3A_722, %multiple_of3A_705] : memref<16x1000000xf32, #tpu.memory_space<hbm>> -> memref<8x128xf32, #tpu.memory_space<hbm>>
    tpu.enqueue_dma source(%dma_start3A_723 : memref<8x128xf32, #tpu.memory_space<hbm>>) target(%dma_start3A_721 : memref<8x128xf32, #tpu.memory_space<vmem>>) target_semaphore(%dma_start3A_717 : memref<!tpu.dma_semaphore, #tpu.memory_space<semaphore_mem>>)
    %dma_start3A_724 = arith.constant 10 : i32
    %dma_start3A_725 = arith.constant 0 : i32
    %dma_start3A_726 = arith.constant 0 : i32
    %dma_start3A_727 = tpu.memref_slice %arg10[%rem3A_550, %dma_start3A_724, %dma_start3A_725, %dma_start3A_726] : memref<3x16x16x128xf32, #tpu.memory_space<vmem>> -> memref<1x1x8x128xf32, #tpu.memory_space<vmem>>
    %dma_start3A_728 = tpu.memref_squeeze %dma_start3A_727 : memref<1x1x8x128xf32, #tpu.memory_space<vmem>> -> memref<8x128xf32, #tpu.memory_space<vmem>>
    %dma_start3A_729 = arith.constant 0 : i32
    %dma_start3A_730 = tpu.memref_slice %arg5[%dma_start3A_729, %multiple_of3A_708] : memref<16x1000000xf32, #tpu.memory_space<hbm>> -> memref<8x128xf32, #tpu.memory_space<hbm>>
    %dma_start3A_731 = tpu.memref_slice %arg12[%rem3A_550] : memref<3x!tpu.dma_semaphore, #tpu.memory_space<semaphore_mem>> -> memref<1x!tpu.dma_semaphore, #tpu.memory_space<semaphore_mem>>
    %dma_start3A_732 = tpu.memref_squeeze %dma_start3A_731 : memref<1x!tpu.dma_semaphore, #tpu.memory_space<semaphore_mem>> -> memref<!tpu.dma_semaphore, #tpu.memory_space<semaphore_mem>>
    %dma_start3A_733 = arith.constant 0 : i32
    %dma_start3A_734 = arith.constant 0 : i32
    %dma_start3A_735 = tpu.memref_slice %arg10[%rem3A_550, %dma_start3A_724, %dma_start3A_733, %dma_start3A_734] : memref<3x16x16x128xf32, #tpu.memory_space<vmem>> -> memref<1x1x8x128xf32, #tpu.memory_space<vmem>>
    %dma_start3A_736 = tpu.memref_squeeze %dma_start3A_735 : memref<1x1x8x128xf32, #tpu.memory_space<vmem>> -> memref<8x128xf32, #tpu.memory_space<vmem>>
    %dma_start3A_737 = arith.constant 0 : i32
    %dma_start3A_738 = tpu.memref_slice %arg5[%dma_start3A_737, %multiple_of3A_708] : memref<16x1000000xf32, #tpu.memory_space<hbm>> -> memref<8x128xf32, #tpu.memory_space<hbm>>
    tpu.enqueue_dma source(%dma_start3A_738 : memref<8x128xf32, #tpu.memory_space<hbm>>) target(%dma_start3A_736 : memref<8x128xf32, #tpu.memory_space<vmem>>) target_semaphore(%dma_start3A_732 : memref<!tpu.dma_semaphore, #tpu.memory_space<semaphore_mem>>)
    %dma_start3A_739 = arith.constant 2 : i32
    %dma_start3A_740 = arith.constant 8 : i32
    %dma_start3A_741 = arith.constant 0 : i32
    %dma_start3A_742 = tpu.memref_slice %arg10[%rem3A_550, %dma_start3A_739, %dma_start3A_740, %dma_start3A_741] : memref<3x16x16x128xf32, #tpu.memory_space<vmem>> -> memref<1x1x8x128xf32, #tpu.memory_space<vmem>>
    %dma_start3A_743 = tpu.memref_squeeze %dma_start3A_742 : memref<1x1x8x128xf32, #tpu.memory_space<vmem>> -> memref<8x128xf32, #tpu.memory_space<vmem>>
    %dma_start3A_744 = arith.constant 8 : i32
    %dma_start3A_745 = tpu.memref_slice %arg4[%dma_start3A_744, %multiple_of3A_705] : memref<16x1000000xf32, #tpu.memory_space<hbm>> -> memref<8x128xf32, #tpu.memory_space<hbm>>
    %dma_start3A_746 = tpu.memref_slice %arg12[%rem3A_550] : memref<3x!tpu.dma_semaphore, #tpu.memory_space<semaphore_mem>> -> memref<1x!tpu.dma_semaphore, #tpu.memory_space<semaphore_mem>>
    %dma_start3A_747 = tpu.memref_squeeze %dma_start3A_746 : memref<1x!tpu.dma_semaphore, #tpu.memory_space<semaphore_mem>> -> memref<!tpu.dma_semaphore, #tpu.memory_space<semaphore_mem>>
    %dma_start3A_748 = arith.constant 8 : i32
    %dma_start3A_749 = arith.constant 0 : i32
    %dma_start3A_750 = tpu.memref_slice %arg10[%rem3A_550, %dma_start3A_739, %dma_start3A_748, %dma_start3A_749] : memref<3x16x16x128xf32, #tpu.memory_space<vmem>> -> memref<1x1x8x128xf32, #tpu.memory_space<vmem>>
    %dma_start3A_751 = tpu.memref_squeeze %dma_start3A_750 : memref<1x1x8x128xf32, #tpu.memory_space<vmem>> -> memref<8x128xf32, #tpu.memory_space<vmem>>
    %dma_start3A_752 = arith.constant 8 : i32
    %dma_start3A_753 = tpu.memref_slice %arg4[%dma_start3A_752, %multiple_of3A_705] : memref<16x1000000xf32, #tpu.memory_space<hbm>> -> memref<8x128xf32, #tpu.memory_space<hbm>>
    tpu.enqueue_dma source(%dma_start3A_753 : memref<8x128xf32, #tpu.memory_space<hbm>>) target(%dma_start3A_751 : memref<8x128xf32, #tpu.memory_space<vmem>>) target_semaphore(%dma_start3A_747 : memref<!tpu.dma_semaphore, #tpu.memory_space<semaphore_mem>>)
    %dma_start3A_754 = arith.constant 10 : i32
    %dma_start3A_755 = arith.constant 8 : i32
    %dma_start3A_756 = arith.constant 0 : i32
    %dma_start3A_757 = tpu.memref_slice %arg10[%rem3A_550, %dma_start3A_754, %dma_start3A_755, %dma_start3A_756] : memref<3x16x16x128xf32, #tpu.memory_space<vmem>> -> memref<1x1x8x128xf32, #tpu.memory_space<vmem>>
    %dma_start3A_758 = tpu.memref_squeeze %dma_start3A_757 : memref<1x1x8x128xf32, #tpu.memory_space<vmem>> -> memref<8x128xf32, #tpu.memory_space<vmem>>
    %dma_start3A_759 = arith.constant 8 : i32
    %dma_start3A_760 = tpu.memref_slice %arg5[%dma_start3A_759, %multiple_of3A_708] : memref<16x1000000xf32, #tpu.memory_space<hbm>> -> memref<8x128xf32, #tpu.memory_space<hbm>>
    %dma_start3A_761 = tpu.memref_slice %arg12[%rem3A_550] : memref<3x!tpu.dma_semaphore, #tpu.memory_space<semaphore_mem>> -> memref<1x!tpu.dma_semaphore, #tpu.memory_space<semaphore_mem>>
    %dma_start3A_762 = tpu.memref_squeeze %dma_start3A_761 : memref<1x!tpu.dma_semaphore, #tpu.memory_space<semaphore_mem>> -> memref<!tpu.dma_semaphore, #tpu.memory_space<semaphore_mem>>
    %dma_start3A_763 = arith.constant 8 : i32
    %dma_start3A_764 = arith.constant 0 : i32
    %dma_start3A_765 = tpu.memref_slice %arg10[%rem3A_550, %dma_start3A_754, %dma_start3A_763, %dma_start3A_764] : memref<3x16x16x128xf32, #tpu.memory_space<vmem>> -> memref<1x1x8x128xf32, #tpu.memory_space<vmem>>
    %dma_start3A_766 = tpu.memref_squeeze %dma_start3A_765 : memref<1x1x8x128xf32, #tpu.memory_space<vmem>> -> memref<8x128xf32, #tpu.memory_space<vmem>>
    %dma_start3A_767 = arith.constant 8 : i32
    %dma_start3A_768 = tpu.memref_slice %arg5[%dma_start3A_767, %multiple_of3A_708] : memref<16x1000000xf32, #tpu.memory_space<hbm>> -> memref<8x128xf32, #tpu.memory_space<hbm>>
    tpu.enqueue_dma source(%dma_start3A_768 : memref<8x128xf32, #tpu.memory_space<hbm>>) target(%dma_start3A_766 : memref<8x128xf32, #tpu.memory_space<vmem>>) target_semaphore(%dma_start3A_762 : memref<!tpu.dma_semaphore, #tpu.memory_space<semaphore_mem>>)
    %slice3A_769 = vector.extract_strided_slice %shift_left3A_564 {offsets = [3], sizes = [1], strides = [1]} : vector<16xi32> to vector<1xi32>
    %squeeze3A_770 = vector.extract %slice3A_769[0] : i32 from vector<1xi32>
    %multiple_of3A_771 = tpu.assume_multiple %squeeze3A_770, 128 : i32
    %slice3A_772 = vector.extract_strided_slice %shift_left3A_570 {offsets = [3], sizes = [1], strides = [1]} : vector<16xi32> to vector<1xi32>
    %squeeze3A_773 = vector.extract %slice3A_772[0] : i32 from vector<1xi32>
    %multiple_of3A_774 = tpu.assume_multiple %squeeze3A_773, 128 : i32
    %dma_start3A_775 = arith.constant 3 : i32
    %dma_start3A_776 = arith.constant 0 : i32
    %dma_start3A_777 = arith.constant 0 : i32
    %dma_start3A_778 = tpu.memref_slice %arg10[%rem3A_550, %dma_start3A_775, %dma_start3A_776, %dma_start3A_777] : memref<3x16x16x128xf32, #tpu.memory_space<vmem>> -> memref<1x1x8x128xf32, #tpu.memory_space<vmem>>
    %dma_start3A_779 = tpu.memref_squeeze %dma_start3A_778 : memref<1x1x8x128xf32, #tpu.memory_space<vmem>> -> memref<8x128xf32, #tpu.memory_space<vmem>>
    %dma_start3A_780 = arith.constant 0 : i32
    %dma_start3A_781 = tpu.memref_slice %arg4[%dma_start3A_780, %multiple_of3A_771] : memref<16x1000000xf32, #tpu.memory_space<hbm>> -> memref<8x128xf32, #tpu.memory_space<hbm>>
    %dma_start3A_782 = tpu.memref_slice %arg12[%rem3A_550] : memref<3x!tpu.dma_semaphore, #tpu.memory_space<semaphore_mem>> -> memref<1x!tpu.dma_semaphore, #tpu.memory_space<semaphore_mem>>
    %dma_start3A_783 = tpu.memref_squeeze %dma_start3A_782 : memref<1x!tpu.dma_semaphore, #tpu.memory_space<semaphore_mem>> -> memref<!tpu.dma_semaphore, #tpu.memory_space<semaphore_mem>>
    %dma_start3A_784 = arith.constant 0 : i32
    %dma_start3A_785 = arith.constant 0 : i32
    %dma_start3A_786 = tpu.memref_slice %arg10[%rem3A_550, %dma_start3A_775, %dma_start3A_784, %dma_start3A_785] : memref<3x16x16x128xf32, #tpu.memory_space<vmem>> -> memref<1x1x8x128xf32, #tpu.memory_space<vmem>>
    %dma_start3A_787 = tpu.memref_squeeze %dma_start3A_786 : memref<1x1x8x128xf32, #tpu.memory_space<vmem>> -> memref<8x128xf32, #tpu.memory_space<vmem>>
    %dma_start3A_788 = arith.constant 0 : i32
    %dma_start3A_789 = tpu.memref_slice %arg4[%dma_start3A_788, %multiple_of3A_771] : memref<16x1000000xf32, #tpu.memory_space<hbm>> -> memref<8x128xf32, #tpu.memory_space<hbm>>
    tpu.enqueue_dma source(%dma_start3A_789 : memref<8x128xf32, #tpu.memory_space<hbm>>) target(%dma_start3A_787 : memref<8x128xf32, #tpu.memory_space<vmem>>) target_semaphore(%dma_start3A_783 : memref<!tpu.dma_semaphore, #tpu.memory_space<semaphore_mem>>)
    %dma_start3A_790 = arith.constant 11 : i32
    %dma_start3A_791 = arith.constant 0 : i32
    %dma_start3A_792 = arith.constant 0 : i32
    %dma_start3A_793 = tpu.memref_slice %arg10[%rem3A_550, %dma_start3A_790, %dma_start3A_791, %dma_start3A_792] : memref<3x16x16x128xf32, #tpu.memory_space<vmem>> -> memref<1x1x8x128xf32, #tpu.memory_space<vmem>>
    %dma_start3A_794 = tpu.memref_squeeze %dma_start3A_793 : memref<1x1x8x128xf32, #tpu.memory_space<vmem>> -> memref<8x128xf32, #tpu.memory_space<vmem>>
    %dma_start3A_795 = arith.constant 0 : i32
    %dma_start3A_796 = tpu.memref_slice %arg5[%dma_start3A_795, %multiple_of3A_774] : memref<16x1000000xf32, #tpu.memory_space<hbm>> -> memref<8x128xf32, #tpu.memory_space<hbm>>
    %dma_start3A_797 = tpu.memref_slice %arg12[%rem3A_550] : memref<3x!tpu.dma_semaphore, #tpu.memory_space<semaphore_mem>> -> memref<1x!tpu.dma_semaphore, #tpu.memory_space<semaphore_mem>>
    %dma_start3A_798 = tpu.memref_squeeze %dma_start3A_797 : memref<1x!tpu.dma_semaphore, #tpu.memory_space<semaphore_mem>> -> memref<!tpu.dma_semaphore, #tpu.memory_space<semaphore_mem>>
    %dma_start3A_799 = arith.constant 0 : i32
    %dma_start3A_800 = arith.constant 0 : i32
    %dma_start3A_801 = tpu.memref_slice %arg10[%rem3A_550, %dma_start3A_790, %dma_start3A_799, %dma_start3A_800] : memref<3x16x16x128xf32, #tpu.memory_space<vmem>> -> memref<1x1x8x128xf32, #tpu.memory_space<vmem>>
    %dma_start3A_802 = tpu.memref_squeeze %dma_start3A_801 : memref<1x1x8x128xf32, #tpu.memory_space<vmem>> -> memref<8x128xf32, #tpu.memory_space<vmem>>
    %dma_start3A_803 = arith.constant 0 : i32
    %dma_start3A_804 = tpu.memref_slice %arg5[%dma_start3A_803, %multiple_of3A_774] : memref<16x1000000xf32, #tpu.memory_space<hbm>> -> memref<8x128xf32, #tpu.memory_space<hbm>>
    tpu.enqueue_dma source(%dma_start3A_804 : memref<8x128xf32, #tpu.memory_space<hbm>>) target(%dma_start3A_802 : memref<8x128xf32, #tpu.memory_space<vmem>>) target_semaphore(%dma_start3A_798 : memref<!tpu.dma_semaphore, #tpu.memory_space<semaphore_mem>>)
    %dma_start3A_805 = arith.constant 3 : i32
    %dma_start3A_806 = arith.constant 8 : i32
    %dma_start3A_807 = arith.constant 0 : i32
    %dma_start3A_808 = tpu.memref_slice %arg10[%rem3A_550, %dma_start3A_805, %dma_start3A_806, %dma_start3A_807] : memref<3x16x16x128xf32, #tpu.memory_space<vmem>> -> memref<1x1x8x128xf32, #tpu.memory_space<vmem>>
    %dma_start3A_809 = tpu.memref_squeeze %dma_start3A_808 : memref<1x1x8x128xf32, #tpu.memory_space<vmem>> -> memref<8x128xf32, #tpu.memory_space<vmem>>
    %dma_start3A_810 = arith.constant 8 : i32
    %dma_start3A_811 = tpu.memref_slice %arg4[%dma_start3A_810, %multiple_of3A_771] : memref<16x1000000xf32, #tpu.memory_space<hbm>> -> memref<8x128xf32, #tpu.memory_space<hbm>>
    %dma_start3A_812 = tpu.memref_slice %arg12[%rem3A_550] : memref<3x!tpu.dma_semaphore, #tpu.memory_space<semaphore_mem>> -> memref<1x!tpu.dma_semaphore, #tpu.memory_space<semaphore_mem>>
    %dma_start3A_813 = tpu.memref_squeeze %dma_start3A_812 : memref<1x!tpu.dma_semaphore, #tpu.memory_space<semaphore_mem>> -> memref<!tpu.dma_semaphore, #tpu.memory_space<semaphore_mem>>
    %dma_start3A_814 = arith.constant 8 : i32
    %dma_start3A_815 = arith.constant 0 : i32
    %dma_start3A_816 = tpu.memref_slice %arg10[%rem3A_550, %dma_start3A_805, %dma_start3A_814, %dma_start3A_815] : memref<3x16x16x128xf32, #tpu.memory_space<vmem>> -> memref<1x1x8x128xf32, #tpu.memory_space<vmem>>
    %dma_start3A_817 = tpu.memref_squeeze %dma_start3A_816 : memref<1x1x8x128xf32, #tpu.memory_space<vmem>> -> memref<8x128xf32, #tpu.memory_space<vmem>>
    %dma_start3A_818 = arith.constant 8 : i32
    %dma_start3A_819 = tpu.memref_slice %arg4[%dma_start3A_818, %multiple_of3A_771] : memref<16x1000000xf32, #tpu.memory_space<hbm>> -> memref<8x128xf32, #tpu.memory_space<hbm>>
    tpu.enqueue_dma source(%dma_start3A_819 : memref<8x128xf32, #tpu.memory_space<hbm>>) target(%dma_start3A_817 : memref<8x128xf32, #tpu.memory_space<vmem>>) target_semaphore(%dma_start3A_813 : memref<!tpu.dma_semaphore, #tpu.memory_space<semaphore_mem>>)
    %dma_start3A_820 = arith.constant 11 : i32
    %dma_start3A_821 = arith.constant 8 : i32
    %dma_start3A_822 = arith.constant 0 : i32
    %dma_start3A_823 = tpu.memref_slice %arg10[%rem3A_550, %dma_start3A_820, %dma_start3A_821, %dma_start3A_822] : memref<3x16x16x128xf32, #tpu.memory_space<vmem>> -> memref<1x1x8x128xf32, #tpu.memory_space<vmem>>
    %dma_start3A_824 = tpu.memref_squeeze %dma_start3A_823 : memref<1x1x8x128xf32, #tpu.memory_space<vmem>> -> memref<8x128xf32, #tpu.memory_space<vmem>>
    %dma_start3A_825 = arith.constant 8 : i32
    %dma_start3A_826 = tpu.memref_slice %arg5[%dma_start3A_825, %multiple_of3A_774] : memref<16x1000000xf32, #tpu.memory_space<hbm>> -> memref<8x128xf32, #tpu.memory_space<hbm>>
    %dma_start3A_827 = tpu.memref_slice %arg12[%rem3A_550] : memref<3x!tpu.dma_semaphore, #tpu.memory_space<semaphore_mem>> -> memref<1x!tpu.dma_semaphore, #tpu.memory_space<semaphore_mem>>
    %dma_start3A_828 = tpu.memref_squeeze %dma_start3A_827 : memref<1x!tpu.dma_semaphore, #tpu.memory_space<semaphore_mem>> -> memref<!tpu.dma_semaphore, #tpu.memory_space<semaphore_mem>>
    %dma_start3A_829 = arith.constant 8 : i32
    %dma_start3A_830 = arith.constant 0 : i32
    %dma_start3A_831 = tpu.memref_slice %arg10[%rem3A_550, %dma_start3A_820, %dma_start3A_829, %dma_start3A_830] : memref<3x16x16x128xf32, #tpu.memory_space<vmem>> -> memref<1x1x8x128xf32, #tpu.memory_space<vmem>>
    %dma_start3A_832 = tpu.memref_squeeze %dma_start3A_831 : memref<1x1x8x128xf32, #tpu.memory_space<vmem>> -> memref<8x128xf32, #tpu.memory_space<vmem>>
    %dma_start3A_833 = arith.constant 8 : i32
    %dma_start3A_834 = tpu.memref_slice %arg5[%dma_start3A_833, %multiple_of3A_774] : memref<16x1000000xf32, #tpu.memory_space<hbm>> -> memref<8x128xf32, #tpu.memory_space<hbm>>
    tpu.enqueue_dma source(%dma_start3A_834 : memref<8x128xf32, #tpu.memory_space<hbm>>) target(%dma_start3A_832 : memref<8x128xf32, #tpu.memory_space<vmem>>) target_semaphore(%dma_start3A_828 : memref<!tpu.dma_semaphore, #tpu.memory_space<semaphore_mem>>)
    %slice3A_835 = vector.extract_strided_slice %shift_left3A_564 {offsets = [4], sizes = [1], strides = [1]} : vector<16xi32> to vector<1xi32>
    %squeeze3A_836 = vector.extract %slice3A_835[0] : i32 from vector<1xi32>
    %multiple_of3A_837 = tpu.assume_multiple %squeeze3A_836, 128 : i32
    %slice3A_838 = vector.extract_strided_slice %shift_left3A_570 {offsets = [4], sizes = [1], strides = [1]} : vector<16xi32> to vector<1xi32>
    %squeeze3A_839 = vector.extract %slice3A_838[0] : i32 from vector<1xi32>
    %multiple_of3A_840 = tpu.assume_multiple %squeeze3A_839, 128 : i32
    %dma_start3A_841 = arith.constant 4 : i32
    %dma_start3A_842 = arith.constant 0 : i32
    %dma_start3A_843 = arith.constant 0 : i32
    %dma_start3A_844 = tpu.memref_slice %arg10[%rem3A_550, %dma_start3A_841, %dma_start3A_842, %dma_start3A_843] : memref<3x16x16x128xf32, #tpu.memory_space<vmem>> -> memref<1x1x8x128xf32, #tpu.memory_space<vmem>>
    %dma_start3A_845 = tpu.memref_squeeze %dma_start3A_844 : memref<1x1x8x128xf32, #tpu.memory_space<vmem>> -> memref<8x128xf32, #tpu.memory_space<vmem>>
    %dma_start3A_846 = arith.constant 0 : i32
    %dma_start3A_847 = tpu.memref_slice %arg4[%dma_start3A_846, %multiple_of3A_837] : memref<16x1000000xf32, #tpu.memory_space<hbm>> -> memref<8x128xf32, #tpu.memory_space<hbm>>
    %dma_start3A_848 = tpu.memref_slice %arg12[%rem3A_550] : memref<3x!tpu.dma_semaphore, #tpu.memory_space<semaphore_mem>> -> memref<1x!tpu.dma_semaphore, #tpu.memory_space<semaphore_mem>>
    %dma_start3A_849 = tpu.memref_squeeze %dma_start3A_848 : memref<1x!tpu.dma_semaphore, #tpu.memory_space<semaphore_mem>> -> memref<!tpu.dma_semaphore, #tpu.memory_space<semaphore_mem>>
    %dma_start3A_850 = arith.constant 0 : i32
    %dma_start3A_851 = arith.constant 0 : i32
    %dma_start3A_852 = tpu.memref_slice %arg10[%rem3A_550, %dma_start3A_841, %dma_start3A_850, %dma_start3A_851] : memref<3x16x16x128xf32, #tpu.memory_space<vmem>> -> memref<1x1x8x128xf32, #tpu.memory_space<vmem>>
    %dma_start3A_853 = tpu.memref_squeeze %dma_start3A_852 : memref<1x1x8x128xf32, #tpu.memory_space<vmem>> -> memref<8x128xf32, #tpu.memory_space<vmem>>
    %dma_start3A_854 = arith.constant 0 : i32
    %dma_start3A_855 = tpu.memref_slice %arg4[%dma_start3A_854, %multiple_of3A_837] : memref<16x1000000xf32, #tpu.memory_space<hbm>> -> memref<8x128xf32, #tpu.memory_space<hbm>>
    tpu.enqueue_dma source(%dma_start3A_855 : memref<8x128xf32, #tpu.memory_space<hbm>>) target(%dma_start3A_853 : memref<8x128xf32, #tpu.memory_space<vmem>>) target_semaphore(%dma_start3A_849 : memref<!tpu.dma_semaphore, #tpu.memory_space<semaphore_mem>>)
    %dma_start3A_856 = arith.constant 12 : i32
    %dma_start3A_857 = arith.constant 0 : i32
    %dma_start3A_858 = arith.constant 0 : i32
    %dma_start3A_859 = tpu.memref_slice %arg10[%rem3A_550, %dma_start3A_856, %dma_start3A_857, %dma_start3A_858] : memref<3x16x16x128xf32, #tpu.memory_space<vmem>> -> memref<1x1x8x128xf32, #tpu.memory_space<vmem>>
    %dma_start3A_860 = tpu.memref_squeeze %dma_start3A_859 : memref<1x1x8x128xf32, #tpu.memory_space<vmem>> -> memref<8x128xf32, #tpu.memory_space<vmem>>
    %dma_start3A_861 = arith.constant 0 : i32
    %dma_start3A_862 = tpu.memref_slice %arg5[%dma_start3A_861, %multiple_of3A_840] : memref<16x1000000xf32, #tpu.memory_space<hbm>> -> memref<8x128xf32, #tpu.memory_space<hbm>>
    %dma_start3A_863 = tpu.memref_slice %arg12[%rem3A_550] : memref<3x!tpu.dma_semaphore, #tpu.memory_space<semaphore_mem>> -> memref<1x!tpu.dma_semaphore, #tpu.memory_space<semaphore_mem>>
    %dma_start3A_864 = tpu.memref_squeeze %dma_start3A_863 : memref<1x!tpu.dma_semaphore, #tpu.memory_space<semaphore_mem>> -> memref<!tpu.dma_semaphore, #tpu.memory_space<semaphore_mem>>
    %dma_start3A_865 = arith.constant 0 : i32
    %dma_start3A_866 = arith.constant 0 : i32
    %dma_start3A_867 = tpu.memref_slice %arg10[%rem3A_550, %dma_start3A_856, %dma_start3A_865, %dma_start3A_866] : memref<3x16x16x128xf32, #tpu.memory_space<vmem>> -> memref<1x1x8x128xf32, #tpu.memory_space<vmem>>
    %dma_start3A_868 = tpu.memref_squeeze %dma_start3A_867 : memref<1x1x8x128xf32, #tpu.memory_space<vmem>> -> memref<8x128xf32, #tpu.memory_space<vmem>>
    %dma_start3A_869 = arith.constant 0 : i32
    %dma_start3A_870 = tpu.memref_slice %arg5[%dma_start3A_869, %multiple_of3A_840] : memref<16x1000000xf32, #tpu.memory_space<hbm>> -> memref<8x128xf32, #tpu.memory_space<hbm>>
    tpu.enqueue_dma source(%dma_start3A_870 : memref<8x128xf32, #tpu.memory_space<hbm>>) target(%dma_start3A_868 : memref<8x128xf32, #tpu.memory_space<vmem>>) target_semaphore(%dma_start3A_864 : memref<!tpu.dma_semaphore, #tpu.memory_space<semaphore_mem>>)
    %dma_start3A_871 = arith.constant 4 : i32
    %dma_start3A_872 = arith.constant 8 : i32
    %dma_start3A_873 = arith.constant 0 : i32
    %dma_start3A_874 = tpu.memref_slice %arg10[%rem3A_550, %dma_start3A_871, %dma_start3A_872, %dma_start3A_873] : memref<3x16x16x128xf32, #tpu.memory_space<vmem>> -> memref<1x1x8x128xf32, #tpu.memory_space<vmem>>
    %dma_start3A_875 = tpu.memref_squeeze %dma_start3A_874 : memref<1x1x8x128xf32, #tpu.memory_space<vmem>> -> memref<8x128xf32, #tpu.memory_space<vmem>>
    %dma_start3A_876 = arith.constant 8 : i32
    %dma_start3A_877 = tpu.memref_slice %arg4[%dma_start3A_876, %multiple_of3A_837] : memref<16x1000000xf32, #tpu.memory_space<hbm>> -> memref<8x128xf32, #tpu.memory_space<hbm>>
    %dma_start3A_878 = tpu.memref_slice %arg12[%rem3A_550] : memref<3x!tpu.dma_semaphore, #tpu.memory_space<semaphore_mem>> -> memref<1x!tpu.dma_semaphore, #tpu.memory_space<semaphore_mem>>
    %dma_start3A_879 = tpu.memref_squeeze %dma_start3A_878 : memref<1x!tpu.dma_semaphore, #tpu.memory_space<semaphore_mem>> -> memref<!tpu.dma_semaphore, #tpu.memory_space<semaphore_mem>>
    %dma_start3A_880 = arith.constant 8 : i32
    %dma_start3A_881 = arith.constant 0 : i32
    %dma_start3A_882 = tpu.memref_slice %arg10[%rem3A_550, %dma_start3A_871, %dma_start3A_880, %dma_start3A_881] : memref<3x16x16x128xf32, #tpu.memory_space<vmem>> -> memref<1x1x8x128xf32, #tpu.memory_space<vmem>>
    %dma_start3A_883 = tpu.memref_squeeze %dma_start3A_882 : memref<1x1x8x128xf32, #tpu.memory_space<vmem>> -> memref<8x128xf32, #tpu.memory_space<vmem>>
    %dma_start3A_884 = arith.constant 8 : i32
    %dma_start3A_885 = tpu.memref_slice %arg4[%dma_start3A_884, %multiple_of3A_837] : memref<16x1000000xf32, #tpu.memory_space<hbm>> -> memref<8x128xf32, #tpu.memory_space<hbm>>
    tpu.enqueue_dma source(%dma_start3A_885 : memref<8x128xf32, #tpu.memory_space<hbm>>) target(%dma_start3A_883 : memref<8x128xf32, #tpu.memory_space<vmem>>) target_semaphore(%dma_start3A_879 : memref<!tpu.dma_semaphore, #tpu.memory_space<semaphore_mem>>)
    %dma_start3A_886 = arith.constant 12 : i32
    %dma_start3A_887 = arith.constant 8 : i32
    %dma_start3A_888 = arith.constant 0 : i32
    %dma_start3A_889 = tpu.memref_slice %arg10[%rem3A_550, %dma_start3A_886, %dma_start3A_887, %dma_start3A_888] : memref<3x16x16x128xf32, #tpu.memory_space<vmem>> -> memref<1x1x8x128xf32, #tpu.memory_space<vmem>>
    %dma_start3A_890 = tpu.memref_squeeze %dma_start3A_889 : memref<1x1x8x128xf32, #tpu.memory_space<vmem>> -> memref<8x128xf32, #tpu.memory_space<vmem>>
    %dma_start3A_891 = arith.constant 8 : i32
    %dma_start3A_892 = tpu.memref_slice %arg5[%dma_start3A_891, %multiple_of3A_840] : memref<16x1000000xf32, #tpu.memory_space<hbm>> -> memref<8x128xf32, #tpu.memory_space<hbm>>
    %dma_start3A_893 = tpu.memref_slice %arg12[%rem3A_550] : memref<3x!tpu.dma_semaphore, #tpu.memory_space<semaphore_mem>> -> memref<1x!tpu.dma_semaphore, #tpu.memory_space<semaphore_mem>>
    %dma_start3A_894 = tpu.memref_squeeze %dma_start3A_893 : memref<1x!tpu.dma_semaphore, #tpu.memory_space<semaphore_mem>> -> memref<!tpu.dma_semaphore, #tpu.memory_space<semaphore_mem>>
    %dma_start3A_895 = arith.constant 8 : i32
    %dma_start3A_896 = arith.constant 0 : i32
    %dma_start3A_897 = tpu.memref_slice %arg10[%rem3A_550, %dma_start3A_886, %dma_start3A_895, %dma_start3A_896] : memref<3x16x16x128xf32, #tpu.memory_space<vmem>> -> memref<1x1x8x128xf32, #tpu.memory_space<vmem>>
    %dma_start3A_898 = tpu.memref_squeeze %dma_start3A_897 : memref<1x1x8x128xf32, #tpu.memory_space<vmem>> -> memref<8x128xf32, #tpu.memory_space<vmem>>
    %dma_start3A_899 = arith.constant 8 : i32
    %dma_start3A_900 = tpu.memref_slice %arg5[%dma_start3A_899, %multiple_of3A_840] : memref<16x1000000xf32, #tpu.memory_space<hbm>> -> memref<8x128xf32, #tpu.memory_space<hbm>>
    tpu.enqueue_dma source(%dma_start3A_900 : memref<8x128xf32, #tpu.memory_space<hbm>>) target(%dma_start3A_898 : memref<8x128xf32, #tpu.memory_space<vmem>>) target_semaphore(%dma_start3A_894 : memref<!tpu.dma_semaphore, #tpu.memory_space<semaphore_mem>>)
    %slice3A_901 = vector.extract_strided_slice %shift_left3A_564 {offsets = [5], sizes = [1], strides = [1]} : vector<16xi32> to vector<1xi32>
    %squeeze3A_902 = vector.extract %slice3A_901[0] : i32 from vector<1xi32>
    %multiple_of3A_903 = tpu.assume_multiple %squeeze3A_902, 128 : i32
    %slice3A_904 = vector.extract_strided_slice %shift_left3A_570 {offsets = [5], sizes = [1], strides = [1]} : vector<16xi32> to vector<1xi32>
    %squeeze3A_905 = vector.extract %slice3A_904[0] : i32 from vector<1xi32>
    %multiple_of3A_906 = tpu.assume_multiple %squeeze3A_905, 128 : i32
    %dma_start3A_907 = arith.constant 5 : i32
    %dma_start3A_908 = arith.constant 0 : i32
    %dma_start3A_909 = arith.constant 0 : i32
    %dma_start3A_910 = tpu.memref_slice %arg10[%rem3A_550, %dma_start3A_907, %dma_start3A_908, %dma_start3A_909] : memref<3x16x16x128xf32, #tpu.memory_space<vmem>> -> memref<1x1x8x128xf32, #tpu.memory_space<vmem>>
    %dma_start3A_911 = tpu.memref_squeeze %dma_start3A_910 : memref<1x1x8x128xf32, #tpu.memory_space<vmem>> -> memref<8x128xf32, #tpu.memory_space<vmem>>
    %dma_start3A_912 = arith.constant 0 : i32
    %dma_start3A_913 = tpu.memref_slice %arg4[%dma_start3A_912, %multiple_of3A_903] : memref<16x1000000xf32, #tpu.memory_space<hbm>> -> memref<8x128xf32, #tpu.memory_space<hbm>>
    %dma_start3A_914 = tpu.memref_slice %arg12[%rem3A_550] : memref<3x!tpu.dma_semaphore, #tpu.memory_space<semaphore_mem>> -> memref<1x!tpu.dma_semaphore, #tpu.memory_space<semaphore_mem>>
    %dma_start3A_915 = tpu.memref_squeeze %dma_start3A_914 : memref<1x!tpu.dma_semaphore, #tpu.memory_space<semaphore_mem>> -> memref<!tpu.dma_semaphore, #tpu.memory_space<semaphore_mem>>
    %dma_start3A_916 = arith.constant 0 : i32
    %dma_start3A_917 = arith.constant 0 : i32
    %dma_start3A_918 = tpu.memref_slice %arg10[%rem3A_550, %dma_start3A_907, %dma_start3A_916, %dma_start3A_917] : memref<3x16x16x128xf32, #tpu.memory_space<vmem>> -> memref<1x1x8x128xf32, #tpu.memory_space<vmem>>
    %dma_start3A_919 = tpu.memref_squeeze %dma_start3A_918 : memref<1x1x8x128xf32, #tpu.memory_space<vmem>> -> memref<8x128xf32, #tpu.memory_space<vmem>>
    %dma_start3A_920 = arith.constant 0 : i32
    %dma_start3A_921 = tpu.memref_slice %arg4[%dma_start3A_920, %multiple_of3A_903] : memref<16x1000000xf32, #tpu.memory_space<hbm>> -> memref<8x128xf32, #tpu.memory_space<hbm>>
    tpu.enqueue_dma source(%dma_start3A_921 : memref<8x128xf32, #tpu.memory_space<hbm>>) target(%dma_start3A_919 : memref<8x128xf32, #tpu.memory_space<vmem>>) target_semaphore(%dma_start3A_915 : memref<!tpu.dma_semaphore, #tpu.memory_space<semaphore_mem>>)
    %dma_start3A_922 = arith.constant 13 : i32
    %dma_start3A_923 = arith.constant 0 : i32
    %dma_start3A_924 = arith.constant 0 : i32
    %dma_start3A_925 = tpu.memref_slice %arg10[%rem3A_550, %dma_start3A_922, %dma_start3A_923, %dma_start3A_924] : memref<3x16x16x128xf32, #tpu.memory_space<vmem>> -> memref<1x1x8x128xf32, #tpu.memory_space<vmem>>
    %dma_start3A_926 = tpu.memref_squeeze %dma_start3A_925 : memref<1x1x8x128xf32, #tpu.memory_space<vmem>> -> memref<8x128xf32, #tpu.memory_space<vmem>>
    %dma_start3A_927 = arith.constant 0 : i32
    %dma_start3A_928 = tpu.memref_slice %arg5[%dma_start3A_927, %multiple_of3A_906] : memref<16x1000000xf32, #tpu.memory_space<hbm>> -> memref<8x128xf32, #tpu.memory_space<hbm>>
    %dma_start3A_929 = tpu.memref_slice %arg12[%rem3A_550] : memref<3x!tpu.dma_semaphore, #tpu.memory_space<semaphore_mem>> -> memref<1x!tpu.dma_semaphore, #tpu.memory_space<semaphore_mem>>
    %dma_start3A_930 = tpu.memref_squeeze %dma_start3A_929 : memref<1x!tpu.dma_semaphore, #tpu.memory_space<semaphore_mem>> -> memref<!tpu.dma_semaphore, #tpu.memory_space<semaphore_mem>>
    %dma_start3A_931 = arith.constant 0 : i32
    %dma_start3A_932 = arith.constant 0 : i32
    %dma_start3A_933 = tpu.memref_slice %arg10[%rem3A_550, %dma_start3A_922, %dma_start3A_931, %dma_start3A_932] : memref<3x16x16x128xf32, #tpu.memory_space<vmem>> -> memref<1x1x8x128xf32, #tpu.memory_space<vmem>>
    %dma_start3A_934 = tpu.memref_squeeze %dma_start3A_933 : memref<1x1x8x128xf32, #tpu.memory_space<vmem>> -> memref<8x128xf32, #tpu.memory_space<vmem>>
    %dma_start3A_935 = arith.constant 0 : i32
    %dma_start3A_936 = tpu.memref_slice %arg5[%dma_start3A_935, %multiple_of3A_906] : memref<16x1000000xf32, #tpu.memory_space<hbm>> -> memref<8x128xf32, #tpu.memory_space<hbm>>
    tpu.enqueue_dma source(%dma_start3A_936 : memref<8x128xf32, #tpu.memory_space<hbm>>) target(%dma_start3A_934 : memref<8x128xf32, #tpu.memory_space<vmem>>) target_semaphore(%dma_start3A_930 : memref<!tpu.dma_semaphore, #tpu.memory_space<semaphore_mem>>)
    %dma_start3A_937 = arith.constant 5 : i32
    %dma_start3A_938 = arith.constant 8 : i32
    %dma_start3A_939 = arith.constant 0 : i32
    %dma_start3A_940 = tpu.memref_slice %arg10[%rem3A_550, %dma_start3A_937, %dma_start3A_938, %dma_start3A_939] : memref<3x16x16x128xf32, #tpu.memory_space<vmem>> -> memref<1x1x8x128xf32, #tpu.memory_space<vmem>>
    %dma_start3A_941 = tpu.memref_squeeze %dma_start3A_940 : memref<1x1x8x128xf32, #tpu.memory_space<vmem>> -> memref<8x128xf32, #tpu.memory_space<vmem>>
    %dma_start3A_942 = arith.constant 8 : i32
    %dma_start3A_943 = tpu.memref_slice %arg4[%dma_start3A_942, %multiple_of3A_903] : memref<16x1000000xf32, #tpu.memory_space<hbm>> -> memref<8x128xf32, #tpu.memory_space<hbm>>
    %dma_start3A_944 = tpu.memref_slice %arg12[%rem3A_550] : memref<3x!tpu.dma_semaphore, #tpu.memory_space<semaphore_mem>> -> memref<1x!tpu.dma_semaphore, #tpu.memory_space<semaphore_mem>>
    %dma_start3A_945 = tpu.memref_squeeze %dma_start3A_944 : memref<1x!tpu.dma_semaphore, #tpu.memory_space<semaphore_mem>> -> memref<!tpu.dma_semaphore, #tpu.memory_space<semaphore_mem>>
    %dma_start3A_946 = arith.constant 8 : i32
    %dma_start3A_947 = arith.constant 0 : i32
    %dma_start3A_948 = tpu.memref_slice %arg10[%rem3A_550, %dma_start3A_937, %dma_start3A_946, %dma_start3A_947] : memref<3x16x16x128xf32, #tpu.memory_space<vmem>> -> memref<1x1x8x128xf32, #tpu.memory_space<vmem>>
    %dma_start3A_949 = tpu.memref_squeeze %dma_start3A_948 : memref<1x1x8x128xf32, #tpu.memory_space<vmem>> -> memref<8x128xf32, #tpu.memory_space<vmem>>
    %dma_start3A_950 = arith.constant 8 : i32
    %dma_start3A_951 = tpu.memref_slice %arg4[%dma_start3A_950, %multiple_of3A_903] : memref<16x1000000xf32, #tpu.memory_space<hbm>> -> memref<8x128xf32, #tpu.memory_space<hbm>>
    tpu.enqueue_dma source(%dma_start3A_951 : memref<8x128xf32, #tpu.memory_space<hbm>>) target(%dma_start3A_949 : memref<8x128xf32, #tpu.memory_space<vmem>>) target_semaphore(%dma_start3A_945 : memref<!tpu.dma_semaphore, #tpu.memory_space<semaphore_mem>>)
    %dma_start3A_952 = arith.constant 13 : i32
    %dma_start3A_953 = arith.constant 8 : i32
    %dma_start3A_954 = arith.constant 0 : i32
    %dma_start3A_955 = tpu.memref_slice %arg10[%rem3A_550, %dma_start3A_952, %dma_start3A_953, %dma_start3A_954] : memref<3x16x16x128xf32, #tpu.memory_space<vmem>> -> memref<1x1x8x128xf32, #tpu.memory_space<vmem>>
    %dma_start3A_956 = tpu.memref_squeeze %dma_start3A_955 : memref<1x1x8x128xf32, #tpu.memory_space<vmem>> -> memref<8x128xf32, #tpu.memory_space<vmem>>
    %dma_start3A_957 = arith.constant 8 : i32
    %dma_start3A_958 = tpu.memref_slice %arg5[%dma_start3A_957, %multiple_of3A_906] : memref<16x1000000xf32, #tpu.memory_space<hbm>> -> memref<8x128xf32, #tpu.memory_space<hbm>>
    %dma_start3A_959 = tpu.memref_slice %arg12[%rem3A_550] : memref<3x!tpu.dma_semaphore, #tpu.memory_space<semaphore_mem>> -> memref<1x!tpu.dma_semaphore, #tpu.memory_space<semaphore_mem>>
    %dma_start3A_960 = tpu.memref_squeeze %dma_start3A_959 : memref<1x!tpu.dma_semaphore, #tpu.memory_space<semaphore_mem>> -> memref<!tpu.dma_semaphore, #tpu.memory_space<semaphore_mem>>
    %dma_start3A_961 = arith.constant 8 : i32
    %dma_start3A_962 = arith.constant 0 : i32
    %dma_start3A_963 = tpu.memref_slice %arg10[%rem3A_550, %dma_start3A_952, %dma_start3A_961, %dma_start3A_962] : memref<3x16x16x128xf32, #tpu.memory_space<vmem>> -> memref<1x1x8x128xf32, #tpu.memory_space<vmem>>
    %dma_start3A_964 = tpu.memref_squeeze %dma_start3A_963 : memref<1x1x8x128xf32, #tpu.memory_space<vmem>> -> memref<8x128xf32, #tpu.memory_space<vmem>>
    %dma_start3A_965 = arith.constant 8 : i32
    %dma_start3A_966 = tpu.memref_slice %arg5[%dma_start3A_965, %multiple_of3A_906] : memref<16x1000000xf32, #tpu.memory_space<hbm>> -> memref<8x128xf32, #tpu.memory_space<hbm>>
    tpu.enqueue_dma source(%dma_start3A_966 : memref<8x128xf32, #tpu.memory_space<hbm>>) target(%dma_start3A_964 : memref<8x128xf32, #tpu.memory_space<vmem>>) target_semaphore(%dma_start3A_960 : memref<!tpu.dma_semaphore, #tpu.memory_space<semaphore_mem>>)
    %slice3A_967 = vector.extract_strided_slice %shift_left3A_564 {offsets = [6], sizes = [1], strides = [1]} : vector<16xi32> to vector<1xi32>
    %squeeze3A_968 = vector.extract %slice3A_967[0] : i32 from vector<1xi32>
    %multiple_of3A_969 = tpu.assume_multiple %squeeze3A_968, 128 : i32
    %slice3A_970 = vector.extract_strided_slice %shift_left3A_570 {offsets = [6], sizes = [1], strides = [1]} : vector<16xi32> to vector<1xi32>
    %squeeze3A_971 = vector.extract %slice3A_970[0] : i32 from vector<1xi32>
    %multiple_of3A_972 = tpu.assume_multiple %squeeze3A_971, 128 : i32
    %dma_start3A_973 = arith.constant 6 : i32
    %dma_start3A_974 = arith.constant 0 : i32
    %dma_start3A_975 = arith.constant 0 : i32
    %dma_start3A_976 = tpu.memref_slice %arg10[%rem3A_550, %dma_start3A_973, %dma_start3A_974, %dma_start3A_975] : memref<3x16x16x128xf32, #tpu.memory_space<vmem>> -> memref<1x1x8x128xf32, #tpu.memory_space<vmem>>
    %dma_start3A_977 = tpu.memref_squeeze %dma_start3A_976 : memref<1x1x8x128xf32, #tpu.memory_space<vmem>> -> memref<8x128xf32, #tpu.memory_space<vmem>>
    %dma_start3A_978 = arith.constant 0 : i32
    %dma_start3A_979 = tpu.memref_slice %arg4[%dma_start3A_978, %multiple_of3A_969] : memref<16x1000000xf32, #tpu.memory_space<hbm>> -> memref<8x128xf32, #tpu.memory_space<hbm>>
    %dma_start3A_980 = tpu.memref_slice %arg12[%rem3A_550] : memref<3x!tpu.dma_semaphore, #tpu.memory_space<semaphore_mem>> -> memref<1x!tpu.dma_semaphore, #tpu.memory_space<semaphore_mem>>
    %dma_start3A_981 = tpu.memref_squeeze %dma_start3A_980 : memref<1x!tpu.dma_semaphore, #tpu.memory_space<semaphore_mem>> -> memref<!tpu.dma_semaphore, #tpu.memory_space<semaphore_mem>>
    %dma_start3A_982 = arith.constant 0 : i32
    %dma_start3A_983 = arith.constant 0 : i32
    %dma_start3A_984 = tpu.memref_slice %arg10[%rem3A_550, %dma_start3A_973, %dma_start3A_982, %dma_start3A_983] : memref<3x16x16x128xf32, #tpu.memory_space<vmem>> -> memref<1x1x8x128xf32, #tpu.memory_space<vmem>>
    %dma_start3A_985 = tpu.memref_squeeze %dma_start3A_984 : memref<1x1x8x128xf32, #tpu.memory_space<vmem>> -> memref<8x128xf32, #tpu.memory_space<vmem>>
    %dma_start3A_986 = arith.constant 0 : i32
    %dma_start3A_987 = tpu.memref_slice %arg4[%dma_start3A_986, %multiple_of3A_969] : memref<16x1000000xf32, #tpu.memory_space<hbm>> -> memref<8x128xf32, #tpu.memory_space<hbm>>
    tpu.enqueue_dma source(%dma_start3A_987 : memref<8x128xf32, #tpu.memory_space<hbm>>) target(%dma_start3A_985 : memref<8x128xf32, #tpu.memory_space<vmem>>) target_semaphore(%dma_start3A_981 : memref<!tpu.dma_semaphore, #tpu.memory_space<semaphore_mem>>)
    %dma_start3A_988 = arith.constant 14 : i32
    %dma_start3A_989 = arith.constant 0 : i32
    %dma_start3A_990 = arith.constant 0 : i32
    %dma_start3A_991 = tpu.memref_slice %arg10[%rem3A_550, %dma_start3A_988, %dma_start3A_989, %dma_start3A_990] : memref<3x16x16x128xf32, #tpu.memory_space<vmem>> -> memref<1x1x8x128xf32, #tpu.memory_space<vmem>>
    %dma_start3A_992 = tpu.memref_squeeze %dma_start3A_991 : memref<1x1x8x128xf32, #tpu.memory_space<vmem>> -> memref<8x128xf32, #tpu.memory_space<vmem>>
    %dma_start3A_993 = arith.constant 0 : i32
    %dma_start3A_994 = tpu.memref_slice %arg5[%dma_start3A_993, %multiple_of3A_972] : memref<16x1000000xf32, #tpu.memory_space<hbm>> -> memref<8x128xf32, #tpu.memory_space<hbm>>
    %dma_start3A_995 = tpu.memref_slice %arg12[%rem3A_550] : memref<3x!tpu.dma_semaphore, #tpu.memory_space<semaphore_mem>> -> memref<1x!tpu.dma_semaphore, #tpu.memory_space<semaphore_mem>>
    %dma_start3A_996 = tpu.memref_squeeze %dma_start3A_995 : memref<1x!tpu.dma_semaphore, #tpu.memory_space<semaphore_mem>> -> memref<!tpu.dma_semaphore, #tpu.memory_space<semaphore_mem>>
    %dma_start3A_997 = arith.constant 0 : i32
    %dma_start3A_998 = arith.constant 0 : i32
    %dma_start3A_999 = tpu.memref_slice %arg10[%rem3A_550, %dma_start3A_988, %dma_start3A_997, %dma_start3A_998] : memref<3x16x16x128xf32, #tpu.memory_space<vmem>> -> memref<1x1x8x128xf32, #tpu.memory_space<vmem>>
    %dma_start3A_1000 = tpu.memref_squeeze %dma_start3A_999 : memref<1x1x8x128xf32, #tpu.memory_space<vmem>> -> memref<8x128xf32, #tpu.memory_space<vmem>>
    %dma_start3A_1001 = arith.constant 0 : i32
    %dma_start3A_1002 = tpu.memref_slice %arg5[%dma_start3A_1001, %multiple_of3A_972] : memref<16x1000000xf32, #tpu.memory_space<hbm>> -> memref<8x128xf32, #tpu.memory_space<hbm>>
    tpu.enqueue_dma source(%dma_start3A_1002 : memref<8x128xf32, #tpu.memory_space<hbm>>) target(%dma_start3A_1000 : memref<8x128xf32, #tpu.memory_space<vmem>>) target_semaphore(%dma_start3A_996 : memref<!tpu.dma_semaphore, #tpu.memory_space<semaphore_mem>>)
    %dma_start3A_1003 = arith.constant 6 : i32
    %dma_start3A_1004 = arith.constant 8 : i32
    %dma_start3A_1005 = arith.constant 0 : i32
    %dma_start3A_1006 = tpu.memref_slice %arg10[%rem3A_550, %dma_start3A_1003, %dma_start3A_1004, %dma_start3A_1005] : memref<3x16x16x128xf32, #tpu.memory_space<vmem>> -> memref<1x1x8x128xf32, #tpu.memory_space<vmem>>
    %dma_start3A_1007 = tpu.memref_squeeze %dma_start3A_1006 : memref<1x1x8x128xf32, #tpu.memory_space<vmem>> -> memref<8x128xf32, #tpu.memory_space<vmem>>
    %dma_start3A_1008 = arith.constant 8 : i32
    %dma_start3A_1009 = tpu.memref_slice %arg4[%dma_start3A_1008, %multiple_of3A_969] : memref<16x1000000xf32, #tpu.memory_space<hbm>> -> memref<8x128xf32, #tpu.memory_space<hbm>>
    %dma_start3A_1010 = tpu.memref_slice %arg12[%rem3A_550] : memref<3x!tpu.dma_semaphore, #tpu.memory_space<semaphore_mem>> -> memref<1x!tpu.dma_semaphore, #tpu.memory_space<semaphore_mem>>
    %dma_start3A_1011 = tpu.memref_squeeze %dma_start3A_1010 : memref<1x!tpu.dma_semaphore, #tpu.memory_space<semaphore_mem>> -> memref<!tpu.dma_semaphore, #tpu.memory_space<semaphore_mem>>
    %dma_start3A_1012 = arith.constant 8 : i32
    %dma_start3A_1013 = arith.constant 0 : i32
    %dma_start3A_1014 = tpu.memref_slice %arg10[%rem3A_550, %dma_start3A_1003, %dma_start3A_1012, %dma_start3A_1013] : memref<3x16x16x128xf32, #tpu.memory_space<vmem>> -> memref<1x1x8x128xf32, #tpu.memory_space<vmem>>
    %dma_start3A_1015 = tpu.memref_squeeze %dma_start3A_1014 : memref<1x1x8x128xf32, #tpu.memory_space<vmem>> -> memref<8x128xf32, #tpu.memory_space<vmem>>
    %dma_start3A_1016 = arith.constant 8 : i32
    %dma_start3A_1017 = tpu.memref_slice %arg4[%dma_start3A_1016, %multiple_of3A_969] : memref<16x1000000xf32, #tpu.memory_space<hbm>> -> memref<8x128xf32, #tpu.memory_space<hbm>>
    tpu.enqueue_dma source(%dma_start3A_1017 : memref<8x128xf32, #tpu.memory_space<hbm>>) target(%dma_start3A_1015 : memref<8x128xf32, #tpu.memory_space<vmem>>) target_semaphore(%dma_start3A_1011 : memref<!tpu.dma_semaphore, #tpu.memory_space<semaphore_mem>>)
    %dma_start3A_1018 = arith.constant 14 : i32
    %dma_start3A_1019 = arith.constant 8 : i32
    %dma_start3A_1020 = arith.constant 0 : i32
    %dma_start3A_1021 = tpu.memref_slice %arg10[%rem3A_550, %dma_start3A_1018, %dma_start3A_1019, %dma_start3A_1020] : memref<3x16x16x128xf32, #tpu.memory_space<vmem>> -> memref<1x1x8x128xf32, #tpu.memory_space<vmem>>
    %dma_start3A_1022 = tpu.memref_squeeze %dma_start3A_1021 : memref<1x1x8x128xf32, #tpu.memory_space<vmem>> -> memref<8x128xf32, #tpu.memory_space<vmem>>
    %dma_start3A_1023 = arith.constant 8 : i32
    %dma_start3A_1024 = tpu.memref_slice %arg5[%dma_start3A_1023, %multiple_of3A_972] : memref<16x1000000xf32, #tpu.memory_space<hbm>> -> memref<8x128xf32, #tpu.memory_space<hbm>>
    %dma_start3A_1025 = tpu.memref_slice %arg12[%rem3A_550] : memref<3x!tpu.dma_semaphore, #tpu.memory_space<semaphore_mem>> -> memref<1x!tpu.dma_semaphore, #tpu.memory_space<semaphore_mem>>
    %dma_start3A_1026 = tpu.memref_squeeze %dma_start3A_1025 : memref<1x!tpu.dma_semaphore, #tpu.memory_space<semaphore_mem>> -> memref<!tpu.dma_semaphore, #tpu.memory_space<semaphore_mem>>
    %dma_start3A_1027 = arith.constant 8 : i32
    %dma_start3A_1028 = arith.constant 0 : i32
    %dma_start3A_1029 = tpu.memref_slice %arg10[%rem3A_550, %dma_start3A_1018, %dma_start3A_1027, %dma_start3A_1028] : memref<3x16x16x128xf32, #tpu.memory_space<vmem>> -> memref<1x1x8x128xf32, #tpu.memory_space<vmem>>
    %dma_start3A_1030 = tpu.memref_squeeze %dma_start3A_1029 : memref<1x1x8x128xf32, #tpu.memory_space<vmem>> -> memref<8x128xf32, #tpu.memory_space<vmem>>
    %dma_start3A_1031 = arith.constant 8 : i32
    %dma_start3A_1032 = tpu.memref_slice %arg5[%dma_start3A_1031, %multiple_of3A_972] : memref<16x1000000xf32, #tpu.memory_space<hbm>> -> memref<8x128xf32, #tpu.memory_space<hbm>>
    tpu.enqueue_dma source(%dma_start3A_1032 : memref<8x128xf32, #tpu.memory_space<hbm>>) target(%dma_start3A_1030 : memref<8x128xf32, #tpu.memory_space<vmem>>) target_semaphore(%dma_start3A_1026 : memref<!tpu.dma_semaphore, #tpu.memory_space<semaphore_mem>>)
    %slice3A_1033 = vector.extract_strided_slice %shift_left3A_564 {offsets = [7], sizes = [1], strides = [1]} : vector<16xi32> to vector<1xi32>
    %squeeze3A_1034 = vector.extract %slice3A_1033[0] : i32 from vector<1xi32>
    %multiple_of3A_1035 = tpu.assume_multiple %squeeze3A_1034, 128 : i32
    %slice3A_1036 = vector.extract_strided_slice %shift_left3A_570 {offsets = [7], sizes = [1], strides = [1]} : vector<16xi32> to vector<1xi32>
    %squeeze3A_1037 = vector.extract %slice3A_1036[0] : i32 from vector<1xi32>
    %multiple_of3A_1038 = tpu.assume_multiple %squeeze3A_1037, 128 : i32
    %dma_start3A_1039 = arith.constant 7 : i32
    %dma_start3A_1040 = arith.constant 0 : i32
    %dma_start3A_1041 = arith.constant 0 : i32
    %dma_start3A_1042 = tpu.memref_slice %arg10[%rem3A_550, %dma_start3A_1039, %dma_start3A_1040, %dma_start3A_1041] : memref<3x16x16x128xf32, #tpu.memory_space<vmem>> -> memref<1x1x8x128xf32, #tpu.memory_space<vmem>>
    %dma_start3A_1043 = tpu.memref_squeeze %dma_start3A_1042 : memref<1x1x8x128xf32, #tpu.memory_space<vmem>> -> memref<8x128xf32, #tpu.memory_space<vmem>>
    %dma_start3A_1044 = arith.constant 0 : i32
    %dma_start3A_1045 = tpu.memref_slice %arg4[%dma_start3A_1044, %multiple_of3A_1035] : memref<16x1000000xf32, #tpu.memory_space<hbm>> -> memref<8x128xf32, #tpu.memory_space<hbm>>
    %dma_start3A_1046 = tpu.memref_slice %arg12[%rem3A_550] : memref<3x!tpu.dma_semaphore, #tpu.memory_space<semaphore_mem>> -> memref<1x!tpu.dma_semaphore, #tpu.memory_space<semaphore_mem>>
    %dma_start3A_1047 = tpu.memref_squeeze %dma_start3A_1046 : memref<1x!tpu.dma_semaphore, #tpu.memory_space<semaphore_mem>> -> memref<!tpu.dma_semaphore, #tpu.memory_space<semaphore_mem>>
    %dma_start3A_1048 = arith.constant 0 : i32
    %dma_start3A_1049 = arith.constant 0 : i32
    %dma_start3A_1050 = tpu.memref_slice %arg10[%rem3A_550, %dma_start3A_1039, %dma_start3A_1048, %dma_start3A_1049] : memref<3x16x16x128xf32, #tpu.memory_space<vmem>> -> memref<1x1x8x128xf32, #tpu.memory_space<vmem>>
    %dma_start3A_1051 = tpu.memref_squeeze %dma_start3A_1050 : memref<1x1x8x128xf32, #tpu.memory_space<vmem>> -> memref<8x128xf32, #tpu.memory_space<vmem>>
    %dma_start3A_1052 = arith.constant 0 : i32
    %dma_start3A_1053 = tpu.memref_slice %arg4[%dma_start3A_1052, %multiple_of3A_1035] : memref<16x1000000xf32, #tpu.memory_space<hbm>> -> memref<8x128xf32, #tpu.memory_space<hbm>>
    tpu.enqueue_dma source(%dma_start3A_1053 : memref<8x128xf32, #tpu.memory_space<hbm>>) target(%dma_start3A_1051 : memref<8x128xf32, #tpu.memory_space<vmem>>) target_semaphore(%dma_start3A_1047 : memref<!tpu.dma_semaphore, #tpu.memory_space<semaphore_mem>>)
    %dma_start3A_1054 = arith.constant 15 : i32
    %dma_start3A_1055 = arith.constant 0 : i32
    %dma_start3A_1056 = arith.constant 0 : i32
    %dma_start3A_1057 = tpu.memref_slice %arg10[%rem3A_550, %dma_start3A_1054, %dma_start3A_1055, %dma_start3A_1056] : memref<3x16x16x128xf32, #tpu.memory_space<vmem>> -> memref<1x1x8x128xf32, #tpu.memory_space<vmem>>
    %dma_start3A_1058 = tpu.memref_squeeze %dma_start3A_1057 : memref<1x1x8x128xf32, #tpu.memory_space<vmem>> -> memref<8x128xf32, #tpu.memory_space<vmem>>
    %dma_start3A_1059 = arith.constant 0 : i32
    %dma_start3A_1060 = tpu.memref_slice %arg5[%dma_start3A_1059, %multiple_of3A_1038] : memref<16x1000000xf32, #tpu.memory_space<hbm>> -> memref<8x128xf32, #tpu.memory_space<hbm>>
    %dma_start3A_1061 = tpu.memref_slice %arg12[%rem3A_550] : memref<3x!tpu.dma_semaphore, #tpu.memory_space<semaphore_mem>> -> memref<1x!tpu.dma_semaphore, #tpu.memory_space<semaphore_mem>>
    %dma_start3A_1062 = tpu.memref_squeeze %dma_start3A_1061 : memref<1x!tpu.dma_semaphore, #tpu.memory_space<semaphore_mem>> -> memref<!tpu.dma_semaphore, #tpu.memory_space<semaphore_mem>>
    %dma_start3A_1063 = arith.constant 0 : i32
    %dma_start3A_1064 = arith.constant 0 : i32
    %dma_start3A_1065 = tpu.memref_slice %arg10[%rem3A_550, %dma_start3A_1054, %dma_start3A_1063, %dma_start3A_1064] : memref<3x16x16x128xf32, #tpu.memory_space<vmem>> -> memref<1x1x8x128xf32, #tpu.memory_space<vmem>>
    %dma_start3A_1066 = tpu.memref_squeeze %dma_start3A_1065 : memref<1x1x8x128xf32, #tpu.memory_space<vmem>> -> memref<8x128xf32, #tpu.memory_space<vmem>>
    %dma_start3A_1067 = arith.constant 0 : i32
    %dma_start3A_1068 = tpu.memref_slice %arg5[%dma_start3A_1067, %multiple_of3A_1038] : memref<16x1000000xf32, #tpu.memory_space<hbm>> -> memref<8x128xf32, #tpu.memory_space<hbm>>
    tpu.enqueue_dma source(%dma_start3A_1068 : memref<8x128xf32, #tpu.memory_space<hbm>>) target(%dma_start3A_1066 : memref<8x128xf32, #tpu.memory_space<vmem>>) target_semaphore(%dma_start3A_1062 : memref<!tpu.dma_semaphore, #tpu.memory_space<semaphore_mem>>)
    %dma_start3A_1069 = arith.constant 7 : i32
    %dma_start3A_1070 = arith.constant 8 : i32
    %dma_start3A_1071 = arith.constant 0 : i32
    %dma_start3A_1072 = tpu.memref_slice %arg10[%rem3A_550, %dma_start3A_1069, %dma_start3A_1070, %dma_start3A_1071] : memref<3x16x16x128xf32, #tpu.memory_space<vmem>> -> memref<1x1x8x128xf32, #tpu.memory_space<vmem>>
    %dma_start3A_1073 = tpu.memref_squeeze %dma_start3A_1072 : memref<1x1x8x128xf32, #tpu.memory_space<vmem>> -> memref<8x128xf32, #tpu.memory_space<vmem>>
    %dma_start3A_1074 = arith.constant 8 : i32
    %dma_start3A_1075 = tpu.memref_slice %arg4[%dma_start3A_1074, %multiple_of3A_1035] : memref<16x1000000xf32, #tpu.memory_space<hbm>> -> memref<8x128xf32, #tpu.memory_space<hbm>>
    %dma_start3A_1076 = tpu.memref_slice %arg12[%rem3A_550] : memref<3x!tpu.dma_semaphore, #tpu.memory_space<semaphore_mem>> -> memref<1x!tpu.dma_semaphore, #tpu.memory_space<semaphore_mem>>
    %dma_start3A_1077 = tpu.memref_squeeze %dma_start3A_1076 : memref<1x!tpu.dma_semaphore, #tpu.memory_space<semaphore_mem>> -> memref<!tpu.dma_semaphore, #tpu.memory_space<semaphore_mem>>
    %dma_start3A_1078 = arith.constant 8 : i32
    %dma_start3A_1079 = arith.constant 0 : i32
    %dma_start3A_1080 = tpu.memref_slice %arg10[%rem3A_550, %dma_start3A_1069, %dma_start3A_1078, %dma_start3A_1079] : memref<3x16x16x128xf32, #tpu.memory_space<vmem>> -> memref<1x1x8x128xf32, #tpu.memory_space<vmem>>
    %dma_start3A_1081 = tpu.memref_squeeze %dma_start3A_1080 : memref<1x1x8x128xf32, #tpu.memory_space<vmem>> -> memref<8x128xf32, #tpu.memory_space<vmem>>
    %dma_start3A_1082 = arith.constant 8 : i32
    %dma_start3A_1083 = tpu.memref_slice %arg4[%dma_start3A_1082, %multiple_of3A_1035] : memref<16x1000000xf32, #tpu.memory_space<hbm>> -> memref<8x128xf32, #tpu.memory_space<hbm>>
    tpu.enqueue_dma source(%dma_start3A_1083 : memref<8x128xf32, #tpu.memory_space<hbm>>) target(%dma_start3A_1081 : memref<8x128xf32, #tpu.memory_space<vmem>>) target_semaphore(%dma_start3A_1077 : memref<!tpu.dma_semaphore, #tpu.memory_space<semaphore_mem>>)
    %dma_start3A_1084 = arith.constant 15 : i32
    %dma_start3A_1085 = arith.constant 8 : i32
    %dma_start3A_1086 = arith.constant 0 : i32
    %dma_start3A_1087 = tpu.memref_slice %arg10[%rem3A_550, %dma_start3A_1084, %dma_start3A_1085, %dma_start3A_1086] : memref<3x16x16x128xf32, #tpu.memory_space<vmem>> -> memref<1x1x8x128xf32, #tpu.memory_space<vmem>>
    %dma_start3A_1088 = tpu.memref_squeeze %dma_start3A_1087 : memref<1x1x8x128xf32, #tpu.memory_space<vmem>> -> memref<8x128xf32, #tpu.memory_space<vmem>>
    %dma_start3A_1089 = arith.constant 8 : i32
    %dma_start3A_1090 = tpu.memref_slice %arg5[%dma_start3A_1089, %multiple_of3A_1038] : memref<16x1000000xf32, #tpu.memory_space<hbm>> -> memref<8x128xf32, #tpu.memory_space<hbm>>
    %dma_start3A_1091 = tpu.memref_slice %arg12[%rem3A_550] : memref<3x!tpu.dma_semaphore, #tpu.memory_space<semaphore_mem>> -> memref<1x!tpu.dma_semaphore, #tpu.memory_space<semaphore_mem>>
    %dma_start3A_1092 = tpu.memref_squeeze %dma_start3A_1091 : memref<1x!tpu.dma_semaphore, #tpu.memory_space<semaphore_mem>> -> memref<!tpu.dma_semaphore, #tpu.memory_space<semaphore_mem>>
    %dma_start3A_1093 = arith.constant 8 : i32
    %dma_start3A_1094 = arith.constant 0 : i32
    %dma_start3A_1095 = tpu.memref_slice %arg10[%rem3A_550, %dma_start3A_1084, %dma_start3A_1093, %dma_start3A_1094] : memref<3x16x16x128xf32, #tpu.memory_space<vmem>> -> memref<1x1x8x128xf32, #tpu.memory_space<vmem>>
    %dma_start3A_1096 = tpu.memref_squeeze %dma_start3A_1095 : memref<1x1x8x128xf32, #tpu.memory_space<vmem>> -> memref<8x128xf32, #tpu.memory_space<vmem>>
    %dma_start3A_1097 = arith.constant 8 : i32
    %dma_start3A_1098 = tpu.memref_slice %arg5[%dma_start3A_1097, %multiple_of3A_1038] : memref<16x1000000xf32, #tpu.memory_space<hbm>> -> memref<8x128xf32, #tpu.memory_space<hbm>>
    tpu.enqueue_dma source(%dma_start3A_1098 : memref<8x128xf32, #tpu.memory_space<hbm>>) target(%dma_start3A_1096 : memref<8x128xf32, #tpu.memory_space<vmem>>) target_semaphore(%dma_start3A_1092 : memref<!tpu.dma_semaphore, #tpu.memory_space<semaphore_mem>>)
    %scan3A = arith.constant 0 : i32
    %scan3A_1099 = arith.constant 0 : i32
    %scan3A_1100 = arith.constant 64 : i32
    %scan3A_1101 = arith.addi %scan3A_1099, %scan3A_1100 : i32
    %scan3A_1102 = arith.constant 1 : i32
    scf.for %scan3A_1104 = %scan3A_1099 to %scan3A_1101 step %scan3A_1102  : i32 {
      %rem3A_1105 = arith.constant 3 : i32
      %rem3A_1106 = arith.remsi %scan3A_1104, %rem3A_1105 : i32
      %add3A_1107 = arith.constant 2 : i32
      %add3A_1108 = arith.addi %scan3A_1104, %add3A_1107 : i32
      %lt3A = arith.constant 64 : i32
      %lt3A_1109 = arith.cmpi slt, %add3A_1108, %lt3A : i32
      %convert_element_type3A = arith.extui %lt3A_1109 : i1 to i32
      %cond3A = arith.constant 0 : i32
      %cond3A_1110 = arith.cmpi ne, %convert_element_type3A, %cond3A : i32
      scf.if %cond3A_1110 {
        %add3A_1287 = arith.constant 2 : i32
        %add3A_1288 = arith.addi %scan3A_1104, %add3A_1287 : i32
        %rem3A_1289 = arith.constant 3 : i32
        %rem3A_1290 = arith.remsi %add3A_1288, %rem3A_1289 : i32
        %mul3A_1291 = arith.constant 8 : i32
        %mul3A_1292 = arith.muli %add3A_1288, %mul3A_1291 : i32
        %add3A_1293 = vector.broadcast %mul3A_1292 : i32 to vector<16xi32>
        %add3A_1294 = arith.addi %add3A_1293, %and3A_4 : vector<16xi32>
        %gather3A_1295 = tpu.vector_load_idx %arg8[%add3A_1294] : memref<512xi32, #tpu.memory_space<vmem>>[vector<16xi32>], vector<16xi32>,
        %mul3A_1296 = arith.constant 8 : i32
        %mul3A_1297 = arith.muli %add3A_1288, %mul3A_1296 : i32
        %add3A_1298 = vector.broadcast %mul3A_1297 : i32 to vector<16xi32>
        %add3A_1299 = arith.addi %add3A_1298, %and3A_4 : vector<16xi32>
        %gather3A_1300 = tpu.vector_load_idx %arg9[%add3A_1299] : memref<512xi32, #tpu.memory_space<vmem>>[vector<16xi32>], vector<16xi32>,
        %shift_right_logical3A_1301 = arith.constant 7 : i32
        %shift_right_logical3A_1302 = vector.broadcast %shift_right_logical3A_1301 : i32 to vector<16xi32>
        %shift_right_logical3A_1303 = arith.shrui %gather3A_1295, %shift_right_logical3A_1302 : vector<16xi32>
        %shift_left3A_1304 = arith.constant 7 : i32
        %shift_left3A_1305 = vector.broadcast %shift_left3A_1304 : i32 to vector<16xi32>
        %shift_left3A_1306 = arith.shli %shift_right_logical3A_1303, %shift_left3A_1305 : vector<16xi32>
        %shift_right_logical3A_1307 = arith.constant 7 : i32
        %shift_right_logical3A_1308 = vector.broadcast %shift_right_logical3A_1307 : i32 to vector<16xi32>
        %shift_right_logical3A_1309 = arith.shrui %gather3A_1300, %shift_right_logical3A_1308 : vector<16xi32>
        %shift_left3A_1310 = arith.constant 7 : i32
        %shift_left3A_1311 = vector.broadcast %shift_left3A_1310 : i32 to vector<16xi32>
        %shift_left3A_1312 = arith.shli %shift_right_logical3A_1309, %shift_left3A_1311 : vector<16xi32>
        %slice3A_1313 = vector.extract_strided_slice %shift_left3A_1306 {offsets = [0], sizes = [1], strides = [1]} : vector<16xi32> to vector<1xi32>
        %squeeze3A_1314 = vector.extract %slice3A_1313[0] : i32 from vector<1xi32>
        %multiple_of3A_1315 = tpu.assume_multiple %squeeze3A_1314, 128 : i32
        %slice3A_1316 = vector.extract_strided_slice %shift_left3A_1312 {offsets = [0], sizes = [1], strides = [1]} : vector<16xi32> to vector<1xi32>
        %squeeze3A_1317 = vector.extract %slice3A_1316[0] : i32 from vector<1xi32>
        %multiple_of3A_1318 = tpu.assume_multiple %squeeze3A_1317, 128 : i32
        %dma_start3A_1319 = arith.constant 0 : i32
        %dma_start3A_1320 = arith.constant 0 : i32
        %dma_start3A_1321 = arith.constant 0 : i32
        %dma_start3A_1322 = tpu.memref_slice %arg10[%rem3A_1290, %dma_start3A_1319, %dma_start3A_1320, %dma_start3A_1321] : memref<3x16x16x128xf32, #tpu.memory_space<vmem>> -> memref<1x1x8x128xf32, #tpu.memory_space<vmem>>
        %dma_start3A_1323 = tpu.memref_squeeze %dma_start3A_1322 : memref<1x1x8x128xf32, #tpu.memory_space<vmem>> -> memref<8x128xf32, #tpu.memory_space<vmem>>
        %dma_start3A_1324 = arith.constant 0 : i32
        %dma_start3A_1325 = tpu.memref_slice %arg4[%dma_start3A_1324, %multiple_of3A_1315] : memref<16x1000000xf32, #tpu.memory_space<hbm>> -> memref<8x128xf32, #tpu.memory_space<hbm>>
        %dma_start3A_1326 = tpu.memref_slice %arg12[%rem3A_1290] : memref<3x!tpu.dma_semaphore, #tpu.memory_space<semaphore_mem>> -> memref<1x!tpu.dma_semaphore, #tpu.memory_space<semaphore_mem>>
        %dma_start3A_1327 = tpu.memref_squeeze %dma_start3A_1326 : memref<1x!tpu.dma_semaphore, #tpu.memory_space<semaphore_mem>> -> memref<!tpu.dma_semaphore, #tpu.memory_space<semaphore_mem>>
        %dma_start3A_1328 = arith.constant 0 : i32
        %dma_start3A_1329 = arith.constant 0 : i32
        %dma_start3A_1330 = tpu.memref_slice %arg10[%rem3A_1290, %dma_start3A_1319, %dma_start3A_1328, %dma_start3A_1329] : memref<3x16x16x128xf32, #tpu.memory_space<vmem>> -> memref<1x1x8x128xf32, #tpu.memory_space<vmem>>
        %dma_start3A_1331 = tpu.memref_squeeze %dma_start3A_1330 : memref<1x1x8x128xf32, #tpu.memory_space<vmem>> -> memref<8x128xf32, #tpu.memory_space<vmem>>
        %dma_start3A_1332 = arith.constant 0 : i32
        %dma_start3A_1333 = tpu.memref_slice %arg4[%dma_start3A_1332, %multiple_of3A_1315] : memref<16x1000000xf32, #tpu.memory_space<hbm>> -> memref<8x128xf32, #tpu.memory_space<hbm>>
        tpu.enqueue_dma source(%dma_start3A_1333 : memref<8x128xf32, #tpu.memory_space<hbm>>) target(%dma_start3A_1331 : memref<8x128xf32, #tpu.memory_space<vmem>>) target_semaphore(%dma_start3A_1327 : memref<!tpu.dma_semaphore, #tpu.memory_space<semaphore_mem>>)
        %dma_start3A_1334 = arith.constant 8 : i32
        %dma_start3A_1335 = arith.constant 0 : i32
        %dma_start3A_1336 = arith.constant 0 : i32
        %dma_start3A_1337 = tpu.memref_slice %arg10[%rem3A_1290, %dma_start3A_1334, %dma_start3A_1335, %dma_start3A_1336] : memref<3x16x16x128xf32, #tpu.memory_space<vmem>> -> memref<1x1x8x128xf32, #tpu.memory_space<vmem>>
        %dma_start3A_1338 = tpu.memref_squeeze %dma_start3A_1337 : memref<1x1x8x128xf32, #tpu.memory_space<vmem>> -> memref<8x128xf32, #tpu.memory_space<vmem>>
        %dma_start3A_1339 = arith.constant 0 : i32
        %dma_start3A_1340 = tpu.memref_slice %arg5[%dma_start3A_1339, %multiple_of3A_1318] : memref<16x1000000xf32, #tpu.memory_space<hbm>> -> memref<8x128xf32, #tpu.memory_space<hbm>>
        %dma_start3A_1341 = tpu.memref_slice %arg12[%rem3A_1290] : memref<3x!tpu.dma_semaphore, #tpu.memory_space<semaphore_mem>> -> memref<1x!tpu.dma_semaphore, #tpu.memory_space<semaphore_mem>>
        %dma_start3A_1342 = tpu.memref_squeeze %dma_start3A_1341 : memref<1x!tpu.dma_semaphore, #tpu.memory_space<semaphore_mem>> -> memref<!tpu.dma_semaphore, #tpu.memory_space<semaphore_mem>>
        %dma_start3A_1343 = arith.constant 0 : i32
        %dma_start3A_1344 = arith.constant 0 : i32
        %dma_start3A_1345 = tpu.memref_slice %arg10[%rem3A_1290, %dma_start3A_1334, %dma_start3A_1343, %dma_start3A_1344] : memref<3x16x16x128xf32, #tpu.memory_space<vmem>> -> memref<1x1x8x128xf32, #tpu.memory_space<vmem>>
        %dma_start3A_1346 = tpu.memref_squeeze %dma_start3A_1345 : memref<1x1x8x128xf32, #tpu.memory_space<vmem>> -> memref<8x128xf32, #tpu.memory_space<vmem>>
        %dma_start3A_1347 = arith.constant 0 : i32
        %dma_start3A_1348 = tpu.memref_slice %arg5[%dma_start3A_1347, %multiple_of3A_1318] : memref<16x1000000xf32, #tpu.memory_space<hbm>> -> memref<8x128xf32, #tpu.memory_space<hbm>>
        tpu.enqueue_dma source(%dma_start3A_1348 : memref<8x128xf32, #tpu.memory_space<hbm>>) target(%dma_start3A_1346 : memref<8x128xf32, #tpu.memory_space<vmem>>) target_semaphore(%dma_start3A_1342 : memref<!tpu.dma_semaphore, #tpu.memory_space<semaphore_mem>>)
        %dma_start3A_1349 = arith.constant 0 : i32
        %dma_start3A_1350 = arith.constant 8 : i32
        %dma_start3A_1351 = arith.constant 0 : i32
        %dma_start3A_1352 = tpu.memref_slice %arg10[%rem3A_1290, %dma_start3A_1349, %dma_start3A_1350, %dma_start3A_1351] : memref<3x16x16x128xf32, #tpu.memory_space<vmem>> -> memref<1x1x8x128xf32, #tpu.memory_space<vmem>>
        %dma_start3A_1353 = tpu.memref_squeeze %dma_start3A_1352 : memref<1x1x8x128xf32, #tpu.memory_space<vmem>> -> memref<8x128xf32, #tpu.memory_space<vmem>>
        %dma_start3A_1354 = arith.constant 8 : i32
        %dma_start3A_1355 = tpu.memref_slice %arg4[%dma_start3A_1354, %multiple_of3A_1315] : memref<16x1000000xf32, #tpu.memory_space<hbm>> -> memref<8x128xf32, #tpu.memory_space<hbm>>
        %dma_start3A_1356 = tpu.memref_slice %arg12[%rem3A_1290] : memref<3x!tpu.dma_semaphore, #tpu.memory_space<semaphore_mem>> -> memref<1x!tpu.dma_semaphore, #tpu.memory_space<semaphore_mem>>
        %dma_start3A_1357 = tpu.memref_squeeze %dma_start3A_1356 : memref<1x!tpu.dma_semaphore, #tpu.memory_space<semaphore_mem>> -> memref<!tpu.dma_semaphore, #tpu.memory_space<semaphore_mem>>
        %dma_start3A_1358 = arith.constant 8 : i32
        %dma_start3A_1359 = arith.constant 0 : i32
        %dma_start3A_1360 = tpu.memref_slice %arg10[%rem3A_1290, %dma_start3A_1349, %dma_start3A_1358, %dma_start3A_1359] : memref<3x16x16x128xf32, #tpu.memory_space<vmem>> -> memref<1x1x8x128xf32, #tpu.memory_space<vmem>>
        %dma_start3A_1361 = tpu.memref_squeeze %dma_start3A_1360 : memref<1x1x8x128xf32, #tpu.memory_space<vmem>> -> memref<8x128xf32, #tpu.memory_space<vmem>>
        %dma_start3A_1362 = arith.constant 8 : i32
        %dma_start3A_1363 = tpu.memref_slice %arg4[%dma_start3A_1362, %multiple_of3A_1315] : memref<16x1000000xf32, #tpu.memory_space<hbm>> -> memref<8x128xf32, #tpu.memory_space<hbm>>
        tpu.enqueue_dma source(%dma_start3A_1363 : memref<8x128xf32, #tpu.memory_space<hbm>>) target(%dma_start3A_1361 : memref<8x128xf32, #tpu.memory_space<vmem>>) target_semaphore(%dma_start3A_1357 : memref<!tpu.dma_semaphore, #tpu.memory_space<semaphore_mem>>)
        %dma_start3A_1364 = arith.constant 8 : i32
        %dma_start3A_1365 = arith.constant 8 : i32
        %dma_start3A_1366 = arith.constant 0 : i32
        %dma_start3A_1367 = tpu.memref_slice %arg10[%rem3A_1290, %dma_start3A_1364, %dma_start3A_1365, %dma_start3A_1366] : memref<3x16x16x128xf32, #tpu.memory_space<vmem>> -> memref<1x1x8x128xf32, #tpu.memory_space<vmem>>
        %dma_start3A_1368 = tpu.memref_squeeze %dma_start3A_1367 : memref<1x1x8x128xf32, #tpu.memory_space<vmem>> -> memref<8x128xf32, #tpu.memory_space<vmem>>
        %dma_start3A_1369 = arith.constant 8 : i32
        %dma_start3A_1370 = tpu.memref_slice %arg5[%dma_start3A_1369, %multiple_of3A_1318] : memref<16x1000000xf32, #tpu.memory_space<hbm>> -> memref<8x128xf32, #tpu.memory_space<hbm>>
        %dma_start3A_1371 = tpu.memref_slice %arg12[%rem3A_1290] : memref<3x!tpu.dma_semaphore, #tpu.memory_space<semaphore_mem>> -> memref<1x!tpu.dma_semaphore, #tpu.memory_space<semaphore_mem>>
        %dma_start3A_1372 = tpu.memref_squeeze %dma_start3A_1371 : memref<1x!tpu.dma_semaphore, #tpu.memory_space<semaphore_mem>> -> memref<!tpu.dma_semaphore, #tpu.memory_space<semaphore_mem>>
        %dma_start3A_1373 = arith.constant 8 : i32
        %dma_start3A_1374 = arith.constant 0 : i32
        %dma_start3A_1375 = tpu.memref_slice %arg10[%rem3A_1290, %dma_start3A_1364, %dma_start3A_1373, %dma_start3A_1374] : memref<3x16x16x128xf32, #tpu.memory_space<vmem>> -> memref<1x1x8x128xf32, #tpu.memory_space<vmem>>
        %dma_start3A_1376 = tpu.memref_squeeze %dma_start3A_1375 : memref<1x1x8x128xf32, #tpu.memory_space<vmem>> -> memref<8x128xf32, #tpu.memory_space<vmem>>
        %dma_start3A_1377 = arith.constant 8 : i32
        %dma_start3A_1378 = tpu.memref_slice %arg5[%dma_start3A_1377, %multiple_of3A_1318] : memref<16x1000000xf32, #tpu.memory_space<hbm>> -> memref<8x128xf32, #tpu.memory_space<hbm>>
        tpu.enqueue_dma source(%dma_start3A_1378 : memref<8x128xf32, #tpu.memory_space<hbm>>) target(%dma_start3A_1376 : memref<8x128xf32, #tpu.memory_space<vmem>>) target_semaphore(%dma_start3A_1372 : memref<!tpu.dma_semaphore, #tpu.memory_space<semaphore_mem>>)
        %slice3A_1379 = vector.extract_strided_slice %shift_left3A_1306 {offsets = [1], sizes = [1], strides = [1]} : vector<16xi32> to vector<1xi32>
        %squeeze3A_1380 = vector.extract %slice3A_1379[0] : i32 from vector<1xi32>
        %multiple_of3A_1381 = tpu.assume_multiple %squeeze3A_1380, 128 : i32
        %slice3A_1382 = vector.extract_strided_slice %shift_left3A_1312 {offsets = [1], sizes = [1], strides = [1]} : vector<16xi32> to vector<1xi32>
        %squeeze3A_1383 = vector.extract %slice3A_1382[0] : i32 from vector<1xi32>
        %multiple_of3A_1384 = tpu.assume_multiple %squeeze3A_1383, 128 : i32
        %dma_start3A_1385 = arith.constant 1 : i32
        %dma_start3A_1386 = arith.constant 0 : i32
        %dma_start3A_1387 = arith.constant 0 : i32
        %dma_start3A_1388 = tpu.memref_slice %arg10[%rem3A_1290, %dma_start3A_1385, %dma_start3A_1386, %dma_start3A_1387] : memref<3x16x16x128xf32, #tpu.memory_space<vmem>> -> memref<1x1x8x128xf32, #tpu.memory_space<vmem>>
        %dma_start3A_1389 = tpu.memref_squeeze %dma_start3A_1388 : memref<1x1x8x128xf32, #tpu.memory_space<vmem>> -> memref<8x128xf32, #tpu.memory_space<vmem>>
        %dma_start3A_1390 = arith.constant 0 : i32
        %dma_start3A_1391 = tpu.memref_slice %arg4[%dma_start3A_1390, %multiple_of3A_1381] : memref<16x1000000xf32, #tpu.memory_space<hbm>> -> memref<8x128xf32, #tpu.memory_space<hbm>>
        %dma_start3A_1392 = tpu.memref_slice %arg12[%rem3A_1290] : memref<3x!tpu.dma_semaphore, #tpu.memory_space<semaphore_mem>> -> memref<1x!tpu.dma_semaphore, #tpu.memory_space<semaphore_mem>>
        %dma_start3A_1393 = tpu.memref_squeeze %dma_start3A_1392 : memref<1x!tpu.dma_semaphore, #tpu.memory_space<semaphore_mem>> -> memref<!tpu.dma_semaphore, #tpu.memory_space<semaphore_mem>>
        %dma_start3A_1394 = arith.constant 0 : i32
        %dma_start3A_1395 = arith.constant 0 : i32
        %dma_start3A_1396 = tpu.memref_slice %arg10[%rem3A_1290, %dma_start3A_1385, %dma_start3A_1394, %dma_start3A_1395] : memref<3x16x16x128xf32, #tpu.memory_space<vmem>> -> memref<1x1x8x128xf32, #tpu.memory_space<vmem>>
        %dma_start3A_1397 = tpu.memref_squeeze %dma_start3A_1396 : memref<1x1x8x128xf32, #tpu.memory_space<vmem>> -> memref<8x128xf32, #tpu.memory_space<vmem>>
        %dma_start3A_1398 = arith.constant 0 : i32
        %dma_start3A_1399 = tpu.memref_slice %arg4[%dma_start3A_1398, %multiple_of3A_1381] : memref<16x1000000xf32, #tpu.memory_space<hbm>> -> memref<8x128xf32, #tpu.memory_space<hbm>>
        tpu.enqueue_dma source(%dma_start3A_1399 : memref<8x128xf32, #tpu.memory_space<hbm>>) target(%dma_start3A_1397 : memref<8x128xf32, #tpu.memory_space<vmem>>) target_semaphore(%dma_start3A_1393 : memref<!tpu.dma_semaphore, #tpu.memory_space<semaphore_mem>>)
        %dma_start3A_1400 = arith.constant 9 : i32
        %dma_start3A_1401 = arith.constant 0 : i32
        %dma_start3A_1402 = arith.constant 0 : i32
        %dma_start3A_1403 = tpu.memref_slice %arg10[%rem3A_1290, %dma_start3A_1400, %dma_start3A_1401, %dma_start3A_1402] : memref<3x16x16x128xf32, #tpu.memory_space<vmem>> -> memref<1x1x8x128xf32, #tpu.memory_space<vmem>>
        %dma_start3A_1404 = tpu.memref_squeeze %dma_start3A_1403 : memref<1x1x8x128xf32, #tpu.memory_space<vmem>> -> memref<8x128xf32, #tpu.memory_space<vmem>>
        %dma_start3A_1405 = arith.constant 0 : i32
        %dma_start3A_1406 = tpu.memref_slice %arg5[%dma_start3A_1405, %multiple_of3A_1384] : memref<16x1000000xf32, #tpu.memory_space<hbm>> -> memref<8x128xf32, #tpu.memory_space<hbm>>
        %dma_start3A_1407 = tpu.memref_slice %arg12[%rem3A_1290] : memref<3x!tpu.dma_semaphore, #tpu.memory_space<semaphore_mem>> -> memref<1x!tpu.dma_semaphore, #tpu.memory_space<semaphore_mem>>
        %dma_start3A_1408 = tpu.memref_squeeze %dma_start3A_1407 : memref<1x!tpu.dma_semaphore, #tpu.memory_space<semaphore_mem>> -> memref<!tpu.dma_semaphore, #tpu.memory_space<semaphore_mem>>
        %dma_start3A_1409 = arith.constant 0 : i32
        %dma_start3A_1410 = arith.constant 0 : i32
        %dma_start3A_1411 = tpu.memref_slice %arg10[%rem3A_1290, %dma_start3A_1400, %dma_start3A_1409, %dma_start3A_1410] : memref<3x16x16x128xf32, #tpu.memory_space<vmem>> -> memref<1x1x8x128xf32, #tpu.memory_space<vmem>>
        %dma_start3A_1412 = tpu.memref_squeeze %dma_start3A_1411 : memref<1x1x8x128xf32, #tpu.memory_space<vmem>> -> memref<8x128xf32, #tpu.memory_space<vmem>>
        %dma_start3A_1413 = arith.constant 0 : i32
        %dma_start3A_1414 = tpu.memref_slice %arg5[%dma_start3A_1413, %multiple_of3A_1384] : memref<16x1000000xf32, #tpu.memory_space<hbm>> -> memref<8x128xf32, #tpu.memory_space<hbm>>
        tpu.enqueue_dma source(%dma_start3A_1414 : memref<8x128xf32, #tpu.memory_space<hbm>>) target(%dma_start3A_1412 : memref<8x128xf32, #tpu.memory_space<vmem>>) target_semaphore(%dma_start3A_1408 : memref<!tpu.dma_semaphore, #tpu.memory_space<semaphore_mem>>)
        %dma_start3A_1415 = arith.constant 1 : i32
        %dma_start3A_1416 = arith.constant 8 : i32
        %dma_start3A_1417 = arith.constant 0 : i32
        %dma_start3A_1418 = tpu.memref_slice %arg10[%rem3A_1290, %dma_start3A_1415, %dma_start3A_1416, %dma_start3A_1417] : memref<3x16x16x128xf32, #tpu.memory_space<vmem>> -> memref<1x1x8x128xf32, #tpu.memory_space<vmem>>
        %dma_start3A_1419 = tpu.memref_squeeze %dma_start3A_1418 : memref<1x1x8x128xf32, #tpu.memory_space<vmem>> -> memref<8x128xf32, #tpu.memory_space<vmem>>
        %dma_start3A_1420 = arith.constant 8 : i32
        %dma_start3A_1421 = tpu.memref_slice %arg4[%dma_start3A_1420, %multiple_of3A_1381] : memref<16x1000000xf32, #tpu.memory_space<hbm>> -> memref<8x128xf32, #tpu.memory_space<hbm>>
        %dma_start3A_1422 = tpu.memref_slice %arg12[%rem3A_1290] : memref<3x!tpu.dma_semaphore, #tpu.memory_space<semaphore_mem>> -> memref<1x!tpu.dma_semaphore, #tpu.memory_space<semaphore_mem>>
        %dma_start3A_1423 = tpu.memref_squeeze %dma_start3A_1422 : memref<1x!tpu.dma_semaphore, #tpu.memory_space<semaphore_mem>> -> memref<!tpu.dma_semaphore, #tpu.memory_space<semaphore_mem>>
        %dma_start3A_1424 = arith.constant 8 : i32
        %dma_start3A_1425 = arith.constant 0 : i32
        %dma_start3A_1426 = tpu.memref_slice %arg10[%rem3A_1290, %dma_start3A_1415, %dma_start3A_1424, %dma_start3A_1425] : memref<3x16x16x128xf32, #tpu.memory_space<vmem>> -> memref<1x1x8x128xf32, #tpu.memory_space<vmem>>
        %dma_start3A_1427 = tpu.memref_squeeze %dma_start3A_1426 : memref<1x1x8x128xf32, #tpu.memory_space<vmem>> -> memref<8x128xf32, #tpu.memory_space<vmem>>
        %dma_start3A_1428 = arith.constant 8 : i32
        %dma_start3A_1429 = tpu.memref_slice %arg4[%dma_start3A_1428, %multiple_of3A_1381] : memref<16x1000000xf32, #tpu.memory_space<hbm>> -> memref<8x128xf32, #tpu.memory_space<hbm>>
        tpu.enqueue_dma source(%dma_start3A_1429 : memref<8x128xf32, #tpu.memory_space<hbm>>) target(%dma_start3A_1427 : memref<8x128xf32, #tpu.memory_space<vmem>>) target_semaphore(%dma_start3A_1423 : memref<!tpu.dma_semaphore, #tpu.memory_space<semaphore_mem>>)
        %dma_start3A_1430 = arith.constant 9 : i32
        %dma_start3A_1431 = arith.constant 8 : i32
        %dma_start3A_1432 = arith.constant 0 : i32
        %dma_start3A_1433 = tpu.memref_slice %arg10[%rem3A_1290, %dma_start3A_1430, %dma_start3A_1431, %dma_start3A_1432] : memref<3x16x16x128xf32, #tpu.memory_space<vmem>> -> memref<1x1x8x128xf32, #tpu.memory_space<vmem>>
        %dma_start3A_1434 = tpu.memref_squeeze %dma_start3A_1433 : memref<1x1x8x128xf32, #tpu.memory_space<vmem>> -> memref<8x128xf32, #tpu.memory_space<vmem>>
        %dma_start3A_1435 = arith.constant 8 : i32
        %dma_start3A_1436 = tpu.memref_slice %arg5[%dma_start3A_1435, %multiple_of3A_1384] : memref<16x1000000xf32, #tpu.memory_space<hbm>> -> memref<8x128xf32, #tpu.memory_space<hbm>>
        %dma_start3A_1437 = tpu.memref_slice %arg12[%rem3A_1290] : memref<3x!tpu.dma_semaphore, #tpu.memory_space<semaphore_mem>> -> memref<1x!tpu.dma_semaphore, #tpu.memory_space<semaphore_mem>>
        %dma_start3A_1438 = tpu.memref_squeeze %dma_start3A_1437 : memref<1x!tpu.dma_semaphore, #tpu.memory_space<semaphore_mem>> -> memref<!tpu.dma_semaphore, #tpu.memory_space<semaphore_mem>>
        %dma_start3A_1439 = arith.constant 8 : i32
        %dma_start3A_1440 = arith.constant 0 : i32
        %dma_start3A_1441 = tpu.memref_slice %arg10[%rem3A_1290, %dma_start3A_1430, %dma_start3A_1439, %dma_start3A_1440] : memref<3x16x16x128xf32, #tpu.memory_space<vmem>> -> memref<1x1x8x128xf32, #tpu.memory_space<vmem>>
        %dma_start3A_1442 = tpu.memref_squeeze %dma_start3A_1441 : memref<1x1x8x128xf32, #tpu.memory_space<vmem>> -> memref<8x128xf32, #tpu.memory_space<vmem>>
        %dma_start3A_1443 = arith.constant 8 : i32
        %dma_start3A_1444 = tpu.memref_slice %arg5[%dma_start3A_1443, %multiple_of3A_1384] : memref<16x1000000xf32, #tpu.memory_space<hbm>> -> memref<8x128xf32, #tpu.memory_space<hbm>>
        tpu.enqueue_dma source(%dma_start3A_1444 : memref<8x128xf32, #tpu.memory_space<hbm>>) target(%dma_start3A_1442 : memref<8x128xf32, #tpu.memory_space<vmem>>) target_semaphore(%dma_start3A_1438 : memref<!tpu.dma_semaphore, #tpu.memory_space<semaphore_mem>>)
        %slice3A_1445 = vector.extract_strided_slice %shift_left3A_1306 {offsets = [2], sizes = [1], strides = [1]} : vector<16xi32> to vector<1xi32>
        %squeeze3A_1446 = vector.extract %slice3A_1445[0] : i32 from vector<1xi32>
        %multiple_of3A_1447 = tpu.assume_multiple %squeeze3A_1446, 128 : i32
        %slice3A_1448 = vector.extract_strided_slice %shift_left3A_1312 {offsets = [2], sizes = [1], strides = [1]} : vector<16xi32> to vector<1xi32>
        %squeeze3A_1449 = vector.extract %slice3A_1448[0] : i32 from vector<1xi32>
        %multiple_of3A_1450 = tpu.assume_multiple %squeeze3A_1449, 128 : i32
        %dma_start3A_1451 = arith.constant 2 : i32
        %dma_start3A_1452 = arith.constant 0 : i32
        %dma_start3A_1453 = arith.constant 0 : i32
        %dma_start3A_1454 = tpu.memref_slice %arg10[%rem3A_1290, %dma_start3A_1451, %dma_start3A_1452, %dma_start3A_1453] : memref<3x16x16x128xf32, #tpu.memory_space<vmem>> -> memref<1x1x8x128xf32, #tpu.memory_space<vmem>>
        %dma_start3A_1455 = tpu.memref_squeeze %dma_start3A_1454 : memref<1x1x8x128xf32, #tpu.memory_space<vmem>> -> memref<8x128xf32, #tpu.memory_space<vmem>>
        %dma_start3A_1456 = arith.constant 0 : i32
        %dma_start3A_1457 = tpu.memref_slice %arg4[%dma_start3A_1456, %multiple_of3A_1447] : memref<16x1000000xf32, #tpu.memory_space<hbm>> -> memref<8x128xf32, #tpu.memory_space<hbm>>
        %dma_start3A_1458 = tpu.memref_slice %arg12[%rem3A_1290] : memref<3x!tpu.dma_semaphore, #tpu.memory_space<semaphore_mem>> -> memref<1x!tpu.dma_semaphore, #tpu.memory_space<semaphore_mem>>
        %dma_start3A_1459 = tpu.memref_squeeze %dma_start3A_1458 : memref<1x!tpu.dma_semaphore, #tpu.memory_space<semaphore_mem>> -> memref<!tpu.dma_semaphore, #tpu.memory_space<semaphore_mem>>
        %dma_start3A_1460 = arith.constant 0 : i32
        %dma_start3A_1461 = arith.constant 0 : i32
        %dma_start3A_1462 = tpu.memref_slice %arg10[%rem3A_1290, %dma_start3A_1451, %dma_start3A_1460, %dma_start3A_1461] : memref<3x16x16x128xf32, #tpu.memory_space<vmem>> -> memref<1x1x8x128xf32, #tpu.memory_space<vmem>>
        %dma_start3A_1463 = tpu.memref_squeeze %dma_start3A_1462 : memref<1x1x8x128xf32, #tpu.memory_space<vmem>> -> memref<8x128xf32, #tpu.memory_space<vmem>>
        %dma_start3A_1464 = arith.constant 0 : i32
        %dma_start3A_1465 = tpu.memref_slice %arg4[%dma_start3A_1464, %multiple_of3A_1447] : memref<16x1000000xf32, #tpu.memory_space<hbm>> -> memref<8x128xf32, #tpu.memory_space<hbm>>
        tpu.enqueue_dma source(%dma_start3A_1465 : memref<8x128xf32, #tpu.memory_space<hbm>>) target(%dma_start3A_1463 : memref<8x128xf32, #tpu.memory_space<vmem>>) target_semaphore(%dma_start3A_1459 : memref<!tpu.dma_semaphore, #tpu.memory_space<semaphore_mem>>)
        %dma_start3A_1466 = arith.constant 10 : i32
        %dma_start3A_1467 = arith.constant 0 : i32
        %dma_start3A_1468 = arith.constant 0 : i32
        %dma_start3A_1469 = tpu.memref_slice %arg10[%rem3A_1290, %dma_start3A_1466, %dma_start3A_1467, %dma_start3A_1468] : memref<3x16x16x128xf32, #tpu.memory_space<vmem>> -> memref<1x1x8x128xf32, #tpu.memory_space<vmem>>
        %dma_start3A_1470 = tpu.memref_squeeze %dma_start3A_1469 : memref<1x1x8x128xf32, #tpu.memory_space<vmem>> -> memref<8x128xf32, #tpu.memory_space<vmem>>
        %dma_start3A_1471 = arith.constant 0 : i32
        %dma_start3A_1472 = tpu.memref_slice %arg5[%dma_start3A_1471, %multiple_of3A_1450] : memref<16x1000000xf32, #tpu.memory_space<hbm>> -> memref<8x128xf32, #tpu.memory_space<hbm>>
        %dma_start3A_1473 = tpu.memref_slice %arg12[%rem3A_1290] : memref<3x!tpu.dma_semaphore, #tpu.memory_space<semaphore_mem>> -> memref<1x!tpu.dma_semaphore, #tpu.memory_space<semaphore_mem>>
        %dma_start3A_1474 = tpu.memref_squeeze %dma_start3A_1473 : memref<1x!tpu.dma_semaphore, #tpu.memory_space<semaphore_mem>> -> memref<!tpu.dma_semaphore, #tpu.memory_space<semaphore_mem>>
        %dma_start3A_1475 = arith.constant 0 : i32
        %dma_start3A_1476 = arith.constant 0 : i32
        %dma_start3A_1477 = tpu.memref_slice %arg10[%rem3A_1290, %dma_start3A_1466, %dma_start3A_1475, %dma_start3A_1476] : memref<3x16x16x128xf32, #tpu.memory_space<vmem>> -> memref<1x1x8x128xf32, #tpu.memory_space<vmem>>
        %dma_start3A_1478 = tpu.memref_squeeze %dma_start3A_1477 : memref<1x1x8x128xf32, #tpu.memory_space<vmem>> -> memref<8x128xf32, #tpu.memory_space<vmem>>
        %dma_start3A_1479 = arith.constant 0 : i32
        %dma_start3A_1480 = tpu.memref_slice %arg5[%dma_start3A_1479, %multiple_of3A_1450] : memref<16x1000000xf32, #tpu.memory_space<hbm>> -> memref<8x128xf32, #tpu.memory_space<hbm>>
        tpu.enqueue_dma source(%dma_start3A_1480 : memref<8x128xf32, #tpu.memory_space<hbm>>) target(%dma_start3A_1478 : memref<8x128xf32, #tpu.memory_space<vmem>>) target_semaphore(%dma_start3A_1474 : memref<!tpu.dma_semaphore, #tpu.memory_space<semaphore_mem>>)
        %dma_start3A_1481 = arith.constant 2 : i32
        %dma_start3A_1482 = arith.constant 8 : i32
        %dma_start3A_1483 = arith.constant 0 : i32
        %dma_start3A_1484 = tpu.memref_slice %arg10[%rem3A_1290, %dma_start3A_1481, %dma_start3A_1482, %dma_start3A_1483] : memref<3x16x16x128xf32, #tpu.memory_space<vmem>> -> memref<1x1x8x128xf32, #tpu.memory_space<vmem>>
        %dma_start3A_1485 = tpu.memref_squeeze %dma_start3A_1484 : memref<1x1x8x128xf32, #tpu.memory_space<vmem>> -> memref<8x128xf32, #tpu.memory_space<vmem>>
        %dma_start3A_1486 = arith.constant 8 : i32
        %dma_start3A_1487 = tpu.memref_slice %arg4[%dma_start3A_1486, %multiple_of3A_1447] : memref<16x1000000xf32, #tpu.memory_space<hbm>> -> memref<8x128xf32, #tpu.memory_space<hbm>>
        %dma_start3A_1488 = tpu.memref_slice %arg12[%rem3A_1290] : memref<3x!tpu.dma_semaphore, #tpu.memory_space<semaphore_mem>> -> memref<1x!tpu.dma_semaphore, #tpu.memory_space<semaphore_mem>>
        %dma_start3A_1489 = tpu.memref_squeeze %dma_start3A_1488 : memref<1x!tpu.dma_semaphore, #tpu.memory_space<semaphore_mem>> -> memref<!tpu.dma_semaphore, #tpu.memory_space<semaphore_mem>>
        %dma_start3A_1490 = arith.constant 8 : i32
        %dma_start3A_1491 = arith.constant 0 : i32
        %dma_start3A_1492 = tpu.memref_slice %arg10[%rem3A_1290, %dma_start3A_1481, %dma_start3A_1490, %dma_start3A_1491] : memref<3x16x16x128xf32, #tpu.memory_space<vmem>> -> memref<1x1x8x128xf32, #tpu.memory_space<vmem>>
        %dma_start3A_1493 = tpu.memref_squeeze %dma_start3A_1492 : memref<1x1x8x128xf32, #tpu.memory_space<vmem>> -> memref<8x128xf32, #tpu.memory_space<vmem>>
        %dma_start3A_1494 = arith.constant 8 : i32
        %dma_start3A_1495 = tpu.memref_slice %arg4[%dma_start3A_1494, %multiple_of3A_1447] : memref<16x1000000xf32, #tpu.memory_space<hbm>> -> memref<8x128xf32, #tpu.memory_space<hbm>>
        tpu.enqueue_dma source(%dma_start3A_1495 : memref<8x128xf32, #tpu.memory_space<hbm>>) target(%dma_start3A_1493 : memref<8x128xf32, #tpu.memory_space<vmem>>) target_semaphore(%dma_start3A_1489 : memref<!tpu.dma_semaphore, #tpu.memory_space<semaphore_mem>>)
        %dma_start3A_1496 = arith.constant 10 : i32
        %dma_start3A_1497 = arith.constant 8 : i32
        %dma_start3A_1498 = arith.constant 0 : i32
        %dma_start3A_1499 = tpu.memref_slice %arg10[%rem3A_1290, %dma_start3A_1496, %dma_start3A_1497, %dma_start3A_1498] : memref<3x16x16x128xf32, #tpu.memory_space<vmem>> -> memref<1x1x8x128xf32, #tpu.memory_space<vmem>>
        %dma_start3A_1500 = tpu.memref_squeeze %dma_start3A_1499 : memref<1x1x8x128xf32, #tpu.memory_space<vmem>> -> memref<8x128xf32, #tpu.memory_space<vmem>>
        %dma_start3A_1501 = arith.constant 8 : i32
        %dma_start3A_1502 = tpu.memref_slice %arg5[%dma_start3A_1501, %multiple_of3A_1450] : memref<16x1000000xf32, #tpu.memory_space<hbm>> -> memref<8x128xf32, #tpu.memory_space<hbm>>
        %dma_start3A_1503 = tpu.memref_slice %arg12[%rem3A_1290] : memref<3x!tpu.dma_semaphore, #tpu.memory_space<semaphore_mem>> -> memref<1x!tpu.dma_semaphore, #tpu.memory_space<semaphore_mem>>
        %dma_start3A_1504 = tpu.memref_squeeze %dma_start3A_1503 : memref<1x!tpu.dma_semaphore, #tpu.memory_space<semaphore_mem>> -> memref<!tpu.dma_semaphore, #tpu.memory_space<semaphore_mem>>
        %dma_start3A_1505 = arith.constant 8 : i32
        %dma_start3A_1506 = arith.constant 0 : i32
        %dma_start3A_1507 = tpu.memref_slice %arg10[%rem3A_1290, %dma_start3A_1496, %dma_start3A_1505, %dma_start3A_1506] : memref<3x16x16x128xf32, #tpu.memory_space<vmem>> -> memref<1x1x8x128xf32, #tpu.memory_space<vmem>>
        %dma_start3A_1508 = tpu.memref_squeeze %dma_start3A_1507 : memref<1x1x8x128xf32, #tpu.memory_space<vmem>> -> memref<8x128xf32, #tpu.memory_space<vmem>>
        %dma_start3A_1509 = arith.constant 8 : i32
        %dma_start3A_1510 = tpu.memref_slice %arg5[%dma_start3A_1509, %multiple_of3A_1450] : memref<16x1000000xf32, #tpu.memory_space<hbm>> -> memref<8x128xf32, #tpu.memory_space<hbm>>
        tpu.enqueue_dma source(%dma_start3A_1510 : memref<8x128xf32, #tpu.memory_space<hbm>>) target(%dma_start3A_1508 : memref<8x128xf32, #tpu.memory_space<vmem>>) target_semaphore(%dma_start3A_1504 : memref<!tpu.dma_semaphore, #tpu.memory_space<semaphore_mem>>)
        %slice3A_1511 = vector.extract_strided_slice %shift_left3A_1306 {offsets = [3], sizes = [1], strides = [1]} : vector<16xi32> to vector<1xi32>
        %squeeze3A_1512 = vector.extract %slice3A_1511[0] : i32 from vector<1xi32>
        %multiple_of3A_1513 = tpu.assume_multiple %squeeze3A_1512, 128 : i32
        %slice3A_1514 = vector.extract_strided_slice %shift_left3A_1312 {offsets = [3], sizes = [1], strides = [1]} : vector<16xi32> to vector<1xi32>
        %squeeze3A_1515 = vector.extract %slice3A_1514[0] : i32 from vector<1xi32>
        %multiple_of3A_1516 = tpu.assume_multiple %squeeze3A_1515, 128 : i32
        %dma_start3A_1517 = arith.constant 3 : i32
        %dma_start3A_1518 = arith.constant 0 : i32
        %dma_start3A_1519 = arith.constant 0 : i32
        %dma_start3A_1520 = tpu.memref_slice %arg10[%rem3A_1290, %dma_start3A_1517, %dma_start3A_1518, %dma_start3A_1519] : memref<3x16x16x128xf32, #tpu.memory_space<vmem>> -> memref<1x1x8x128xf32, #tpu.memory_space<vmem>>
        %dma_start3A_1521 = tpu.memref_squeeze %dma_start3A_1520 : memref<1x1x8x128xf32, #tpu.memory_space<vmem>> -> memref<8x128xf32, #tpu.memory_space<vmem>>
        %dma_start3A_1522 = arith.constant 0 : i32
        %dma_start3A_1523 = tpu.memref_slice %arg4[%dma_start3A_1522, %multiple_of3A_1513] : memref<16x1000000xf32, #tpu.memory_space<hbm>> -> memref<8x128xf32, #tpu.memory_space<hbm>>
        %dma_start3A_1524 = tpu.memref_slice %arg12[%rem3A_1290] : memref<3x!tpu.dma_semaphore, #tpu.memory_space<semaphore_mem>> -> memref<1x!tpu.dma_semaphore, #tpu.memory_space<semaphore_mem>>
        %dma_start3A_1525 = tpu.memref_squeeze %dma_start3A_1524 : memref<1x!tpu.dma_semaphore, #tpu.memory_space<semaphore_mem>> -> memref<!tpu.dma_semaphore, #tpu.memory_space<semaphore_mem>>
        %dma_start3A_1526 = arith.constant 0 : i32
        %dma_start3A_1527 = arith.constant 0 : i32
        %dma_start3A_1528 = tpu.memref_slice %arg10[%rem3A_1290, %dma_start3A_1517, %dma_start3A_1526, %dma_start3A_1527] : memref<3x16x16x128xf32, #tpu.memory_space<vmem>> -> memref<1x1x8x128xf32, #tpu.memory_space<vmem>>
        %dma_start3A_1529 = tpu.memref_squeeze %dma_start3A_1528 : memref<1x1x8x128xf32, #tpu.memory_space<vmem>> -> memref<8x128xf32, #tpu.memory_space<vmem>>
        %dma_start3A_1530 = arith.constant 0 : i32
        %dma_start3A_1531 = tpu.memref_slice %arg4[%dma_start3A_1530, %multiple_of3A_1513] : memref<16x1000000xf32, #tpu.memory_space<hbm>> -> memref<8x128xf32, #tpu.memory_space<hbm>>
        tpu.enqueue_dma source(%dma_start3A_1531 : memref<8x128xf32, #tpu.memory_space<hbm>>) target(%dma_start3A_1529 : memref<8x128xf32, #tpu.memory_space<vmem>>) target_semaphore(%dma_start3A_1525 : memref<!tpu.dma_semaphore, #tpu.memory_space<semaphore_mem>>)
        %dma_start3A_1532 = arith.constant 11 : i32
        %dma_start3A_1533 = arith.constant 0 : i32
        %dma_start3A_1534 = arith.constant 0 : i32
        %dma_start3A_1535 = tpu.memref_slice %arg10[%rem3A_1290, %dma_start3A_1532, %dma_start3A_1533, %dma_start3A_1534] : memref<3x16x16x128xf32, #tpu.memory_space<vmem>> -> memref<1x1x8x128xf32, #tpu.memory_space<vmem>>
        %dma_start3A_1536 = tpu.memref_squeeze %dma_start3A_1535 : memref<1x1x8x128xf32, #tpu.memory_space<vmem>> -> memref<8x128xf32, #tpu.memory_space<vmem>>
        %dma_start3A_1537 = arith.constant 0 : i32
        %dma_start3A_1538 = tpu.memref_slice %arg5[%dma_start3A_1537, %multiple_of3A_1516] : memref<16x1000000xf32, #tpu.memory_space<hbm>> -> memref<8x128xf32, #tpu.memory_space<hbm>>
        %dma_start3A_1539 = tpu.memref_slice %arg12[%rem3A_1290] : memref<3x!tpu.dma_semaphore, #tpu.memory_space<semaphore_mem>> -> memref<1x!tpu.dma_semaphore, #tpu.memory_space<semaphore_mem>>
        %dma_start3A_1540 = tpu.memref_squeeze %dma_start3A_1539 : memref<1x!tpu.dma_semaphore, #tpu.memory_space<semaphore_mem>> -> memref<!tpu.dma_semaphore, #tpu.memory_space<semaphore_mem>>
        %dma_start3A_1541 = arith.constant 0 : i32
        %dma_start3A_1542 = arith.constant 0 : i32
        %dma_start3A_1543 = tpu.memref_slice %arg10[%rem3A_1290, %dma_start3A_1532, %dma_start3A_1541, %dma_start3A_1542] : memref<3x16x16x128xf32, #tpu.memory_space<vmem>> -> memref<1x1x8x128xf32, #tpu.memory_space<vmem>>
        %dma_start3A_1544 = tpu.memref_squeeze %dma_start3A_1543 : memref<1x1x8x128xf32, #tpu.memory_space<vmem>> -> memref<8x128xf32, #tpu.memory_space<vmem>>
        %dma_start3A_1545 = arith.constant 0 : i32
        %dma_start3A_1546 = tpu.memref_slice %arg5[%dma_start3A_1545, %multiple_of3A_1516] : memref<16x1000000xf32, #tpu.memory_space<hbm>> -> memref<8x128xf32, #tpu.memory_space<hbm>>
        tpu.enqueue_dma source(%dma_start3A_1546 : memref<8x128xf32, #tpu.memory_space<hbm>>) target(%dma_start3A_1544 : memref<8x128xf32, #tpu.memory_space<vmem>>) target_semaphore(%dma_start3A_1540 : memref<!tpu.dma_semaphore, #tpu.memory_space<semaphore_mem>>)
        %dma_start3A_1547 = arith.constant 3 : i32
        %dma_start3A_1548 = arith.constant 8 : i32
        %dma_start3A_1549 = arith.constant 0 : i32
        %dma_start3A_1550 = tpu.memref_slice %arg10[%rem3A_1290, %dma_start3A_1547, %dma_start3A_1548, %dma_start3A_1549] : memref<3x16x16x128xf32, #tpu.memory_space<vmem>> -> memref<1x1x8x128xf32, #tpu.memory_space<vmem>>
        %dma_start3A_1551 = tpu.memref_squeeze %dma_start3A_1550 : memref<1x1x8x128xf32, #tpu.memory_space<vmem>> -> memref<8x128xf32, #tpu.memory_space<vmem>>
        %dma_start3A_1552 = arith.constant 8 : i32
        %dma_start3A_1553 = tpu.memref_slice %arg4[%dma_start3A_1552, %multiple_of3A_1513] : memref<16x1000000xf32, #tpu.memory_space<hbm>> -> memref<8x128xf32, #tpu.memory_space<hbm>>
        %dma_start3A_1554 = tpu.memref_slice %arg12[%rem3A_1290] : memref<3x!tpu.dma_semaphore, #tpu.memory_space<semaphore_mem>> -> memref<1x!tpu.dma_semaphore, #tpu.memory_space<semaphore_mem>>
        %dma_start3A_1555 = tpu.memref_squeeze %dma_start3A_1554 : memref<1x!tpu.dma_semaphore, #tpu.memory_space<semaphore_mem>> -> memref<!tpu.dma_semaphore, #tpu.memory_space<semaphore_mem>>
        %dma_start3A_1556 = arith.constant 8 : i32
        %dma_start3A_1557 = arith.constant 0 : i32
        %dma_start3A_1558 = tpu.memref_slice %arg10[%rem3A_1290, %dma_start3A_1547, %dma_start3A_1556, %dma_start3A_1557] : memref<3x16x16x128xf32, #tpu.memory_space<vmem>> -> memref<1x1x8x128xf32, #tpu.memory_space<vmem>>
        %dma_start3A_1559 = tpu.memref_squeeze %dma_start3A_1558 : memref<1x1x8x128xf32, #tpu.memory_space<vmem>> -> memref<8x128xf32, #tpu.memory_space<vmem>>
        %dma_start3A_1560 = arith.constant 8 : i32
        %dma_start3A_1561 = tpu.memref_slice %arg4[%dma_start3A_1560, %multiple_of3A_1513] : memref<16x1000000xf32, #tpu.memory_space<hbm>> -> memref<8x128xf32, #tpu.memory_space<hbm>>
        tpu.enqueue_dma source(%dma_start3A_1561 : memref<8x128xf32, #tpu.memory_space<hbm>>) target(%dma_start3A_1559 : memref<8x128xf32, #tpu.memory_space<vmem>>) target_semaphore(%dma_start3A_1555 : memref<!tpu.dma_semaphore, #tpu.memory_space<semaphore_mem>>)
        %dma_start3A_1562 = arith.constant 11 : i32
        %dma_start3A_1563 = arith.constant 8 : i32
        %dma_start3A_1564 = arith.constant 0 : i32
        %dma_start3A_1565 = tpu.memref_slice %arg10[%rem3A_1290, %dma_start3A_1562, %dma_start3A_1563, %dma_start3A_1564] : memref<3x16x16x128xf32, #tpu.memory_space<vmem>> -> memref<1x1x8x128xf32, #tpu.memory_space<vmem>>
        %dma_start3A_1566 = tpu.memref_squeeze %dma_start3A_1565 : memref<1x1x8x128xf32, #tpu.memory_space<vmem>> -> memref<8x128xf32, #tpu.memory_space<vmem>>
        %dma_start3A_1567 = arith.constant 8 : i32
        %dma_start3A_1568 = tpu.memref_slice %arg5[%dma_start3A_1567, %multiple_of3A_1516] : memref<16x1000000xf32, #tpu.memory_space<hbm>> -> memref<8x128xf32, #tpu.memory_space<hbm>>
        %dma_start3A_1569 = tpu.memref_slice %arg12[%rem3A_1290] : memref<3x!tpu.dma_semaphore, #tpu.memory_space<semaphore_mem>> -> memref<1x!tpu.dma_semaphore, #tpu.memory_space<semaphore_mem>>
        %dma_start3A_1570 = tpu.memref_squeeze %dma_start3A_1569 : memref<1x!tpu.dma_semaphore, #tpu.memory_space<semaphore_mem>> -> memref<!tpu.dma_semaphore, #tpu.memory_space<semaphore_mem>>
        %dma_start3A_1571 = arith.constant 8 : i32
        %dma_start3A_1572 = arith.constant 0 : i32
        %dma_start3A_1573 = tpu.memref_slice %arg10[%rem3A_1290, %dma_start3A_1562, %dma_start3A_1571, %dma_start3A_1572] : memref<3x16x16x128xf32, #tpu.memory_space<vmem>> -> memref<1x1x8x128xf32, #tpu.memory_space<vmem>>
        %dma_start3A_1574 = tpu.memref_squeeze %dma_start3A_1573 : memref<1x1x8x128xf32, #tpu.memory_space<vmem>> -> memref<8x128xf32, #tpu.memory_space<vmem>>
        %dma_start3A_1575 = arith.constant 8 : i32
        %dma_start3A_1576 = tpu.memref_slice %arg5[%dma_start3A_1575, %multiple_of3A_1516] : memref<16x1000000xf32, #tpu.memory_space<hbm>> -> memref<8x128xf32, #tpu.memory_space<hbm>>
        tpu.enqueue_dma source(%dma_start3A_1576 : memref<8x128xf32, #tpu.memory_space<hbm>>) target(%dma_start3A_1574 : memref<8x128xf32, #tpu.memory_space<vmem>>) target_semaphore(%dma_start3A_1570 : memref<!tpu.dma_semaphore, #tpu.memory_space<semaphore_mem>>)
        %slice3A_1577 = vector.extract_strided_slice %shift_left3A_1306 {offsets = [4], sizes = [1], strides = [1]} : vector<16xi32> to vector<1xi32>
        %squeeze3A_1578 = vector.extract %slice3A_1577[0] : i32 from vector<1xi32>
        %multiple_of3A_1579 = tpu.assume_multiple %squeeze3A_1578, 128 : i32
        %slice3A_1580 = vector.extract_strided_slice %shift_left3A_1312 {offsets = [4], sizes = [1], strides = [1]} : vector<16xi32> to vector<1xi32>
        %squeeze3A_1581 = vector.extract %slice3A_1580[0] : i32 from vector<1xi32>
        %multiple_of3A_1582 = tpu.assume_multiple %squeeze3A_1581, 128 : i32
        %dma_start3A_1583 = arith.constant 4 : i32
        %dma_start3A_1584 = arith.constant 0 : i32
        %dma_start3A_1585 = arith.constant 0 : i32
        %dma_start3A_1586 = tpu.memref_slice %arg10[%rem3A_1290, %dma_start3A_1583, %dma_start3A_1584, %dma_start3A_1585] : memref<3x16x16x128xf32, #tpu.memory_space<vmem>> -> memref<1x1x8x128xf32, #tpu.memory_space<vmem>>
        %dma_start3A_1587 = tpu.memref_squeeze %dma_start3A_1586 : memref<1x1x8x128xf32, #tpu.memory_space<vmem>> -> memref<8x128xf32, #tpu.memory_space<vmem>>
        %dma_start3A_1588 = arith.constant 0 : i32
        %dma_start3A_1589 = tpu.memref_slice %arg4[%dma_start3A_1588, %multiple_of3A_1579] : memref<16x1000000xf32, #tpu.memory_space<hbm>> -> memref<8x128xf32, #tpu.memory_space<hbm>>
        %dma_start3A_1590 = tpu.memref_slice %arg12[%rem3A_1290] : memref<3x!tpu.dma_semaphore, #tpu.memory_space<semaphore_mem>> -> memref<1x!tpu.dma_semaphore, #tpu.memory_space<semaphore_mem>>
        %dma_start3A_1591 = tpu.memref_squeeze %dma_start3A_1590 : memref<1x!tpu.dma_semaphore, #tpu.memory_space<semaphore_mem>> -> memref<!tpu.dma_semaphore, #tpu.memory_space<semaphore_mem>>
        %dma_start3A_1592 = arith.constant 0 : i32
        %dma_start3A_1593 = arith.constant 0 : i32
        %dma_start3A_1594 = tpu.memref_slice %arg10[%rem3A_1290, %dma_start3A_1583, %dma_start3A_1592, %dma_start3A_1593] : memref<3x16x16x128xf32, #tpu.memory_space<vmem>> -> memref<1x1x8x128xf32, #tpu.memory_space<vmem>>
        %dma_start3A_1595 = tpu.memref_squeeze %dma_start3A_1594 : memref<1x1x8x128xf32, #tpu.memory_space<vmem>> -> memref<8x128xf32, #tpu.memory_space<vmem>>
        %dma_start3A_1596 = arith.constant 0 : i32
        %dma_start3A_1597 = tpu.memref_slice %arg4[%dma_start3A_1596, %multiple_of3A_1579] : memref<16x1000000xf32, #tpu.memory_space<hbm>> -> memref<8x128xf32, #tpu.memory_space<hbm>>
        tpu.enqueue_dma source(%dma_start3A_1597 : memref<8x128xf32, #tpu.memory_space<hbm>>) target(%dma_start3A_1595 : memref<8x128xf32, #tpu.memory_space<vmem>>) target_semaphore(%dma_start3A_1591 : memref<!tpu.dma_semaphore, #tpu.memory_space<semaphore_mem>>)
        %dma_start3A_1598 = arith.constant 12 : i32
        %dma_start3A_1599 = arith.constant 0 : i32
        %dma_start3A_1600 = arith.constant 0 : i32
        %dma_start3A_1601 = tpu.memref_slice %arg10[%rem3A_1290, %dma_start3A_1598, %dma_start3A_1599, %dma_start3A_1600] : memref<3x16x16x128xf32, #tpu.memory_space<vmem>> -> memref<1x1x8x128xf32, #tpu.memory_space<vmem>>
        %dma_start3A_1602 = tpu.memref_squeeze %dma_start3A_1601 : memref<1x1x8x128xf32, #tpu.memory_space<vmem>> -> memref<8x128xf32, #tpu.memory_space<vmem>>
        %dma_start3A_1603 = arith.constant 0 : i32
        %dma_start3A_1604 = tpu.memref_slice %arg5[%dma_start3A_1603, %multiple_of3A_1582] : memref<16x1000000xf32, #tpu.memory_space<hbm>> -> memref<8x128xf32, #tpu.memory_space<hbm>>
        %dma_start3A_1605 = tpu.memref_slice %arg12[%rem3A_1290] : memref<3x!tpu.dma_semaphore, #tpu.memory_space<semaphore_mem>> -> memref<1x!tpu.dma_semaphore, #tpu.memory_space<semaphore_mem>>
        %dma_start3A_1606 = tpu.memref_squeeze %dma_start3A_1605 : memref<1x!tpu.dma_semaphore, #tpu.memory_space<semaphore_mem>> -> memref<!tpu.dma_semaphore, #tpu.memory_space<semaphore_mem>>
        %dma_start3A_1607 = arith.constant 0 : i32
        %dma_start3A_1608 = arith.constant 0 : i32
        %dma_start3A_1609 = tpu.memref_slice %arg10[%rem3A_1290, %dma_start3A_1598, %dma_start3A_1607, %dma_start3A_1608] : memref<3x16x16x128xf32, #tpu.memory_space<vmem>> -> memref<1x1x8x128xf32, #tpu.memory_space<vmem>>
        %dma_start3A_1610 = tpu.memref_squeeze %dma_start3A_1609 : memref<1x1x8x128xf32, #tpu.memory_space<vmem>> -> memref<8x128xf32, #tpu.memory_space<vmem>>
        %dma_start3A_1611 = arith.constant 0 : i32
        %dma_start3A_1612 = tpu.memref_slice %arg5[%dma_start3A_1611, %multiple_of3A_1582] : memref<16x1000000xf32, #tpu.memory_space<hbm>> -> memref<8x128xf32, #tpu.memory_space<hbm>>
        tpu.enqueue_dma source(%dma_start3A_1612 : memref<8x128xf32, #tpu.memory_space<hbm>>) target(%dma_start3A_1610 : memref<8x128xf32, #tpu.memory_space<vmem>>) target_semaphore(%dma_start3A_1606 : memref<!tpu.dma_semaphore, #tpu.memory_space<semaphore_mem>>)
        %dma_start3A_1613 = arith.constant 4 : i32
        %dma_start3A_1614 = arith.constant 8 : i32
        %dma_start3A_1615 = arith.constant 0 : i32
        %dma_start3A_1616 = tpu.memref_slice %arg10[%rem3A_1290, %dma_start3A_1613, %dma_start3A_1614, %dma_start3A_1615] : memref<3x16x16x128xf32, #tpu.memory_space<vmem>> -> memref<1x1x8x128xf32, #tpu.memory_space<vmem>>
        %dma_start3A_1617 = tpu.memref_squeeze %dma_start3A_1616 : memref<1x1x8x128xf32, #tpu.memory_space<vmem>> -> memref<8x128xf32, #tpu.memory_space<vmem>>
        %dma_start3A_1618 = arith.constant 8 : i32
        %dma_start3A_1619 = tpu.memref_slice %arg4[%dma_start3A_1618, %multiple_of3A_1579] : memref<16x1000000xf32, #tpu.memory_space<hbm>> -> memref<8x128xf32, #tpu.memory_space<hbm>>
        %dma_start3A_1620 = tpu.memref_slice %arg12[%rem3A_1290] : memref<3x!tpu.dma_semaphore, #tpu.memory_space<semaphore_mem>> -> memref<1x!tpu.dma_semaphore, #tpu.memory_space<semaphore_mem>>
        %dma_start3A_1621 = tpu.memref_squeeze %dma_start3A_1620 : memref<1x!tpu.dma_semaphore, #tpu.memory_space<semaphore_mem>> -> memref<!tpu.dma_semaphore, #tpu.memory_space<semaphore_mem>>
        %dma_start3A_1622 = arith.constant 8 : i32
        %dma_start3A_1623 = arith.constant 0 : i32
        %dma_start3A_1624 = tpu.memref_slice %arg10[%rem3A_1290, %dma_start3A_1613, %dma_start3A_1622, %dma_start3A_1623] : memref<3x16x16x128xf32, #tpu.memory_space<vmem>> -> memref<1x1x8x128xf32, #tpu.memory_space<vmem>>
        %dma_start3A_1625 = tpu.memref_squeeze %dma_start3A_1624 : memref<1x1x8x128xf32, #tpu.memory_space<vmem>> -> memref<8x128xf32, #tpu.memory_space<vmem>>
        %dma_start3A_1626 = arith.constant 8 : i32
        %dma_start3A_1627 = tpu.memref_slice %arg4[%dma_start3A_1626, %multiple_of3A_1579] : memref<16x1000000xf32, #tpu.memory_space<hbm>> -> memref<8x128xf32, #tpu.memory_space<hbm>>
        tpu.enqueue_dma source(%dma_start3A_1627 : memref<8x128xf32, #tpu.memory_space<hbm>>) target(%dma_start3A_1625 : memref<8x128xf32, #tpu.memory_space<vmem>>) target_semaphore(%dma_start3A_1621 : memref<!tpu.dma_semaphore, #tpu.memory_space<semaphore_mem>>)
        %dma_start3A_1628 = arith.constant 12 : i32
        %dma_start3A_1629 = arith.constant 8 : i32
        %dma_start3A_1630 = arith.constant 0 : i32
        %dma_start3A_1631 = tpu.memref_slice %arg10[%rem3A_1290, %dma_start3A_1628, %dma_start3A_1629, %dma_start3A_1630] : memref<3x16x16x128xf32, #tpu.memory_space<vmem>> -> memref<1x1x8x128xf32, #tpu.memory_space<vmem>>
        %dma_start3A_1632 = tpu.memref_squeeze %dma_start3A_1631 : memref<1x1x8x128xf32, #tpu.memory_space<vmem>> -> memref<8x128xf32, #tpu.memory_space<vmem>>
        %dma_start3A_1633 = arith.constant 8 : i32
        %dma_start3A_1634 = tpu.memref_slice %arg5[%dma_start3A_1633, %multiple_of3A_1582] : memref<16x1000000xf32, #tpu.memory_space<hbm>> -> memref<8x128xf32, #tpu.memory_space<hbm>>
        %dma_start3A_1635 = tpu.memref_slice %arg12[%rem3A_1290] : memref<3x!tpu.dma_semaphore, #tpu.memory_space<semaphore_mem>> -> memref<1x!tpu.dma_semaphore, #tpu.memory_space<semaphore_mem>>
        %dma_start3A_1636 = tpu.memref_squeeze %dma_start3A_1635 : memref<1x!tpu.dma_semaphore, #tpu.memory_space<semaphore_mem>> -> memref<!tpu.dma_semaphore, #tpu.memory_space<semaphore_mem>>
        %dma_start3A_1637 = arith.constant 8 : i32
        %dma_start3A_1638 = arith.constant 0 : i32
        %dma_start3A_1639 = tpu.memref_slice %arg10[%rem3A_1290, %dma_start3A_1628, %dma_start3A_1637, %dma_start3A_1638] : memref<3x16x16x128xf32, #tpu.memory_space<vmem>> -> memref<1x1x8x128xf32, #tpu.memory_space<vmem>>
        %dma_start3A_1640 = tpu.memref_squeeze %dma_start3A_1639 : memref<1x1x8x128xf32, #tpu.memory_space<vmem>> -> memref<8x128xf32, #tpu.memory_space<vmem>>
        %dma_start3A_1641 = arith.constant 8 : i32
        %dma_start3A_1642 = tpu.memref_slice %arg5[%dma_start3A_1641, %multiple_of3A_1582] : memref<16x1000000xf32, #tpu.memory_space<hbm>> -> memref<8x128xf32, #tpu.memory_space<hbm>>
        tpu.enqueue_dma source(%dma_start3A_1642 : memref<8x128xf32, #tpu.memory_space<hbm>>) target(%dma_start3A_1640 : memref<8x128xf32, #tpu.memory_space<vmem>>) target_semaphore(%dma_start3A_1636 : memref<!tpu.dma_semaphore, #tpu.memory_space<semaphore_mem>>)
        %slice3A_1643 = vector.extract_strided_slice %shift_left3A_1306 {offsets = [5], sizes = [1], strides = [1]} : vector<16xi32> to vector<1xi32>
        %squeeze3A_1644 = vector.extract %slice3A_1643[0] : i32 from vector<1xi32>
        %multiple_of3A_1645 = tpu.assume_multiple %squeeze3A_1644, 128 : i32
        %slice3A_1646 = vector.extract_strided_slice %shift_left3A_1312 {offsets = [5], sizes = [1], strides = [1]} : vector<16xi32> to vector<1xi32>
        %squeeze3A_1647 = vector.extract %slice3A_1646[0] : i32 from vector<1xi32>
        %multiple_of3A_1648 = tpu.assume_multiple %squeeze3A_1647, 128 : i32
        %dma_start3A_1649 = arith.constant 5 : i32
        %dma_start3A_1650 = arith.constant 0 : i32
        %dma_start3A_1651 = arith.constant 0 : i32
        %dma_start3A_1652 = tpu.memref_slice %arg10[%rem3A_1290, %dma_start3A_1649, %dma_start3A_1650, %dma_start3A_1651] : memref<3x16x16x128xf32, #tpu.memory_space<vmem>> -> memref<1x1x8x128xf32, #tpu.memory_space<vmem>>
        %dma_start3A_1653 = tpu.memref_squeeze %dma_start3A_1652 : memref<1x1x8x128xf32, #tpu.memory_space<vmem>> -> memref<8x128xf32, #tpu.memory_space<vmem>>
        %dma_start3A_1654 = arith.constant 0 : i32
        %dma_start3A_1655 = tpu.memref_slice %arg4[%dma_start3A_1654, %multiple_of3A_1645] : memref<16x1000000xf32, #tpu.memory_space<hbm>> -> memref<8x128xf32, #tpu.memory_space<hbm>>
        %dma_start3A_1656 = tpu.memref_slice %arg12[%rem3A_1290] : memref<3x!tpu.dma_semaphore, #tpu.memory_space<semaphore_mem>> -> memref<1x!tpu.dma_semaphore, #tpu.memory_space<semaphore_mem>>
        %dma_start3A_1657 = tpu.memref_squeeze %dma_start3A_1656 : memref<1x!tpu.dma_semaphore, #tpu.memory_space<semaphore_mem>> -> memref<!tpu.dma_semaphore, #tpu.memory_space<semaphore_mem>>
        %dma_start3A_1658 = arith.constant 0 : i32
        %dma_start3A_1659 = arith.constant 0 : i32
        %dma_start3A_1660 = tpu.memref_slice %arg10[%rem3A_1290, %dma_start3A_1649, %dma_start3A_1658, %dma_start3A_1659] : memref<3x16x16x128xf32, #tpu.memory_space<vmem>> -> memref<1x1x8x128xf32, #tpu.memory_space<vmem>>
        %dma_start3A_1661 = tpu.memref_squeeze %dma_start3A_1660 : memref<1x1x8x128xf32, #tpu.memory_space<vmem>> -> memref<8x128xf32, #tpu.memory_space<vmem>>
        %dma_start3A_1662 = arith.constant 0 : i32
        %dma_start3A_1663 = tpu.memref_slice %arg4[%dma_start3A_1662, %multiple_of3A_1645] : memref<16x1000000xf32, #tpu.memory_space<hbm>> -> memref<8x128xf32, #tpu.memory_space<hbm>>
        tpu.enqueue_dma source(%dma_start3A_1663 : memref<8x128xf32, #tpu.memory_space<hbm>>) target(%dma_start3A_1661 : memref<8x128xf32, #tpu.memory_space<vmem>>) target_semaphore(%dma_start3A_1657 : memref<!tpu.dma_semaphore, #tpu.memory_space<semaphore_mem>>)
        %dma_start3A_1664 = arith.constant 13 : i32
        %dma_start3A_1665 = arith.constant 0 : i32
        %dma_start3A_1666 = arith.constant 0 : i32
        %dma_start3A_1667 = tpu.memref_slice %arg10[%rem3A_1290, %dma_start3A_1664, %dma_start3A_1665, %dma_start3A_1666] : memref<3x16x16x128xf32, #tpu.memory_space<vmem>> -> memref<1x1x8x128xf32, #tpu.memory_space<vmem>>
        %dma_start3A_1668 = tpu.memref_squeeze %dma_start3A_1667 : memref<1x1x8x128xf32, #tpu.memory_space<vmem>> -> memref<8x128xf32, #tpu.memory_space<vmem>>
        %dma_start3A_1669 = arith.constant 0 : i32
        %dma_start3A_1670 = tpu.memref_slice %arg5[%dma_start3A_1669, %multiple_of3A_1648] : memref<16x1000000xf32, #tpu.memory_space<hbm>> -> memref<8x128xf32, #tpu.memory_space<hbm>>
        %dma_start3A_1671 = tpu.memref_slice %arg12[%rem3A_1290] : memref<3x!tpu.dma_semaphore, #tpu.memory_space<semaphore_mem>> -> memref<1x!tpu.dma_semaphore, #tpu.memory_space<semaphore_mem>>
        %dma_start3A_1672 = tpu.memref_squeeze %dma_start3A_1671 : memref<1x!tpu.dma_semaphore, #tpu.memory_space<semaphore_mem>> -> memref<!tpu.dma_semaphore, #tpu.memory_space<semaphore_mem>>
        %dma_start3A_1673 = arith.constant 0 : i32
        %dma_start3A_1674 = arith.constant 0 : i32
        %dma_start3A_1675 = tpu.memref_slice %arg10[%rem3A_1290, %dma_start3A_1664, %dma_start3A_1673, %dma_start3A_1674] : memref<3x16x16x128xf32, #tpu.memory_space<vmem>> -> memref<1x1x8x128xf32, #tpu.memory_space<vmem>>
        %dma_start3A_1676 = tpu.memref_squeeze %dma_start3A_1675 : memref<1x1x8x128xf32, #tpu.memory_space<vmem>> -> memref<8x128xf32, #tpu.memory_space<vmem>>
        %dma_start3A_1677 = arith.constant 0 : i32
        %dma_start3A_1678 = tpu.memref_slice %arg5[%dma_start3A_1677, %multiple_of3A_1648] : memref<16x1000000xf32, #tpu.memory_space<hbm>> -> memref<8x128xf32, #tpu.memory_space<hbm>>
        tpu.enqueue_dma source(%dma_start3A_1678 : memref<8x128xf32, #tpu.memory_space<hbm>>) target(%dma_start3A_1676 : memref<8x128xf32, #tpu.memory_space<vmem>>) target_semaphore(%dma_start3A_1672 : memref<!tpu.dma_semaphore, #tpu.memory_space<semaphore_mem>>)
        %dma_start3A_1679 = arith.constant 5 : i32
        %dma_start3A_1680 = arith.constant 8 : i32
        %dma_start3A_1681 = arith.constant 0 : i32
        %dma_start3A_1682 = tpu.memref_slice %arg10[%rem3A_1290, %dma_start3A_1679, %dma_start3A_1680, %dma_start3A_1681] : memref<3x16x16x128xf32, #tpu.memory_space<vmem>> -> memref<1x1x8x128xf32, #tpu.memory_space<vmem>>
        %dma_start3A_1683 = tpu.memref_squeeze %dma_start3A_1682 : memref<1x1x8x128xf32, #tpu.memory_space<vmem>> -> memref<8x128xf32, #tpu.memory_space<vmem>>
        %dma_start3A_1684 = arith.constant 8 : i32
        %dma_start3A_1685 = tpu.memref_slice %arg4[%dma_start3A_1684, %multiple_of3A_1645] : memref<16x1000000xf32, #tpu.memory_space<hbm>> -> memref<8x128xf32, #tpu.memory_space<hbm>>
        %dma_start3A_1686 = tpu.memref_slice %arg12[%rem3A_1290] : memref<3x!tpu.dma_semaphore, #tpu.memory_space<semaphore_mem>> -> memref<1x!tpu.dma_semaphore, #tpu.memory_space<semaphore_mem>>
        %dma_start3A_1687 = tpu.memref_squeeze %dma_start3A_1686 : memref<1x!tpu.dma_semaphore, #tpu.memory_space<semaphore_mem>> -> memref<!tpu.dma_semaphore, #tpu.memory_space<semaphore_mem>>
        %dma_start3A_1688 = arith.constant 8 : i32
        %dma_start3A_1689 = arith.constant 0 : i32
        %dma_start3A_1690 = tpu.memref_slice %arg10[%rem3A_1290, %dma_start3A_1679, %dma_start3A_1688, %dma_start3A_1689] : memref<3x16x16x128xf32, #tpu.memory_space<vmem>> -> memref<1x1x8x128xf32, #tpu.memory_space<vmem>>
        %dma_start3A_1691 = tpu.memref_squeeze %dma_start3A_1690 : memref<1x1x8x128xf32, #tpu.memory_space<vmem>> -> memref<8x128xf32, #tpu.memory_space<vmem>>
        %dma_start3A_1692 = arith.constant 8 : i32
        %dma_start3A_1693 = tpu.memref_slice %arg4[%dma_start3A_1692, %multiple_of3A_1645] : memref<16x1000000xf32, #tpu.memory_space<hbm>> -> memref<8x128xf32, #tpu.memory_space<hbm>>
        tpu.enqueue_dma source(%dma_start3A_1693 : memref<8x128xf32, #tpu.memory_space<hbm>>) target(%dma_start3A_1691 : memref<8x128xf32, #tpu.memory_space<vmem>>) target_semaphore(%dma_start3A_1687 : memref<!tpu.dma_semaphore, #tpu.memory_space<semaphore_mem>>)
        %dma_start3A_1694 = arith.constant 13 : i32
        %dma_start3A_1695 = arith.constant 8 : i32
        %dma_start3A_1696 = arith.constant 0 : i32
        %dma_start3A_1697 = tpu.memref_slice %arg10[%rem3A_1290, %dma_start3A_1694, %dma_start3A_1695, %dma_start3A_1696] : memref<3x16x16x128xf32, #tpu.memory_space<vmem>> -> memref<1x1x8x128xf32, #tpu.memory_space<vmem>>
        %dma_start3A_1698 = tpu.memref_squeeze %dma_start3A_1697 : memref<1x1x8x128xf32, #tpu.memory_space<vmem>> -> memref<8x128xf32, #tpu.memory_space<vmem>>
        %dma_start3A_1699 = arith.constant 8 : i32
        %dma_start3A_1700 = tpu.memref_slice %arg5[%dma_start3A_1699, %multiple_of3A_1648] : memref<16x1000000xf32, #tpu.memory_space<hbm>> -> memref<8x128xf32, #tpu.memory_space<hbm>>
        %dma_start3A_1701 = tpu.memref_slice %arg12[%rem3A_1290] : memref<3x!tpu.dma_semaphore, #tpu.memory_space<semaphore_mem>> -> memref<1x!tpu.dma_semaphore, #tpu.memory_space<semaphore_mem>>
        %dma_start3A_1702 = tpu.memref_squeeze %dma_start3A_1701 : memref<1x!tpu.dma_semaphore, #tpu.memory_space<semaphore_mem>> -> memref<!tpu.dma_semaphore, #tpu.memory_space<semaphore_mem>>
        %dma_start3A_1703 = arith.constant 8 : i32
        %dma_start3A_1704 = arith.constant 0 : i32
        %dma_start3A_1705 = tpu.memref_slice %arg10[%rem3A_1290, %dma_start3A_1694, %dma_start3A_1703, %dma_start3A_1704] : memref<3x16x16x128xf32, #tpu.memory_space<vmem>> -> memref<1x1x8x128xf32, #tpu.memory_space<vmem>>
        %dma_start3A_1706 = tpu.memref_squeeze %dma_start3A_1705 : memref<1x1x8x128xf32, #tpu.memory_space<vmem>> -> memref<8x128xf32, #tpu.memory_space<vmem>>
        %dma_start3A_1707 = arith.constant 8 : i32
        %dma_start3A_1708 = tpu.memref_slice %arg5[%dma_start3A_1707, %multiple_of3A_1648] : memref<16x1000000xf32, #tpu.memory_space<hbm>> -> memref<8x128xf32, #tpu.memory_space<hbm>>
        tpu.enqueue_dma source(%dma_start3A_1708 : memref<8x128xf32, #tpu.memory_space<hbm>>) target(%dma_start3A_1706 : memref<8x128xf32, #tpu.memory_space<vmem>>) target_semaphore(%dma_start3A_1702 : memref<!tpu.dma_semaphore, #tpu.memory_space<semaphore_mem>>)
        %slice3A_1709 = vector.extract_strided_slice %shift_left3A_1306 {offsets = [6], sizes = [1], strides = [1]} : vector<16xi32> to vector<1xi32>
        %squeeze3A_1710 = vector.extract %slice3A_1709[0] : i32 from vector<1xi32>
        %multiple_of3A_1711 = tpu.assume_multiple %squeeze3A_1710, 128 : i32
        %slice3A_1712 = vector.extract_strided_slice %shift_left3A_1312 {offsets = [6], sizes = [1], strides = [1]} : vector<16xi32> to vector<1xi32>
        %squeeze3A_1713 = vector.extract %slice3A_1712[0] : i32 from vector<1xi32>
        %multiple_of3A_1714 = tpu.assume_multiple %squeeze3A_1713, 128 : i32
        %dma_start3A_1715 = arith.constant 6 : i32
        %dma_start3A_1716 = arith.constant 0 : i32
        %dma_start3A_1717 = arith.constant 0 : i32
        %dma_start3A_1718 = tpu.memref_slice %arg10[%rem3A_1290, %dma_start3A_1715, %dma_start3A_1716, %dma_start3A_1717] : memref<3x16x16x128xf32, #tpu.memory_space<vmem>> -> memref<1x1x8x128xf32, #tpu.memory_space<vmem>>
        %dma_start3A_1719 = tpu.memref_squeeze %dma_start3A_1718 : memref<1x1x8x128xf32, #tpu.memory_space<vmem>> -> memref<8x128xf32, #tpu.memory_space<vmem>>
        %dma_start3A_1720 = arith.constant 0 : i32
        %dma_start3A_1721 = tpu.memref_slice %arg4[%dma_start3A_1720, %multiple_of3A_1711] : memref<16x1000000xf32, #tpu.memory_space<hbm>> -> memref<8x128xf32, #tpu.memory_space<hbm>>
        %dma_start3A_1722 = tpu.memref_slice %arg12[%rem3A_1290] : memref<3x!tpu.dma_semaphore, #tpu.memory_space<semaphore_mem>> -> memref<1x!tpu.dma_semaphore, #tpu.memory_space<semaphore_mem>>
        %dma_start3A_1723 = tpu.memref_squeeze %dma_start3A_1722 : memref<1x!tpu.dma_semaphore, #tpu.memory_space<semaphore_mem>> -> memref<!tpu.dma_semaphore, #tpu.memory_space<semaphore_mem>>
        %dma_start3A_1724 = arith.constant 0 : i32
        %dma_start3A_1725 = arith.constant 0 : i32
        %dma_start3A_1726 = tpu.memref_slice %arg10[%rem3A_1290, %dma_start3A_1715, %dma_start3A_1724, %dma_start3A_1725] : memref<3x16x16x128xf32, #tpu.memory_space<vmem>> -> memref<1x1x8x128xf32, #tpu.memory_space<vmem>>
        %dma_start3A_1727 = tpu.memref_squeeze %dma_start3A_1726 : memref<1x1x8x128xf32, #tpu.memory_space<vmem>> -> memref<8x128xf32, #tpu.memory_space<vmem>>
        %dma_start3A_1728 = arith.constant 0 : i32
        %dma_start3A_1729 = tpu.memref_slice %arg4[%dma_start3A_1728, %multiple_of3A_1711] : memref<16x1000000xf32, #tpu.memory_space<hbm>> -> memref<8x128xf32, #tpu.memory_space<hbm>>
        tpu.enqueue_dma source(%dma_start3A_1729 : memref<8x128xf32, #tpu.memory_space<hbm>>) target(%dma_start3A_1727 : memref<8x128xf32, #tpu.memory_space<vmem>>) target_semaphore(%dma_start3A_1723 : memref<!tpu.dma_semaphore, #tpu.memory_space<semaphore_mem>>)
        %dma_start3A_1730 = arith.constant 14 : i32
        %dma_start3A_1731 = arith.constant 0 : i32
        %dma_start3A_1732 = arith.constant 0 : i32
        %dma_start3A_1733 = tpu.memref_slice %arg10[%rem3A_1290, %dma_start3A_1730, %dma_start3A_1731, %dma_start3A_1732] : memref<3x16x16x128xf32, #tpu.memory_space<vmem>> -> memref<1x1x8x128xf32, #tpu.memory_space<vmem>>
        %dma_start3A_1734 = tpu.memref_squeeze %dma_start3A_1733 : memref<1x1x8x128xf32, #tpu.memory_space<vmem>> -> memref<8x128xf32, #tpu.memory_space<vmem>>
        %dma_start3A_1735 = arith.constant 0 : i32
        %dma_start3A_1736 = tpu.memref_slice %arg5[%dma_start3A_1735, %multiple_of3A_1714] : memref<16x1000000xf32, #tpu.memory_space<hbm>> -> memref<8x128xf32, #tpu.memory_space<hbm>>
        %dma_start3A_1737 = tpu.memref_slice %arg12[%rem3A_1290] : memref<3x!tpu.dma_semaphore, #tpu.memory_space<semaphore_mem>> -> memref<1x!tpu.dma_semaphore, #tpu.memory_space<semaphore_mem>>
        %dma_start3A_1738 = tpu.memref_squeeze %dma_start3A_1737 : memref<1x!tpu.dma_semaphore, #tpu.memory_space<semaphore_mem>> -> memref<!tpu.dma_semaphore, #tpu.memory_space<semaphore_mem>>
        %dma_start3A_1739 = arith.constant 0 : i32
        %dma_start3A_1740 = arith.constant 0 : i32
        %dma_start3A_1741 = tpu.memref_slice %arg10[%rem3A_1290, %dma_start3A_1730, %dma_start3A_1739, %dma_start3A_1740] : memref<3x16x16x128xf32, #tpu.memory_space<vmem>> -> memref<1x1x8x128xf32, #tpu.memory_space<vmem>>
        %dma_start3A_1742 = tpu.memref_squeeze %dma_start3A_1741 : memref<1x1x8x128xf32, #tpu.memory_space<vmem>> -> memref<8x128xf32, #tpu.memory_space<vmem>>
        %dma_start3A_1743 = arith.constant 0 : i32
        %dma_start3A_1744 = tpu.memref_slice %arg5[%dma_start3A_1743, %multiple_of3A_1714] : memref<16x1000000xf32, #tpu.memory_space<hbm>> -> memref<8x128xf32, #tpu.memory_space<hbm>>
        tpu.enqueue_dma source(%dma_start3A_1744 : memref<8x128xf32, #tpu.memory_space<hbm>>) target(%dma_start3A_1742 : memref<8x128xf32, #tpu.memory_space<vmem>>) target_semaphore(%dma_start3A_1738 : memref<!tpu.dma_semaphore, #tpu.memory_space<semaphore_mem>>)
        %dma_start3A_1745 = arith.constant 6 : i32
        %dma_start3A_1746 = arith.constant 8 : i32
        %dma_start3A_1747 = arith.constant 0 : i32
        %dma_start3A_1748 = tpu.memref_slice %arg10[%rem3A_1290, %dma_start3A_1745, %dma_start3A_1746, %dma_start3A_1747] : memref<3x16x16x128xf32, #tpu.memory_space<vmem>> -> memref<1x1x8x128xf32, #tpu.memory_space<vmem>>
        %dma_start3A_1749 = tpu.memref_squeeze %dma_start3A_1748 : memref<1x1x8x128xf32, #tpu.memory_space<vmem>> -> memref<8x128xf32, #tpu.memory_space<vmem>>
        %dma_start3A_1750 = arith.constant 8 : i32
        %dma_start3A_1751 = tpu.memref_slice %arg4[%dma_start3A_1750, %multiple_of3A_1711] : memref<16x1000000xf32, #tpu.memory_space<hbm>> -> memref<8x128xf32, #tpu.memory_space<hbm>>
        %dma_start3A_1752 = tpu.memref_slice %arg12[%rem3A_1290] : memref<3x!tpu.dma_semaphore, #tpu.memory_space<semaphore_mem>> -> memref<1x!tpu.dma_semaphore, #tpu.memory_space<semaphore_mem>>
        %dma_start3A_1753 = tpu.memref_squeeze %dma_start3A_1752 : memref<1x!tpu.dma_semaphore, #tpu.memory_space<semaphore_mem>> -> memref<!tpu.dma_semaphore, #tpu.memory_space<semaphore_mem>>
        %dma_start3A_1754 = arith.constant 8 : i32
        %dma_start3A_1755 = arith.constant 0 : i32
        %dma_start3A_1756 = tpu.memref_slice %arg10[%rem3A_1290, %dma_start3A_1745, %dma_start3A_1754, %dma_start3A_1755] : memref<3x16x16x128xf32, #tpu.memory_space<vmem>> -> memref<1x1x8x128xf32, #tpu.memory_space<vmem>>
        %dma_start3A_1757 = tpu.memref_squeeze %dma_start3A_1756 : memref<1x1x8x128xf32, #tpu.memory_space<vmem>> -> memref<8x128xf32, #tpu.memory_space<vmem>>
        %dma_start3A_1758 = arith.constant 8 : i32
        %dma_start3A_1759 = tpu.memref_slice %arg4[%dma_start3A_1758, %multiple_of3A_1711] : memref<16x1000000xf32, #tpu.memory_space<hbm>> -> memref<8x128xf32, #tpu.memory_space<hbm>>
        tpu.enqueue_dma source(%dma_start3A_1759 : memref<8x128xf32, #tpu.memory_space<hbm>>) target(%dma_start3A_1757 : memref<8x128xf32, #tpu.memory_space<vmem>>) target_semaphore(%dma_start3A_1753 : memref<!tpu.dma_semaphore, #tpu.memory_space<semaphore_mem>>)
        %dma_start3A_1760 = arith.constant 14 : i32
        %dma_start3A_1761 = arith.constant 8 : i32
        %dma_start3A_1762 = arith.constant 0 : i32
        %dma_start3A_1763 = tpu.memref_slice %arg10[%rem3A_1290, %dma_start3A_1760, %dma_start3A_1761, %dma_start3A_1762] : memref<3x16x16x128xf32, #tpu.memory_space<vmem>> -> memref<1x1x8x128xf32, #tpu.memory_space<vmem>>
        %dma_start3A_1764 = tpu.memref_squeeze %dma_start3A_1763 : memref<1x1x8x128xf32, #tpu.memory_space<vmem>> -> memref<8x128xf32, #tpu.memory_space<vmem>>
        %dma_start3A_1765 = arith.constant 8 : i32
        %dma_start3A_1766 = tpu.memref_slice %arg5[%dma_start3A_1765, %multiple_of3A_1714] : memref<16x1000000xf32, #tpu.memory_space<hbm>> -> memref<8x128xf32, #tpu.memory_space<hbm>>
        %dma_start3A_1767 = tpu.memref_slice %arg12[%rem3A_1290] : memref<3x!tpu.dma_semaphore, #tpu.memory_space<semaphore_mem>> -> memref<1x!tpu.dma_semaphore, #tpu.memory_space<semaphore_mem>>
        %dma_start3A_1768 = tpu.memref_squeeze %dma_start3A_1767 : memref<1x!tpu.dma_semaphore, #tpu.memory_space<semaphore_mem>> -> memref<!tpu.dma_semaphore, #tpu.memory_space<semaphore_mem>>
        %dma_start3A_1769 = arith.constant 8 : i32
        %dma_start3A_1770 = arith.constant 0 : i32
        %dma_start3A_1771 = tpu.memref_slice %arg10[%rem3A_1290, %dma_start3A_1760, %dma_start3A_1769, %dma_start3A_1770] : memref<3x16x16x128xf32, #tpu.memory_space<vmem>> -> memref<1x1x8x128xf32, #tpu.memory_space<vmem>>
        %dma_start3A_1772 = tpu.memref_squeeze %dma_start3A_1771 : memref<1x1x8x128xf32, #tpu.memory_space<vmem>> -> memref<8x128xf32, #tpu.memory_space<vmem>>
        %dma_start3A_1773 = arith.constant 8 : i32
        %dma_start3A_1774 = tpu.memref_slice %arg5[%dma_start3A_1773, %multiple_of3A_1714] : memref<16x1000000xf32, #tpu.memory_space<hbm>> -> memref<8x128xf32, #tpu.memory_space<hbm>>
        tpu.enqueue_dma source(%dma_start3A_1774 : memref<8x128xf32, #tpu.memory_space<hbm>>) target(%dma_start3A_1772 : memref<8x128xf32, #tpu.memory_space<vmem>>) target_semaphore(%dma_start3A_1768 : memref<!tpu.dma_semaphore, #tpu.memory_space<semaphore_mem>>)
        %slice3A_1775 = vector.extract_strided_slice %shift_left3A_1306 {offsets = [7], sizes = [1], strides = [1]} : vector<16xi32> to vector<1xi32>
        %squeeze3A_1776 = vector.extract %slice3A_1775[0] : i32 from vector<1xi32>
        %multiple_of3A_1777 = tpu.assume_multiple %squeeze3A_1776, 128 : i32
        %slice3A_1778 = vector.extract_strided_slice %shift_left3A_1312 {offsets = [7], sizes = [1], strides = [1]} : vector<16xi32> to vector<1xi32>
        %squeeze3A_1779 = vector.extract %slice3A_1778[0] : i32 from vector<1xi32>
        %multiple_of3A_1780 = tpu.assume_multiple %squeeze3A_1779, 128 : i32
        %dma_start3A_1781 = arith.constant 7 : i32
        %dma_start3A_1782 = arith.constant 0 : i32
        %dma_start3A_1783 = arith.constant 0 : i32
        %dma_start3A_1784 = tpu.memref_slice %arg10[%rem3A_1290, %dma_start3A_1781, %dma_start3A_1782, %dma_start3A_1783] : memref<3x16x16x128xf32, #tpu.memory_space<vmem>> -> memref<1x1x8x128xf32, #tpu.memory_space<vmem>>
        %dma_start3A_1785 = tpu.memref_squeeze %dma_start3A_1784 : memref<1x1x8x128xf32, #tpu.memory_space<vmem>> -> memref<8x128xf32, #tpu.memory_space<vmem>>
        %dma_start3A_1786 = arith.constant 0 : i32
        %dma_start3A_1787 = tpu.memref_slice %arg4[%dma_start3A_1786, %multiple_of3A_1777] : memref<16x1000000xf32, #tpu.memory_space<hbm>> -> memref<8x128xf32, #tpu.memory_space<hbm>>
        %dma_start3A_1788 = tpu.memref_slice %arg12[%rem3A_1290] : memref<3x!tpu.dma_semaphore, #tpu.memory_space<semaphore_mem>> -> memref<1x!tpu.dma_semaphore, #tpu.memory_space<semaphore_mem>>
        %dma_start3A_1789 = tpu.memref_squeeze %dma_start3A_1788 : memref<1x!tpu.dma_semaphore, #tpu.memory_space<semaphore_mem>> -> memref<!tpu.dma_semaphore, #tpu.memory_space<semaphore_mem>>
        %dma_start3A_1790 = arith.constant 0 : i32
        %dma_start3A_1791 = arith.constant 0 : i32
        %dma_start3A_1792 = tpu.memref_slice %arg10[%rem3A_1290, %dma_start3A_1781, %dma_start3A_1790, %dma_start3A_1791] : memref<3x16x16x128xf32, #tpu.memory_space<vmem>> -> memref<1x1x8x128xf32, #tpu.memory_space<vmem>>
        %dma_start3A_1793 = tpu.memref_squeeze %dma_start3A_1792 : memref<1x1x8x128xf32, #tpu.memory_space<vmem>> -> memref<8x128xf32, #tpu.memory_space<vmem>>
        %dma_start3A_1794 = arith.constant 0 : i32
        %dma_start3A_1795 = tpu.memref_slice %arg4[%dma_start3A_1794, %multiple_of3A_1777] : memref<16x1000000xf32, #tpu.memory_space<hbm>> -> memref<8x128xf32, #tpu.memory_space<hbm>>
        tpu.enqueue_dma source(%dma_start3A_1795 : memref<8x128xf32, #tpu.memory_space<hbm>>) target(%dma_start3A_1793 : memref<8x128xf32, #tpu.memory_space<vmem>>) target_semaphore(%dma_start3A_1789 : memref<!tpu.dma_semaphore, #tpu.memory_space<semaphore_mem>>)
        %dma_start3A_1796 = arith.constant 15 : i32
        %dma_start3A_1797 = arith.constant 0 : i32
        %dma_start3A_1798 = arith.constant 0 : i32
        %dma_start3A_1799 = tpu.memref_slice %arg10[%rem3A_1290, %dma_start3A_1796, %dma_start3A_1797, %dma_start3A_1798] : memref<3x16x16x128xf32, #tpu.memory_space<vmem>> -> memref<1x1x8x128xf32, #tpu.memory_space<vmem>>
        %dma_start3A_1800 = tpu.memref_squeeze %dma_start3A_1799 : memref<1x1x8x128xf32, #tpu.memory_space<vmem>> -> memref<8x128xf32, #tpu.memory_space<vmem>>
        %dma_start3A_1801 = arith.constant 0 : i32
        %dma_start3A_1802 = tpu.memref_slice %arg5[%dma_start3A_1801, %multiple_of3A_1780] : memref<16x1000000xf32, #tpu.memory_space<hbm>> -> memref<8x128xf32, #tpu.memory_space<hbm>>
        %dma_start3A_1803 = tpu.memref_slice %arg12[%rem3A_1290] : memref<3x!tpu.dma_semaphore, #tpu.memory_space<semaphore_mem>> -> memref<1x!tpu.dma_semaphore, #tpu.memory_space<semaphore_mem>>
        %dma_start3A_1804 = tpu.memref_squeeze %dma_start3A_1803 : memref<1x!tpu.dma_semaphore, #tpu.memory_space<semaphore_mem>> -> memref<!tpu.dma_semaphore, #tpu.memory_space<semaphore_mem>>
        %dma_start3A_1805 = arith.constant 0 : i32
        %dma_start3A_1806 = arith.constant 0 : i32
        %dma_start3A_1807 = tpu.memref_slice %arg10[%rem3A_1290, %dma_start3A_1796, %dma_start3A_1805, %dma_start3A_1806] : memref<3x16x16x128xf32, #tpu.memory_space<vmem>> -> memref<1x1x8x128xf32, #tpu.memory_space<vmem>>
        %dma_start3A_1808 = tpu.memref_squeeze %dma_start3A_1807 : memref<1x1x8x128xf32, #tpu.memory_space<vmem>> -> memref<8x128xf32, #tpu.memory_space<vmem>>
        %dma_start3A_1809 = arith.constant 0 : i32
        %dma_start3A_1810 = tpu.memref_slice %arg5[%dma_start3A_1809, %multiple_of3A_1780] : memref<16x1000000xf32, #tpu.memory_space<hbm>> -> memref<8x128xf32, #tpu.memory_space<hbm>>
        tpu.enqueue_dma source(%dma_start3A_1810 : memref<8x128xf32, #tpu.memory_space<hbm>>) target(%dma_start3A_1808 : memref<8x128xf32, #tpu.memory_space<vmem>>) target_semaphore(%dma_start3A_1804 : memref<!tpu.dma_semaphore, #tpu.memory_space<semaphore_mem>>)
        %dma_start3A_1811 = arith.constant 7 : i32
        %dma_start3A_1812 = arith.constant 8 : i32
        %dma_start3A_1813 = arith.constant 0 : i32
        %dma_start3A_1814 = tpu.memref_slice %arg10[%rem3A_1290, %dma_start3A_1811, %dma_start3A_1812, %dma_start3A_1813] : memref<3x16x16x128xf32, #tpu.memory_space<vmem>> -> memref<1x1x8x128xf32, #tpu.memory_space<vmem>>
        %dma_start3A_1815 = tpu.memref_squeeze %dma_start3A_1814 : memref<1x1x8x128xf32, #tpu.memory_space<vmem>> -> memref<8x128xf32, #tpu.memory_space<vmem>>
        %dma_start3A_1816 = arith.constant 8 : i32
        %dma_start3A_1817 = tpu.memref_slice %arg4[%dma_start3A_1816, %multiple_of3A_1777] : memref<16x1000000xf32, #tpu.memory_space<hbm>> -> memref<8x128xf32, #tpu.memory_space<hbm>>
        %dma_start3A_1818 = tpu.memref_slice %arg12[%rem3A_1290] : memref<3x!tpu.dma_semaphore, #tpu.memory_space<semaphore_mem>> -> memref<1x!tpu.dma_semaphore, #tpu.memory_space<semaphore_mem>>
        %dma_start3A_1819 = tpu.memref_squeeze %dma_start3A_1818 : memref<1x!tpu.dma_semaphore, #tpu.memory_space<semaphore_mem>> -> memref<!tpu.dma_semaphore, #tpu.memory_space<semaphore_mem>>
        %dma_start3A_1820 = arith.constant 8 : i32
        %dma_start3A_1821 = arith.constant 0 : i32
        %dma_start3A_1822 = tpu.memref_slice %arg10[%rem3A_1290, %dma_start3A_1811, %dma_start3A_1820, %dma_start3A_1821] : memref<3x16x16x128xf32, #tpu.memory_space<vmem>> -> memref<1x1x8x128xf32, #tpu.memory_space<vmem>>
        %dma_start3A_1823 = tpu.memref_squeeze %dma_start3A_1822 : memref<1x1x8x128xf32, #tpu.memory_space<vmem>> -> memref<8x128xf32, #tpu.memory_space<vmem>>
        %dma_start3A_1824 = arith.constant 8 : i32
        %dma_start3A_1825 = tpu.memref_slice %arg4[%dma_start3A_1824, %multiple_of3A_1777] : memref<16x1000000xf32, #tpu.memory_space<hbm>> -> memref<8x128xf32, #tpu.memory_space<hbm>>
        tpu.enqueue_dma source(%dma_start3A_1825 : memref<8x128xf32, #tpu.memory_space<hbm>>) target(%dma_start3A_1823 : memref<8x128xf32, #tpu.memory_space<vmem>>) target_semaphore(%dma_start3A_1819 : memref<!tpu.dma_semaphore, #tpu.memory_space<semaphore_mem>>)
        %dma_start3A_1826 = arith.constant 15 : i32
        %dma_start3A_1827 = arith.constant 8 : i32
        %dma_start3A_1828 = arith.constant 0 : i32
        %dma_start3A_1829 = tpu.memref_slice %arg10[%rem3A_1290, %dma_start3A_1826, %dma_start3A_1827, %dma_start3A_1828] : memref<3x16x16x128xf32, #tpu.memory_space<vmem>> -> memref<1x1x8x128xf32, #tpu.memory_space<vmem>>
        %dma_start3A_1830 = tpu.memref_squeeze %dma_start3A_1829 : memref<1x1x8x128xf32, #tpu.memory_space<vmem>> -> memref<8x128xf32, #tpu.memory_space<vmem>>
        %dma_start3A_1831 = arith.constant 8 : i32
        %dma_start3A_1832 = tpu.memref_slice %arg5[%dma_start3A_1831, %multiple_of3A_1780] : memref<16x1000000xf32, #tpu.memory_space<hbm>> -> memref<8x128xf32, #tpu.memory_space<hbm>>
        %dma_start3A_1833 = tpu.memref_slice %arg12[%rem3A_1290] : memref<3x!tpu.dma_semaphore, #tpu.memory_space<semaphore_mem>> -> memref<1x!tpu.dma_semaphore, #tpu.memory_space<semaphore_mem>>
        %dma_start3A_1834 = tpu.memref_squeeze %dma_start3A_1833 : memref<1x!tpu.dma_semaphore, #tpu.memory_space<semaphore_mem>> -> memref<!tpu.dma_semaphore, #tpu.memory_space<semaphore_mem>>
        %dma_start3A_1835 = arith.constant 8 : i32
        %dma_start3A_1836 = arith.constant 0 : i32
        %dma_start3A_1837 = tpu.memref_slice %arg10[%rem3A_1290, %dma_start3A_1826, %dma_start3A_1835, %dma_start3A_1836] : memref<3x16x16x128xf32, #tpu.memory_space<vmem>> -> memref<1x1x8x128xf32, #tpu.memory_space<vmem>>
        %dma_start3A_1838 = tpu.memref_squeeze %dma_start3A_1837 : memref<1x1x8x128xf32, #tpu.memory_space<vmem>> -> memref<8x128xf32, #tpu.memory_space<vmem>>
        %dma_start3A_1839 = arith.constant 8 : i32
        %dma_start3A_1840 = tpu.memref_slice %arg5[%dma_start3A_1839, %multiple_of3A_1780] : memref<16x1000000xf32, #tpu.memory_space<hbm>> -> memref<8x128xf32, #tpu.memory_space<hbm>>
        tpu.enqueue_dma source(%dma_start3A_1840 : memref<8x128xf32, #tpu.memory_space<hbm>>) target(%dma_start3A_1838 : memref<8x128xf32, #tpu.memory_space<vmem>>) target_semaphore(%dma_start3A_1834 : memref<!tpu.dma_semaphore, #tpu.memory_space<semaphore_mem>>)
      } else {
      }
      %dma_wait3A = arith.constant 0 : i32
      %dma_wait3A_1111 = arith.constant 0 : i32
      %dma_wait3A_1112 = arith.constant 0 : i32
      %dma_wait3A_1113 = tpu.memref_slice %arg10[%rem3A_1106, %dma_wait3A, %dma_wait3A_1111, %dma_wait3A_1112] : memref<3x16x16x128xf32, #tpu.memory_space<vmem>> -> memref<1x16x16x128xf32, #tpu.memory_space<vmem>>
      %dma_wait3A_1114 = tpu.memref_squeeze %dma_wait3A_1113 : memref<1x16x16x128xf32, #tpu.memory_space<vmem>> -> memref<16x16x128xf32, #tpu.memory_space<vmem>>
      %dma_wait3A_1115 = tpu.memref_slice %arg12[%rem3A_1106] : memref<3x!tpu.dma_semaphore, #tpu.memory_space<semaphore_mem>> -> memref<1x!tpu.dma_semaphore, #tpu.memory_space<semaphore_mem>>
      %dma_wait3A_1116 = tpu.memref_squeeze %dma_wait3A_1115 : memref<1x!tpu.dma_semaphore, #tpu.memory_space<semaphore_mem>> -> memref<!tpu.dma_semaphore, #tpu.memory_space<semaphore_mem>>
      %dma_wait3A_1117 = arith.constant 0 : i32
      %dma_wait3A_1118 = arith.constant 0 : i32
      %dma_wait3A_1119 = arith.constant 0 : i32
      %dma_wait3A_1120 = tpu.memref_slice %arg10[%rem3A_1106, %dma_wait3A_1117, %dma_wait3A_1118, %dma_wait3A_1119] : memref<3x16x16x128xf32, #tpu.memory_space<vmem>> -> memref<1x16x16x128xf32, #tpu.memory_space<vmem>>
      %dma_wait3A_1121 = tpu.memref_squeeze %dma_wait3A_1120 : memref<1x16x16x128xf32, #tpu.memory_space<vmem>> -> memref<16x16x128xf32, #tpu.memory_space<vmem>>
      tpu.wait_dma2 semaphore(%dma_wait3A_1116 : memref<!tpu.dma_semaphore, #tpu.memory_space<semaphore_mem>>) src(%arg6 : memref<16x16x128xf32, #tpu.memory_space<hbm>>) dst(%dma_wait3A_1121 : memref<16x16x128xf32, #tpu.memory_space<vmem>>)
      %mul3A_1122 = arith.constant 8 : i32
      %mul3A_1123 = arith.muli %scan3A_1104, %mul3A_1122 : i32
      %add3A_1124 = vector.broadcast %mul3A_1123 : i32 to vector<16xi32>
      %add3A_1125 = arith.addi %add3A_1124, %and3A_4 : vector<16xi32>
      %gather3A_1126 = tpu.vector_load_idx %arg8[%add3A_1125] : memref<512xi32, #tpu.memory_space<vmem>>[vector<16xi32>], vector<16xi32>,
      %and3A_1127 = arith.constant 127 : i32
      %and3A_1128 = vector.broadcast %and3A_1127 : i32 to vector<16xi32>
      %and3A_1129 = arith.andi %gather3A_1126, %and3A_1128 : vector<16xi32>
      %mul3A_1130 = arith.constant 8 : i32
      %mul3A_1131 = arith.muli %scan3A_1104, %mul3A_1130 : i32
      %add3A_1132 = vector.broadcast %mul3A_1131 : i32 to vector<16xi32>
      %add3A_1133 = arith.addi %add3A_1132, %and3A_4 : vector<16xi32>
      %gather3A_1134 = tpu.vector_load_idx %arg9[%add3A_1133] : memref<512xi32, #tpu.memory_space<vmem>>[vector<16xi32>], vector<16xi32>,
      %and3A_1135 = arith.constant 127 : i32
      %and3A_1136 = vector.broadcast %and3A_1135 : i32 to vector<16xi32>
      %and3A_1137 = arith.andi %gather3A_1134, %and3A_1136 : vector<16xi32>
      %broadcast_in_dim3A = vector.broadcast %rem3A_1106 : i32 to vector<16xi32>
      %broadcast_in_dim3A_1138 = arith.constant 0.000000e+00 : f32
      %broadcast_in_dim3A_1139 = vector.broadcast %broadcast_in_dim3A_1138 : f32 to vector<16xf32>
      %broadcast_in_dim3A_1140 = arith.constant 0 : i32
      %broadcast_in_dim3A_1141 = vector.broadcast %broadcast_in_dim3A_1140 : i32 to vector<16xi32>
      %gather3A_1142 = tpu.vector_load_idx %arg10[%broadcast_in_dim3A, %and3A_4, %broadcast_in_dim3A_1141, %and3A_1129] : memref<3x16x16x128xf32, #tpu.memory_space<vmem>>[vector<16xi32>, vector<16xi32>, vector<16xi32>, vector<16xi32>], vector<16xf32>,
      %add3A_1143 = arith.constant 8 : i32
      %add3A_1144 = vector.broadcast %add3A_1143 : i32 to vector<16xi32>
      %add3A_1145 = arith.addi %and3A_4, %add3A_1144 : vector<16xi32>
      %gather3A_1146 = tpu.vector_load_idx %arg10[%broadcast_in_dim3A, %add3A_1145, %broadcast_in_dim3A_1141, %and3A_1137] : memref<3x16x16x128xf32, #tpu.memory_space<vmem>>[vector<16xi32>, vector<16xi32>, vector<16xi32>, vector<16xi32>], vector<16xf32>,
      %mul3A_1147 = arith.mulf %gather3A_1142, %gather3A_1146 : vector<16xf32>
      %add3A_1148 = arith.addf %broadcast_in_dim3A_1139, %mul3A_1147 : vector<16xf32>
      %broadcast_in_dim3A_1149 = arith.constant 1 : i32
      %broadcast_in_dim3A_1150 = vector.broadcast %broadcast_in_dim3A_1149 : i32 to vector<16xi32>
      %gather3A_1151 = tpu.vector_load_idx %arg10[%broadcast_in_dim3A, %and3A_4, %broadcast_in_dim3A_1150, %and3A_1129] : memref<3x16x16x128xf32, #tpu.memory_space<vmem>>[vector<16xi32>, vector<16xi32>, vector<16xi32>, vector<16xi32>], vector<16xf32>,
      %add3A_1152 = arith.constant 8 : i32
      %add3A_1153 = vector.broadcast %add3A_1152 : i32 to vector<16xi32>
      %add3A_1154 = arith.addi %and3A_4, %add3A_1153 : vector<16xi32>
      %gather3A_1155 = tpu.vector_load_idx %arg10[%broadcast_in_dim3A, %add3A_1154, %broadcast_in_dim3A_1150, %and3A_1137] : memref<3x16x16x128xf32, #tpu.memory_space<vmem>>[vector<16xi32>, vector<16xi32>, vector<16xi32>, vector<16xi32>], vector<16xf32>,
      %mul3A_1156 = arith.mulf %gather3A_1151, %gather3A_1155 : vector<16xf32>
      %add3A_1157 = arith.addf %add3A_1148, %mul3A_1156 : vector<16xf32>
      %broadcast_in_dim3A_1158 = arith.constant 2 : i32
      %broadcast_in_dim3A_1159 = vector.broadcast %broadcast_in_dim3A_1158 : i32 to vector<16xi32>
      %gather3A_1160 = tpu.vector_load_idx %arg10[%broadcast_in_dim3A, %and3A_4, %broadcast_in_dim3A_1159, %and3A_1129] : memref<3x16x16x128xf32, #tpu.memory_space<vmem>>[vector<16xi32>, vector<16xi32>, vector<16xi32>, vector<16xi32>], vector<16xf32>,
      %add3A_1161 = arith.constant 8 : i32
      %add3A_1162 = vector.broadcast %add3A_1161 : i32 to vector<16xi32>
      %add3A_1163 = arith.addi %and3A_4, %add3A_1162 : vector<16xi32>
      %gather3A_1164 = tpu.vector_load_idx %arg10[%broadcast_in_dim3A, %add3A_1163, %broadcast_in_dim3A_1159, %and3A_1137] : memref<3x16x16x128xf32, #tpu.memory_space<vmem>>[vector<16xi32>, vector<16xi32>, vector<16xi32>, vector<16xi32>], vector<16xf32>,
      %mul3A_1165 = arith.mulf %gather3A_1160, %gather3A_1164 : vector<16xf32>
      %add3A_1166 = arith.addf %add3A_1157, %mul3A_1165 : vector<16xf32>
      %broadcast_in_dim3A_1167 = arith.constant 3 : i32
      %broadcast_in_dim3A_1168 = vector.broadcast %broadcast_in_dim3A_1167 : i32 to vector<16xi32>
      %gather3A_1169 = tpu.vector_load_idx %arg10[%broadcast_in_dim3A, %and3A_4, %broadcast_in_dim3A_1168, %and3A_1129] : memref<3x16x16x128xf32, #tpu.memory_space<vmem>>[vector<16xi32>, vector<16xi32>, vector<16xi32>, vector<16xi32>], vector<16xf32>,
      %add3A_1170 = arith.constant 8 : i32
      %add3A_1171 = vector.broadcast %add3A_1170 : i32 to vector<16xi32>
      %add3A_1172 = arith.addi %and3A_4, %add3A_1171 : vector<16xi32>
      %gather3A_1173 = tpu.vector_load_idx %arg10[%broadcast_in_dim3A, %add3A_1172, %broadcast_in_dim3A_1168, %and3A_1137] : memref<3x16x16x128xf32, #tpu.memory_space<vmem>>[vector<16xi32>, vector<16xi32>, vector<16xi32>, vector<16xi32>], vector<16xf32>,
      %mul3A_1174 = arith.mulf %gather3A_1169, %gather3A_1173 : vector<16xf32>
      %add3A_1175 = arith.addf %add3A_1166, %mul3A_1174 : vector<16xf32>
      %broadcast_in_dim3A_1176 = arith.constant 4 : i32
      %broadcast_in_dim3A_1177 = vector.broadcast %broadcast_in_dim3A_1176 : i32 to vector<16xi32>
      %gather3A_1178 = tpu.vector_load_idx %arg10[%broadcast_in_dim3A, %and3A_4, %broadcast_in_dim3A_1177, %and3A_1129] : memref<3x16x16x128xf32, #tpu.memory_space<vmem>>[vector<16xi32>, vector<16xi32>, vector<16xi32>, vector<16xi32>], vector<16xf32>,
      %add3A_1179 = arith.constant 8 : i32
      %add3A_1180 = vector.broadcast %add3A_1179 : i32 to vector<16xi32>
      %add3A_1181 = arith.addi %and3A_4, %add3A_1180 : vector<16xi32>
      %gather3A_1182 = tpu.vector_load_idx %arg10[%broadcast_in_dim3A, %add3A_1181, %broadcast_in_dim3A_1177, %and3A_1137] : memref<3x16x16x128xf32, #tpu.memory_space<vmem>>[vector<16xi32>, vector<16xi32>, vector<16xi32>, vector<16xi32>], vector<16xf32>,
      %mul3A_1183 = arith.mulf %gather3A_1178, %gather3A_1182 : vector<16xf32>
      %add3A_1184 = arith.addf %add3A_1175, %mul3A_1183 : vector<16xf32>
      %broadcast_in_dim3A_1185 = arith.constant 5 : i32
      %broadcast_in_dim3A_1186 = vector.broadcast %broadcast_in_dim3A_1185 : i32 to vector<16xi32>
      %gather3A_1187 = tpu.vector_load_idx %arg10[%broadcast_in_dim3A, %and3A_4, %broadcast_in_dim3A_1186, %and3A_1129] : memref<3x16x16x128xf32, #tpu.memory_space<vmem>>[vector<16xi32>, vector<16xi32>, vector<16xi32>, vector<16xi32>], vector<16xf32>,
      %add3A_1188 = arith.constant 8 : i32
      %add3A_1189 = vector.broadcast %add3A_1188 : i32 to vector<16xi32>
      %add3A_1190 = arith.addi %and3A_4, %add3A_1189 : vector<16xi32>
      %gather3A_1191 = tpu.vector_load_idx %arg10[%broadcast_in_dim3A, %add3A_1190, %broadcast_in_dim3A_1186, %and3A_1137] : memref<3x16x16x128xf32, #tpu.memory_space<vmem>>[vector<16xi32>, vector<16xi32>, vector<16xi32>, vector<16xi32>], vector<16xf32>,
      %mul3A_1192 = arith.mulf %gather3A_1187, %gather3A_1191 : vector<16xf32>
      %add3A_1193 = arith.addf %add3A_1184, %mul3A_1192 : vector<16xf32>
      %broadcast_in_dim3A_1194 = arith.constant 6 : i32
      %broadcast_in_dim3A_1195 = vector.broadcast %broadcast_in_dim3A_1194 : i32 to vector<16xi32>
      %gather3A_1196 = tpu.vector_load_idx %arg10[%broadcast_in_dim3A, %and3A_4, %broadcast_in_dim3A_1195, %and3A_1129] : memref<3x16x16x128xf32, #tpu.memory_space<vmem>>[vector<16xi32>, vector<16xi32>, vector<16xi32>, vector<16xi32>], vector<16xf32>,
      %add3A_1197 = arith.constant 8 : i32
      %add3A_1198 = vector.broadcast %add3A_1197 : i32 to vector<16xi32>
      %add3A_1199 = arith.addi %and3A_4, %add3A_1198 : vector<16xi32>
      %gather3A_1200 = tpu.vector_load_idx %arg10[%broadcast_in_dim3A, %add3A_1199, %broadcast_in_dim3A_1195, %and3A_1137] : memref<3x16x16x128xf32, #tpu.memory_space<vmem>>[vector<16xi32>, vector<16xi32>, vector<16xi32>, vector<16xi32>], vector<16xf32>,
      %mul3A_1201 = arith.mulf %gather3A_1196, %gather3A_1200 : vector<16xf32>
      %add3A_1202 = arith.addf %add3A_1193, %mul3A_1201 : vector<16xf32>
      %broadcast_in_dim3A_1203 = arith.constant 7 : i32
      %broadcast_in_dim3A_1204 = vector.broadcast %broadcast_in_dim3A_1203 : i32 to vector<16xi32>
      %gather3A_1205 = tpu.vector_load_idx %arg10[%broadcast_in_dim3A, %and3A_4, %broadcast_in_dim3A_1204, %and3A_1129] : memref<3x16x16x128xf32, #tpu.memory_space<vmem>>[vector<16xi32>, vector<16xi32>, vector<16xi32>, vector<16xi32>], vector<16xf32>,
      %add3A_1206 = arith.constant 8 : i32
      %add3A_1207 = vector.broadcast %add3A_1206 : i32 to vector<16xi32>
      %add3A_1208 = arith.addi %and3A_4, %add3A_1207 : vector<16xi32>
      %gather3A_1209 = tpu.vector_load_idx %arg10[%broadcast_in_dim3A, %add3A_1208, %broadcast_in_dim3A_1204, %and3A_1137] : memref<3x16x16x128xf32, #tpu.memory_space<vmem>>[vector<16xi32>, vector<16xi32>, vector<16xi32>, vector<16xi32>], vector<16xf32>,
      %mul3A_1210 = arith.mulf %gather3A_1205, %gather3A_1209 : vector<16xf32>
      %add3A_1211 = arith.addf %add3A_1202, %mul3A_1210 : vector<16xf32>
      %broadcast_in_dim3A_1212 = arith.constant 8 : i32
      %broadcast_in_dim3A_1213 = vector.broadcast %broadcast_in_dim3A_1212 : i32 to vector<16xi32>
      %gather3A_1214 = tpu.vector_load_idx %arg10[%broadcast_in_dim3A, %and3A_4, %broadcast_in_dim3A_1213, %and3A_1129] : memref<3x16x16x128xf32, #tpu.memory_space<vmem>>[vector<16xi32>, vector<16xi32>, vector<16xi32>, vector<16xi32>], vector<16xf32>,
      %add3A_1215 = arith.constant 8 : i32
      %add3A_1216 = vector.broadcast %add3A_1215 : i32 to vector<16xi32>
      %add3A_1217 = arith.addi %and3A_4, %add3A_1216 : vector<16xi32>
      %gather3A_1218 = tpu.vector_load_idx %arg10[%broadcast_in_dim3A, %add3A_1217, %broadcast_in_dim3A_1213, %and3A_1137] : memref<3x16x16x128xf32, #tpu.memory_space<vmem>>[vector<16xi32>, vector<16xi32>, vector<16xi32>, vector<16xi32>], vector<16xf32>,
      %mul3A_1219 = arith.mulf %gather3A_1214, %gather3A_1218 : vector<16xf32>
      %add3A_1220 = arith.addf %add3A_1211, %mul3A_1219 : vector<16xf32>
      %broadcast_in_dim3A_1221 = arith.constant 9 : i32
      %broadcast_in_dim3A_1222 = vector.broadcast %broadcast_in_dim3A_1221 : i32 to vector<16xi32>
      %gather3A_1223 = tpu.vector_load_idx %arg10[%broadcast_in_dim3A, %and3A_4, %broadcast_in_dim3A_1222, %and3A_1129] : memref<3x16x16x128xf32, #tpu.memory_space<vmem>>[vector<16xi32>, vector<16xi32>, vector<16xi32>, vector<16xi32>], vector<16xf32>,
      %add3A_1224 = arith.constant 8 : i32
      %add3A_1225 = vector.broadcast %add3A_1224 : i32 to vector<16xi32>
      %add3A_1226 = arith.addi %and3A_4, %add3A_1225 : vector<16xi32>
      %gather3A_1227 = tpu.vector_load_idx %arg10[%broadcast_in_dim3A, %add3A_1226, %broadcast_in_dim3A_1222, %and3A_1137] : memref<3x16x16x128xf32, #tpu.memory_space<vmem>>[vector<16xi32>, vector<16xi32>, vector<16xi32>, vector<16xi32>], vector<16xf32>,
      %mul3A_1228 = arith.mulf %gather3A_1223, %gather3A_1227 : vector<16xf32>
      %add3A_1229 = arith.addf %add3A_1220, %mul3A_1228 : vector<16xf32>
      %broadcast_in_dim3A_1230 = arith.constant 10 : i32
      %broadcast_in_dim3A_1231 = vector.broadcast %broadcast_in_dim3A_1230 : i32 to vector<16xi32>
      %gather3A_1232 = tpu.vector_load_idx %arg10[%broadcast_in_dim3A, %and3A_4, %broadcast_in_dim3A_1231, %and3A_1129] : memref<3x16x16x128xf32, #tpu.memory_space<vmem>>[vector<16xi32>, vector<16xi32>, vector<16xi32>, vector<16xi32>], vector<16xf32>,
      %add3A_1233 = arith.constant 8 : i32
      %add3A_1234 = vector.broadcast %add3A_1233 : i32 to vector<16xi32>
      %add3A_1235 = arith.addi %and3A_4, %add3A_1234 : vector<16xi32>
      %gather3A_1236 = tpu.vector_load_idx %arg10[%broadcast_in_dim3A, %add3A_1235, %broadcast_in_dim3A_1231, %and3A_1137] : memref<3x16x16x128xf32, #tpu.memory_space<vmem>>[vector<16xi32>, vector<16xi32>, vector<16xi32>, vector<16xi32>], vector<16xf32>,
      %mul3A_1237 = arith.mulf %gather3A_1232, %gather3A_1236 : vector<16xf32>
      %add3A_1238 = arith.addf %add3A_1229, %mul3A_1237 : vector<16xf32>
      %broadcast_in_dim3A_1239 = arith.constant 11 : i32
      %broadcast_in_dim3A_1240 = vector.broadcast %broadcast_in_dim3A_1239 : i32 to vector<16xi32>
      %gather3A_1241 = tpu.vector_load_idx %arg10[%broadcast_in_dim3A, %and3A_4, %broadcast_in_dim3A_1240, %and3A_1129] : memref<3x16x16x128xf32, #tpu.memory_space<vmem>>[vector<16xi32>, vector<16xi32>, vector<16xi32>, vector<16xi32>], vector<16xf32>,
      %add3A_1242 = arith.constant 8 : i32
      %add3A_1243 = vector.broadcast %add3A_1242 : i32 to vector<16xi32>
      %add3A_1244 = arith.addi %and3A_4, %add3A_1243 : vector<16xi32>
      %gather3A_1245 = tpu.vector_load_idx %arg10[%broadcast_in_dim3A, %add3A_1244, %broadcast_in_dim3A_1240, %and3A_1137] : memref<3x16x16x128xf32, #tpu.memory_space<vmem>>[vector<16xi32>, vector<16xi32>, vector<16xi32>, vector<16xi32>], vector<16xf32>,
      %mul3A_1246 = arith.mulf %gather3A_1241, %gather3A_1245 : vector<16xf32>
      %add3A_1247 = arith.addf %add3A_1238, %mul3A_1246 : vector<16xf32>
      %broadcast_in_dim3A_1248 = arith.constant 12 : i32
      %broadcast_in_dim3A_1249 = vector.broadcast %broadcast_in_dim3A_1248 : i32 to vector<16xi32>
      %gather3A_1250 = tpu.vector_load_idx %arg10[%broadcast_in_dim3A, %and3A_4, %broadcast_in_dim3A_1249, %and3A_1129] : memref<3x16x16x128xf32, #tpu.memory_space<vmem>>[vector<16xi32>, vector<16xi32>, vector<16xi32>, vector<16xi32>], vector<16xf32>,
      %add3A_1251 = arith.constant 8 : i32
      %add3A_1252 = vector.broadcast %add3A_1251 : i32 to vector<16xi32>
      %add3A_1253 = arith.addi %and3A_4, %add3A_1252 : vector<16xi32>
      %gather3A_1254 = tpu.vector_load_idx %arg10[%broadcast_in_dim3A, %add3A_1253, %broadcast_in_dim3A_1249, %and3A_1137] : memref<3x16x16x128xf32, #tpu.memory_space<vmem>>[vector<16xi32>, vector<16xi32>, vector<16xi32>, vector<16xi32>], vector<16xf32>,
      %mul3A_1255 = arith.mulf %gather3A_1250, %gather3A_1254 : vector<16xf32>
      %add3A_1256 = arith.addf %add3A_1247, %mul3A_1255 : vector<16xf32>
      %broadcast_in_dim3A_1257 = arith.constant 13 : i32
      %broadcast_in_dim3A_1258 = vector.broadcast %broadcast_in_dim3A_1257 : i32 to vector<16xi32>
      %gather3A_1259 = tpu.vector_load_idx %arg10[%broadcast_in_dim3A, %and3A_4, %broadcast_in_dim3A_1258, %and3A_1129] : memref<3x16x16x128xf32, #tpu.memory_space<vmem>>[vector<16xi32>, vector<16xi32>, vector<16xi32>, vector<16xi32>], vector<16xf32>,
      %add3A_1260 = arith.constant 8 : i32
      %add3A_1261 = vector.broadcast %add3A_1260 : i32 to vector<16xi32>
      %add3A_1262 = arith.addi %and3A_4, %add3A_1261 : vector<16xi32>
      %gather3A_1263 = tpu.vector_load_idx %arg10[%broadcast_in_dim3A, %add3A_1262, %broadcast_in_dim3A_1258, %and3A_1137] : memref<3x16x16x128xf32, #tpu.memory_space<vmem>>[vector<16xi32>, vector<16xi32>, vector<16xi32>, vector<16xi32>], vector<16xf32>,
      %mul3A_1264 = arith.mulf %gather3A_1259, %gather3A_1263 : vector<16xf32>
      %add3A_1265 = arith.addf %add3A_1256, %mul3A_1264 : vector<16xf32>
      %broadcast_in_dim3A_1266 = arith.constant 14 : i32
      %broadcast_in_dim3A_1267 = vector.broadcast %broadcast_in_dim3A_1266 : i32 to vector<16xi32>
      %gather3A_1268 = tpu.vector_load_idx %arg10[%broadcast_in_dim3A, %and3A_4, %broadcast_in_dim3A_1267, %and3A_1129] : memref<3x16x16x128xf32, #tpu.memory_space<vmem>>[vector<16xi32>, vector<16xi32>, vector<16xi32>, vector<16xi32>], vector<16xf32>,
      %add3A_1269 = arith.constant 8 : i32
      %add3A_1270 = vector.broadcast %add3A_1269 : i32 to vector<16xi32>
      %add3A_1271 = arith.addi %and3A_4, %add3A_1270 : vector<16xi32>
      %gather3A_1272 = tpu.vector_load_idx %arg10[%broadcast_in_dim3A, %add3A_1271, %broadcast_in_dim3A_1267, %and3A_1137] : memref<3x16x16x128xf32, #tpu.memory_space<vmem>>[vector<16xi32>, vector<16xi32>, vector<16xi32>, vector<16xi32>], vector<16xf32>,
      %mul3A_1273 = arith.mulf %gather3A_1268, %gather3A_1272 : vector<16xf32>
      %add3A_1274 = arith.addf %add3A_1265, %mul3A_1273 : vector<16xf32>
      %broadcast_in_dim3A_1275 = arith.constant 15 : i32
      %broadcast_in_dim3A_1276 = vector.broadcast %broadcast_in_dim3A_1275 : i32 to vector<16xi32>
      %gather3A_1277 = tpu.vector_load_idx %arg10[%broadcast_in_dim3A, %and3A_4, %broadcast_in_dim3A_1276, %and3A_1129] : memref<3x16x16x128xf32, #tpu.memory_space<vmem>>[vector<16xi32>, vector<16xi32>, vector<16xi32>, vector<16xi32>], vector<16xf32>,
      %add3A_1278 = arith.constant 8 : i32
      %add3A_1279 = vector.broadcast %add3A_1278 : i32 to vector<16xi32>
      %add3A_1280 = arith.addi %and3A_4, %add3A_1279 : vector<16xi32>
      %gather3A_1281 = tpu.vector_load_idx %arg10[%broadcast_in_dim3A, %add3A_1280, %broadcast_in_dim3A_1276, %and3A_1137] : memref<3x16x16x128xf32, #tpu.memory_space<vmem>>[vector<16xi32>, vector<16xi32>, vector<16xi32>, vector<16xi32>], vector<16xf32>,
      %mul3A_1282 = arith.mulf %gather3A_1277, %gather3A_1281 : vector<16xf32>
      %add3A_1283 = arith.addf %add3A_1274, %mul3A_1282 : vector<16xf32>
      %mul3A_1284 = arith.constant 8 : i32
      %mul3A_1285 = arith.muli %scan3A_1104, %mul3A_1284 : i32
      %swap3A = arith.index_cast %mul3A_1285 : i32 to index
      %swap3A_1286 = tpu.vector_load %arg11[%swap3A] {strides = array<i32>} : memref<520xf32, #tpu.memory_space<vmem>>, vector<16xf32>,
      tpu.vector_store %arg11[%swap3A], %add3A_1283 {strides = array<i32>} : memref<520xf32, #tpu.memory_space<vmem>>, vector<16xf32>,
    }
    %scan3A_1103 = arith.constant 64 : i32
    "tpu.region"() ({
      %run_scoped3A = tpu.sem_alloc : memref<!tpu.dma_semaphore, #tpu.memory_space<semaphore_mem>>
      %dma_start3A_1104 = arith.constant 0 : i32
      %dma_start3A_1105 = tpu.memref_slice %arg11[%dma_start3A_1104] : memref<520xf32, #tpu.memory_space<vmem>> -> memref<512xf32, #tpu.memory_space<vmem>>
      %dma_start3A_1106 = tpu.memref_slice %arg7[%mul3A_2] : memref<16384xf32, #tpu.memory_space<hbm>> -> memref<512xf32, #tpu.memory_space<hbm>>
      %dma_start3A_1107 = tpu.memref_slice %arg7[%mul3A_2] : memref<16384xf32, #tpu.memory_space<hbm>> -> memref<512xf32, #tpu.memory_space<hbm>>
      %dma_start3A_1108 = arith.constant 0 : i32
      %dma_start3A_1109 = tpu.memref_slice %arg11[%dma_start3A_1108] : memref<520xf32, #tpu.memory_space<vmem>> -> memref<512xf32, #tpu.memory_space<vmem>>
      tpu.enqueue_dma source(%dma_start3A_1109 : memref<512xf32, #tpu.memory_space<vmem>>) target(%dma_start3A_1107 : memref<512xf32, #tpu.memory_space<hbm>>) target_semaphore(%run_scoped3A : memref<!tpu.dma_semaphore, #tpu.memory_space<semaphore_mem>>)
      %dma_wait3A = arith.constant 0 : i32
      %dma_wait3A_1110 = tpu.memref_slice %arg11[%dma_wait3A] : memref<520xf32, #tpu.memory_space<vmem>> -> memref<512xf32, #tpu.memory_space<vmem>>
      %dma_wait3A_1111 = tpu.memref_slice %arg7[%mul3A_2] : memref<16384xf32, #tpu.memory_space<hbm>> -> memref<512xf32, #tpu.memory_space<hbm>>
      %dma_wait3A_1112 = tpu.memref_slice %arg7[%mul3A_2] : memref<16384xf32, #tpu.memory_space<hbm>> -> memref<512xf32, #tpu.memory_space<hbm>>
      %dma_wait3A_1113 = arith.constant 0 : i32
      %dma_wait3A_1114 = tpu.memref_slice %arg11[%dma_wait3A_1113] : memref<520xf32, #tpu.memory_space<vmem>> -> memref<512xf32, #tpu.memory_space<vmem>>
      tpu.wait_dma2 semaphore(%run_scoped3A : memref<!tpu.dma_semaphore, #tpu.memory_space<semaphore_mem>>) src(%dma_wait3A_1114 : memref<512xf32, #tpu.memory_space<vmem>>) dst(%dma_wait3A_1112 : memref<512xf32, #tpu.memory_space<hbm>>)
      tpu.yield
    }) : () -> ()
    return
  }
}

</mosaic_0001>

<sc_bundles>
// kernel: kernel.3.cloned.1.call-start
scs
__scs_entry_jumppad:
0x0: {  	(pc) =	sbr.rel $0x88, $3  }
0x1: {  	(tag) =	ssettag $0x0;
	lr =	simm.s32 $0x1  }
0x2: {  	[smem:$0x3F9E] =	sst lr;
	_ =	strace $0xD0000000  }
0x3: {  	_ = 	snop  }
0x4: {  	_ = 	snop  }
0x5: {  	_ = 	snop  }
0x6: {  	_ = 	snop  }
0x7: {  	_ = 	snop  }
__scs_overlays_trampoline_lowered:
0x8: {  	[smem:$0x3FAD] =	sst s0  }
0x9: {  	[smem:$0x3FAE] =	sst s1  }
0xa: {  	[smem:$0x3FAF] =	sst s2  }
0xb: {  	[smem:$0x3FB0] =	sst s3  }
0xc: {  	[smem:$0x3FB1] =	sst s4  }
0xd: {  	[smem:$0x3FB2] =	sst s5  }
0xe: {  	[smem:$0x3FB3] =	sst s6  }
0xf: {  	[smem:$0x3FB4] =	sst s7  }
0x10: {  	[smem:$0x3FB5] =	sst s8  }
0x11: {  	[smem:$0x3FB6] =	sst s9;
	s0 =	simm.s32 @!p0 $0x0  }
0x12: {  	s1 =	sld [smem:$0x3F9C];
	s0 =	simm.s32 @p0 $0x1  }
0x13: {  	[smem:$0x3FB7] =	sst s0;
	s0 =	simm.s32 @!p1 $0x0  }
0x14: {  	s2 =	sld [smem:$0x3F9B];
	s0 =	simm.s32 @p1 $0x1  }
0x15: {  	[smem:$0x3FB8] =	sst s0;
	s0 =	simm.s32 @!p2 $0x0  }
0x16: {  	s3 =	sld [smem:$0x3FDB];
	s0 =	simm.s32 @p2 $0x1  }
0x17: {  	s4 =	simm.s32 $0x1BF5;
	[smem:$0x3FBA] =	sst s0  }
0x18: {  	s0 =	sld [smem:$0x3F9D];
	_ =	swait.ge [sflag:s4], $0x0  }
0x19: {  	s7 =	sld [smem:$0x3F9E]  }
0x1a: {  	s8 =	sadd.s32 $0xFFFFE003, lr  }
0x1b: {  	s9 =	sadd.s32 $0xFFFFFEF7, lr;
	s5 =	simm.s32 $0xFFFFFFFF;
	p2 =	slt.u32 s8, $0xFFFFF086  }
0x1c: {  	p1 =	slt.u32 s9, $0xF7A;
	s5 =	simm.s32 @!p2 $0x0  }
0x1d: {  	s5 =	simm.s32 @p1 $0x1;
	p0 =	seq.s32 s7, s2  }
0x1e: {  	s7 =	smul.u32 @!p0 $0xF7A, s2;
	p2 =	seq.s32 @!p0 s5, $0x0  }
0x1f: {  	s9 =	smul.u32 $0xF7A, s1;
	s8 =	simm.s32 @!p0 $0x1BF5;
	p2 =	por !p2, p0  }
0x20: {  	[sflag:s8] =	ssyncset.s32 @!p0 $0xFFFFF086;
	s6 =	sadd.s32 @!p0 s3, s7;
	s7 =	simm.s32 @!p0 $0x108  }
0x21: {  	s3 =	sadd.s32 s3, s9;
	s6 =	sadd.s32 @!p0 $0x88, s6;
	s7 =	simm.s32 @p2 $0x1082  }
0x22: {  	[simem:s7], [sflag:s8] =	dma.local @!p0 [hbm:s6], $0xF7A  }
0x23: {  	s9 =	sor.u32 $0xD0000000, s2;
	s6 =	simm.s32 $0x108;
	_ =	swait.ge @!p0 [sflag:s8], $0x0  }
0x24: {  	s3 =	sadd.s32 $0x88, s3;
	s6 =	simm.s32 @!p1 $0x1082;
	[sflag:s4] =	ssyncset.s32 $0xFFFFF086  }
0x25: {  	[simem:s6], [sflag:s4] =	dma.local [hbm:s3], $0xF7A  }
0x26: {  	[smem:$0x3F9E] =	sst s1;
	(tag) =	ssettag s2;
	_ =	strace s9  }
0x27: {  	s1 =	sld [smem:$0x3FAE]  }
0x28: {  	s2 =	sld [smem:$0x3FAF]  }
0x29: {  	s4 =	sld [smem:$0x3FB1]  }
0x2a: {  	p0 =	seq.s32 s5, $0x0;
	s5 =	sld [smem:$0x3FB2]  }
0x2b: {  	s6 =	sld [smem:$0x3FB3]  }
0x2c: {  	s7 =	sld [smem:$0x3FB4]  }
0x2d: {  	s3 =	simm.s32 $0x108;
	s8 =	sld [smem:$0x3FB5]  }
0x2e: {  	s3 =	simm.s32 @!p0 $0x1082;
	s9 =	sld [smem:$0x3FB6]  }
0x2f: {  	lr =	sadd.s32 s0, s3;
	s0 =	sld [smem:$0x3FAD]  }
0x30: {  	s3 =	sld [smem:$0x3FB0]  }
0x31: {  	[smem:$0x3FB9] =	sst s10  }
0x32: {  	s10 =	sld [smem:$0x3FB7];
	_ =	sdelay $0x3  }
0x33: {  	p0 =	seq.s32 s10, $0x1;
	s10 =	sld [smem:$0x3FB9];
	_ =	sdelay $0x3  }
0x34: {  	[smem:$0x3FB9] =	sst s10  }
0x35: {  	s10 =	sld [smem:$0x3FB8];
	_ =	sdelay $0x3  }
0x36: {  	p1 =	seq.s32 s10, $0x1;
	s10 =	sld [smem:$0x3FB9];
	_ =	sdelay $0x3  }
0x37: {  	[smem:$0x3FB9] =	sst s10  }
0x38: {  	s10 =	sld [smem:$0x3FBA]  }
0x39: {  	_ = 	snop;
	(pc) =	sbr.ind lr, $3  }
0x3a: {  	_ = 	snop  }
0x3b: {  	_ = 	snop  }
0x3c: {  	p2 =	seq.s32 s10, $0x1;
	s10 =	sld [smem:$0x3FB9]  }
0x3d: {  	_ =	shalt  }
0x3e: {  	_ =	shalt  }
0x3f: {  	_ =	shalt  }
0x40: {  	_ =	shalt  }
0x41: {  	_ =	shalt  }
0x42: {  	_ =	shalt  }
0x43: {  	_ =	shalt  }
0x44: {  	_ =	shalt  }
0x45: {  	_ =	shalt  }
0x46: {  	_ =	shalt  }
0x47: {  	_ =	shalt  }
0x48: {  	_ =	shalt  }
0x49: {  	_ =	shalt  }
0x4a: {  	_ =	shalt  }
0x4b: {  	_ =	shalt  }
0x4c: {  	_ =	shalt  }
0x4d: {  	_ =	shalt  }
0x4e: {  	_ =	shalt  }
0x4f: {  	_ =	shalt  }
0x50: {  	_ =	shalt  }
0x51: {  	_ =	shalt  }
0x52: {  	_ =	shalt  }
0x53: {  	_ =	shalt  }
0x54: {  	_ =	shalt  }
0x55: {  	_ =	shalt  }
0x56: {  	_ =	shalt  }
0x57: {  	_ =	shalt  }
0x58: {  	_ =	shalt  }
0x59: {  	_ =	shalt  }
0x5a: {  	_ =	shalt  }
0x5b: {  	_ =	shalt  }
0x5c: {  	_ =	shalt  }
0x5d: {  	_ =	shalt  }
0x5e: {  	_ =	shalt  }
0x5f: {  	_ =	shalt  }
0x60: {  	_ =	shalt  }
0x61: {  	_ =	shalt  }
0x62: {  	_ =	shalt  }
0x63: {  	_ =	shalt  }
0x64: {  	_ =	shalt  }
0x65: {  	_ =	shalt  }
0x66: {  	_ =	shalt  }
0x67: {  	_ =	shalt  }
0x68: {  	_ =	shalt  }
0x69: {  	_ =	shalt  }
0x6a: {  	_ =	shalt  }
0x6b: {  	_ =	shalt  }
0x6c: {  	_ =	shalt  }
0x6d: {  	_ =	shalt  }
0x6e: {  	_ =	shalt  }
0x6f: {  	_ =	shalt  }
0x70: {  	_ =	shalt  }
0x71: {  	_ =	shalt  }
0x72: {  	_ =	shalt  }
0x73: {  	_ =	shalt  }
0x74: {  	_ =	shalt  }
0x75: {  	_ =	shalt  }
0x76: {  	_ =	shalt  }
0x77: {  	_ =	shalt  }
0x78: {  	_ =	shalt  }
0x79: {  	_ =	shalt  }
0x7a: {  	_ =	shalt  }
0x7b: {  	_ =	shalt  }
0x7c: {  	_ =	shalt  }
0x7d: {  	_ =	shalt  }
0x7e: {  	_ =	shalt  }
0x7f: {  	_ =	shalt  }
0x80: {  	_ =	shalt  }
0x81: {  	_ =	shalt  }
0x82: {  	_ =	shalt  }
0x83: {  	_ =	shalt  }
0x84: {  	_ =	shalt  }
0x85: {  	_ =	shalt  }
0x86: {  	_ =	shalt  }
0x87: {  	_ =	shalt  }
.Lfunc_end0:
.L_simem_size_0:
called_computation_lowered:
.L_overlay_start_0:
0x88: {  	s2 =	sld [smem:$0x3FD9]  }
0x89: {  	s3 =	sld [smem:$0x3FFE];
	_ =	sdelay $0x1  }
0x8a: {  	s1 =	srdreg.scid  }
0x8b: {  	s0 =	sand.u32 $0x1, s1  }
0x8c: {  	s17 =	sshll.u32 s0, $0xA;
	s2 =	sadd.s32 s3, s2  }
0x8d: {  	s2 =	sadd.s32 s2, s17  }
0x8e: {  	[smem:$0x3FC5] =	sst s2  }
0x8f: {  	_ = 	snop  }
0x90: {  	s2 =	sld [smem:$0x3FC8]  }
0x91: {  	s18 =	sld [smem:$0x3FC7]  }
0x92: {  	s4 =	sld [smem:$0x3FD0];
	(tm) =	ssettm $0x1  }
0x93: {  	s5 =	sld [smem:$0x3FFB];
	_ =	sdelay $0x3  }
0x94: {  	_ =	strace s5  }
0x95: {  	s5 =	sld [smem:$0x3FFC];
	_ =	sdelay $0x3  }
0x96: {  	_ =	strace s5  }
0x97: {  	s5 =	sld [smem:$0x3FFD];
	_ =	sdelay $0x3  }
0x98: {  	_ =	strace s5  }
0x99: {  	_ =	strace $0x8FFFFFFF  }
0x9a: {  	s19 =	sld [smem:$0x3FDB];
	_ =	sdelay $0x1  }
0x9b: {  	s6 =	simm.s32 $_scs_section_size  }
0x9c: {  	s7 =	simm.s32 $_size__tile_overlayer_lowered;
	s8 =	simm.s32 $_tile_overlayer_lowered  }
0x9d: {  	s22 =	simm.s32 $0x1BFF;
	s21 =	sshll.u32 s8, $0x1;
	s5 =	sadd.s32 s6, s19  }
0x9e: {  	s9 =	simm.s32 $0x0;
	s20 =	sshll.u32 s7, $0x1;
	s7 =	sadd.s32 s21, s5  }
0x9f: {  	[timem:s9], [sflag:s22] =	dma.local [hbm:s7], s20  }
0xa0: {  	_ =	swait.ge [sflag:s22], s20  }
0xa1: {  	s6 =	ssub.s32 $0x0, s20;
	[sflag:s22] =	ssyncset.done $0x0  }
0xa2: {  	[sflag:s22] =	ssyncadd.s32 s6;
	_ =	sdelay $0x1  }
0xa3: {  	s23 =	simm.s32 $0x1B8B  }
0xa4: {  	_ =	swait.ge [sflag:s23], $0x1  }
0xa5: {  	[sflag:s23] =	ssyncset.done $0x0  }
0xa6: {  	s25 =	simm.s32 $0x1B8E;
	s24 =	sld [smem:$0x3FFE];
	[sflag:s23] =	ssyncadd.s32 $0xFFFFFFFF  }
0xa7: {  	s26 =	simm.s32 $execute0_lowered;
	[smem:$0x3FD2] =	sst s25  }
0xa8: {  	s7 =	sshll.u32 s26, $0x1;
	_ =	strace $0x80000046;
	[dreg:$0x1] =	wrdreg $0xFFFFFFFF  }
0xa9: {  	s28 =	simm.s32 $_size_execute0_lowered;
	s5 =	sadd.s32 s5, s7;
	[dreg:$0x0] =	wrdreg $0x0  }
0xaa: {  	s7 =	sshll.u32 s28, $0x1;
	[dreg:$0x2] =	wrdreg s5  }
0xab: {  	[dreg:$0x3] =	wrdreg s7  }
0xac: {  	[dreg:$0x4] =	wrdreg $0xC0  }
0xad: {  	_ =	task [dreg:s9], $0x5FFFF  }
0xae: {  	[dreg:$0x1] =	wrdreg $0xFFFFFFFF  }
0xaf: {  	[dreg:$0x0] =	wrdreg $0x60  }
0xb0: {  	[dreg:$0x2] =	wrdreg s24  }
0xb1: {  	[dreg:$0x3] =	wrdreg s2  }
0xb2: {  	[dreg:$0x4] =	wrdreg s18  }
0xb3: {  	[dreg:$0x5] =	wrdreg s4  }
0xb4: {  	[dreg:$0x6] =	wrdreg $0x9  }
0xb5: {  	_ =	task.clear_ibuf [dreg:s9], $0x7FFFF;
	_ =	strace $0x90000046  }
0xb6: {  	s29 =	simm.s32 $0x9;
	_ =	strace $0x80000048  }
0xb7: {  	_ =	swait.ge [sflag:s29], $0x1  }
0xb8: {  	[sflag:s29] =	ssyncadd.s32 $0xFFFFFFFF  }
0xb9: {  	_ =	strace $0x90000048  }
0xba: {  	_ =	sfence  }
0xbb: {  	s30 =	sld [smem:$0x0];
	_ =	sdelay $0x2  }
0xbc: {  	s31 =	sshll.u32 s1, $0xD;
	s1 =	sshrl.u32 s1, $0x2  }
0xbd: {  	s3 =	sand.u32 $0x4000, s31;
	s1 =	sadd.s32 s1, s30  }
0xbe: {  	s0 =	sor.u32 s3, s0;
	s1 =	sshll.u32 s1, $0x11  }
0xbf: {  	s0 =	sor.u32 s1, s0  }
0xc0: {  	s0 =	sadd.s32 $0x8F2B, s0  }
0xc1: {  	[sflag:s0] =	ssyncadd.remote.s32 $0x1  }
0xc2: {  	_ =	sfence.sel $0xFFFF  }
0xc3: {  	[dreg:$0x0] =	wrdreg $0xFFFFFFFF;
	(pc) =	sbr.abs _section_cstart, $3  }
0xc4: {  	[dreg:$0x1] =	wrdreg $0xFFFFFFFF  }
0xc5: {  	_ =	task.clear_ibuf [dreg:s9], $0x2FFFF;
	_ =	strace $0x9FFFFFFF  }
0xc6: {  	(tm) =	ssettm $0x7FFFFFFF  }
0xc7: {  	_ =	shalt  }
tec
execute0_lowered:
.L_overlay_start_1:
0x0: {  	(tag) =	ssettag $0x1  }
0x1: {  	s0 =	rddreg [dreg:$0x0];
	v2 =	vlaneseq.u32  }
0x2: {  	s1 =	rddreg [dreg:$0x1];
	v0 =	vand.u32 $0x7, v2  }
0x3: {  	s3 =	rddreg [dreg:$0x2];
	v1 =	vmul.u32 $0x800, v0  }
0x4: {  	s2 =	rddreg [dreg:$0x3]  }
0x5: {  	s4 =	srdreg.scid;
	s6 =	stileid.u32;
	s11 =	simm.s32 $0x4;
	v2 =	vor.u32 $0x8, v2;
	v3 =	vor.u32 $0x4000, v1  }
0x6: {  	s12 =	simm.s32 $0x200;
	s13 =	simm.s32 $0x400;
	s14 =	simm.s32 $0xB800;
	v4 =	vor.u32 $0x80, v1;
	v5 =	vor.u32 $0x4080, v1;
	v6 =	vor.u32 $0x100, v1  }
0x7: {  	s15 =	simm.s32 $0xF800;
	s16 =	simm.s32 $0xBC00;
	s17 =	simm.s32 $0xFC00;
	v7 =	vor.u32 $0x4100, v1;
	v8 =	vor.u32 $0x180, v1;
	v9 =	vor.u32 $0x4180, v1  }
0x8: {  	s18 =	simm.s32 $0xC000;
	s19 =	simm.s32 $0x10000;
	s20 =	simm.s32 $0x18400;
	v10 =	vor.u32 $0x200, v1;
	v11 =	vor.u32 $0x4200, v1;
	v12 =	vor.u32 $0x280, v1  }
0x9: {  	s21 =	simm.s32 $0x0;
	s5 =	sand.u32 $0x1, s4;
	s4 =	simm.s32 $0x0;
	v13 =	vor.u32 $0x4280, v1;
	v14 =	vor.u32 $0x300, v1;
	v15 =	vor.u32 $0x4300, v1  }
0xa: {  	s6 =	sshll.u32 s6, $0x7;
	s8 =	sadd.s32 $0xF4280, s3;
	s7 =	sshll.u32 s5, $0x6;
	v16 =	vor.u32 $0x380, v1;
	v17 =	vor.u32 $0x4380, v1;
	v18 =	vor.u32 $0x400, v1  }
.Ltmp0:
0xb: {  	[smem:$0x7FF] =	sst s4;
	s5 =	ssub.s32 $0x2, s5;
	v19 =	vor.u32 $0x4400, v1;
	v20 =	vor.u32 $0x480, v1;
	v21 =	vor.u32 $0x4480, v1;
	(pc) =	sbr.rel .LBB2_1-.Ltmp0, $4  }
0xc: {  	s9 =	sor.u32 s7, s6;
	_ =	strace $0x80000047;
	s31 =	sshrl.u32 s5, $0x1;
	v22 =	vor.u32 $0x500, v1;
	v23 =	vor.u32 $0x4500, v1;
	v24 =	vor.u32 $0x580, v1  }
0xd: {  	s7 =	sadd.s32 $0xF4280, s1;
	s0 =	sadd.s32 s9, s0;
	s10 =	ssub.s32 s5, s31;
	v25 =	vor.u32 $0x4580, v1;
	v26 =	vor.u32 $0x600, v1;
	v27 =	vor.u32 $0x4600, v1  }
0xe: {  	s9 =	sadd.s32 s2, s9;
	s2 =	simm.s32 $0xF400;
	v28 =	vor.u32 $0x680, v1;
	v29 =	vor.u32 $0x4680, v1;
	v30 =	vor.u32 $0x700, v1;
	s5 =	sadd.s32 $0xE00, s0  }
0xf: {  	v31 =	vor.u32 $0x4700, v1;
	v32 =	vor.u32 $0x780, v1;
	v33 =	vor.u32 $0x4780, v1;
	s6 =	sadd.s32 $0x600, s0;
	s10 =	smax.u32 s10, $0x1;
	s0 =	simm.s32 $0xB400  }
.LBB2_5:
0x10: {  	s21 =	sadd.s32 $0x1, s21  }
0x11: {  	p0 =	sne.s32 s21, s10  }
.Ltmp1:
0x12: {  	_ = 	snop;
	(pc) =	sbr.rel @!p0 .LBB2_6-.Ltmp1, $4  }
0x13: {  	[hbm4b:s9+s4] =	stream.linear.scatter [tilespmem:s20], [sflag:$0x4], $0x200, $0x38;
	[tilespmem:$0x18680] =	vst v63  }
0x14: {  	_ =	swait.ge [sflag:s11], $0x200  }
0x15: {  	[sflag:s11] =	ssyncset.done $0x0  }
0x16: {  	[sflag:s11] =	ssyncadd.s32 $0xFFFFFE00  }
.LBB2_1:
0x17: {  	[tilespmem:s4], [sflag:$0x4] =	stream.linear.gather [hbm4b:s5+s4], $0x200, $0x38;
	[tilespmem:$0x18680] =	vst v63  }
0x18: {  	_ =	swait.ge [sflag:s11], $0x200  }
0x19: {  	[sflag:s11] =	ssyncset.done $0x0  }
0x1a: {  	[sflag:s11] =	ssyncadd.s32 $0xFFFFFE00  }
0x1b: {  	[tilespmem:s12], [sflag:$0x4] =	stream.linear.gather [hbm4b:s6+s4], $0x200, $0x38;
	[tilespmem:$0x18680] =	vst v63  }
0x1c: {  	_ =	swait.ge [sflag:s11], $0x200  }
0x1d: {  	[sflag:s11] =	ssyncset.done $0x0  }
0x1e: {  	[sflag:s11] =	ssyncadd.s32 $0xFFFFFE00  }
0x1f: {  	v34 =	vld.idx.msk [tilespmem:v0+s4+$0x0], $0xffff  }
0x20: {  	v35 =	vld.idx.msk [tilespmem:v0+s12+$0x0], $0xffff;
	_ =	sdelay $0x3  }
0x21: {  	v34 =	vand.u32 $0xFFFFFF80, v34  }
0x22: {  	v35 =	vand.u32 $0xFFFFFF80, v35;
	(v2sf) =	vpush v34, $0x0  }
0x23: {  	(v2sf) =	vpush v35, $0x0;
	_ =	sdelay $0x5  }
0x24: {  	(v2sf) =	vpush v34, $0x1;
	_ =	sdelay $0x1  }
0x25: {  	(v2sf) =	vpush v35, $0x1;
	_ =	sdelay $0x5  }
0x26: {  	s22 =	spop (v2sf);
	(v2sf) =	vpush v34, $0x2  }
0x27: {  	s23 =	spop (v2sf);
	s24 =	sadd.s32 s1, s22  }
0x28: {  	(v2sf) =	vpush v35, $0x2;
	[tilespmem:s13], [sflag:$0x1] =	stream.linear.gather [hbm4b:s24+s4], $0x400, $0x38;
	[tilespmem:$0x18680] =	vst v63  }
0x29: {  	s25 =	simm.s32 $0x4400;
	s30 =	sadd.s32 s3, s23  }
0x2a: {  	[tilespmem:s25], [sflag:$0x1] =	stream.linear.gather [hbm4b:s30+s4], $0x400, $0x38;
	[tilespmem:$0x18680] =	vst v63  }
0x2b: {  	s31 =	simm.s32 $0x800;
	s22 =	sadd.s32 s22, s7  }
0x2c: {  	[tilespmem:s31], [sflag:$0x1] =	stream.linear.gather [hbm4b:s22+s4], $0x400, $0x38;
	[tilespmem:$0x18680] =	vst v63  }
0x2d: {  	s26 =	simm.s32 $0x4800;
	s28 =	spop (v2sf);
	s25 =	sadd.s32 s23, s8  }
0x2e: {  	(v2sf) =	vpush v34, $0x3;
	[tilespmem:s26], [sflag:$0x1] =	stream.linear.gather [hbm4b:s25+s4], $0x400, $0x38;
	[tilespmem:$0x18680] =	vst v63  }
0x2f: {  	s29 =	spop (v2sf);
	s30 =	sadd.s32 s1, s28;
	s31 =	simm.s32 $0xC00  }
0x30: {  	(v2sf) =	vpush v35, $0x3;
	[tilespmem:s31], [sflag:$0x1] =	stream.linear.gather [hbm4b:s30+s4], $0x400, $0x38;
	[tilespmem:$0x18680] =	vst v63  }
0x31: {  	s25 =	sadd.s32 s3, s29;
	s26 =	simm.s32 $0x4C00  }
0x32: {  	[tilespmem:s26], [sflag:$0x1] =	stream.linear.gather [hbm4b:s25+s4], $0x400, $0x38;
	[tilespmem:$0x18680] =	vst v63  }
0x33: {  	s22 =	sadd.s32 s28, s7;
	s28 =	simm.s32 $0x1000  }
0x34: {  	[tilespmem:s28], [sflag:$0x1] =	stream.linear.gather [hbm4b:s22+s4], $0x400, $0x38;
	[tilespmem:$0x18680] =	vst v63  }
0x35: {  	s29 =	sadd.s32 s29, s8;
	s30 =	simm.s32 $0x5000;
	s31 =	spop (v2sf)  }
0x36: {  	(v2sf) =	vpush v34, $0x4;
	[tilespmem:s30], [sflag:$0x1] =	stream.linear.gather [hbm4b:s29+s4], $0x400, $0x38;
	[tilespmem:$0x18680] =	vst v63  }
0x37: {  	s28 =	simm.s32 $0x1400;
	s23 =	spop (v2sf);
	s26 =	sadd.s32 s1, s31  }
0x38: {  	(v2sf) =	vpush v35, $0x4;
	[tilespmem:s28], [sflag:$0x1] =	stream.linear.gather [hbm4b:s26+s4], $0x400, $0x38;
	[tilespmem:$0x18680] =	vst v63  }
0x39: {  	s30 =	simm.s32 $0x5400;
	s29 =	sadd.s32 s3, s23  }
0x3a: {  	[tilespmem:s30], [sflag:$0x1] =	stream.linear.gather [hbm4b:s29+s4], $0x400, $0x38;
	[tilespmem:$0x18680] =	vst v63  }
0x3b: {  	s22 =	sadd.s32 s31, s7;
	s31 =	simm.s32 $0x1800  }
0x3c: {  	[tilespmem:s31], [sflag:$0x1] =	stream.linear.gather [hbm4b:s22+s4], $0x400, $0x38;
	[tilespmem:$0x18680] =	vst v63  }
0x3d: {  	s25 =	sadd.s32 s23, s8;
	s26 =	simm.s32 $0x5800;
	s28 =	spop (v2sf)  }
0x3e: {  	(v2sf) =	vpush v34, $0x5;
	[tilespmem:s26], [sflag:$0x1] =	stream.linear.gather [hbm4b:s25+s4], $0x400, $0x38;
	[tilespmem:$0x18680] =	vst v63  }
0x3f: {  	s29 =	spop (v2sf);
	s30 =	sadd.s32 s1, s28;
	s31 =	simm.s32 $0x1C00  }
0x40: {  	(v2sf) =	vpush v35, $0x5;
	[tilespmem:s31], [sflag:$0x1] =	stream.linear.gather [hbm4b:s30+s4], $0x400, $0x38;
	[tilespmem:$0x18680] =	vst v63  }
0x41: {  	s25 =	sadd.s32 s3, s29;
	s26 =	simm.s32 $0x5C00  }
0x42: {  	[tilespmem:s26], [sflag:$0x1] =	stream.linear.gather [hbm4b:s25+s4], $0x400, $0x38;
	[tilespmem:$0x18680] =	vst v63  }
0x43: {  	s22 =	sadd.s32 s28, s7;
	s28 =	simm.s32 $0x2000  }
0x44: {  	[tilespmem:s28], [sflag:$0x1] =	stream.linear.gather [hbm4b:s22+s4], $0x400, $0x38;
	[tilespmem:$0x18680] =	vst v63  }
0x45: {  	s29 =	sadd.s32 s29, s8;
	s30 =	simm.s32 $0x6000;
	s31 =	spop (v2sf)  }
0x46: {  	(v2sf) =	vpush v34, $0x6;
	[tilespmem:s30], [sflag:$0x1] =	stream.linear.gather [hbm4b:s29+s4], $0x400, $0x38;
	[tilespmem:$0x18680] =	vst v63  }
0x47: {  	s28 =	simm.s32 $0x2400;
	s23 =	spop (v2sf);
	s26 =	sadd.s32 s1, s31  }
0x48: {  	(v2sf) =	vpush v35, $0x6;
	[tilespmem:s28], [sflag:$0x1] =	stream.linear.gather [hbm4b:s26+s4], $0x400, $0x38;
	[tilespmem:$0x18680] =	vst v63  }
0x49: {  	s29 =	sadd.s32 s3, s23;
	s30 =	simm.s32 $0x6400  }
0x4a: {  	[tilespmem:s30], [sflag:$0x1] =	stream.linear.gather [hbm4b:s29+s4], $0x400, $0x38;
	[tilespmem:$0x18680] =	vst v63  }
0x4b: {  	s22 =	sadd.s32 s31, s7;
	s31 =	simm.s32 $0x2800  }
0x4c: {  	[tilespmem:s31], [sflag:$0x1] =	stream.linear.gather [hbm4b:s22+s4], $0x400, $0x38;
	[tilespmem:$0x18680] =	vst v63  }
0x4d: {  	s25 =	sadd.s32 s23, s8;
	s26 =	simm.s32 $0x6800;
	s28 =	spop (v2sf)  }
0x4e: {  	(v2sf) =	vpush v34, $0x7;
	[tilespmem:s26], [sflag:$0x1] =	stream.linear.gather [hbm4b:s25+s4], $0x400, $0x38;
	[tilespmem:$0x18680] =	vst v63  }
0x4f: {  	s29 =	spop (v2sf);
	s30 =	sadd.s32 s1, s28;
	s31 =	simm.s32 $0x2C00  }
0x50: {  	(v2sf) =	vpush v35, $0x7;
	[tilespmem:s31], [sflag:$0x1] =	stream.linear.gather [hbm4b:s30+s4], $0x400, $0x38;
	[tilespmem:$0x18680] =	vst v63  }
0x51: {  	s25 =	sadd.s32 s3, s29;
	s26 =	simm.s32 $0x6C00  }
0x52: {  	[tilespmem:s26], [sflag:$0x1] =	stream.linear.gather [hbm4b:s25+s4], $0x400, $0x38;
	[tilespmem:$0x18680] =	vst v63  }
0x53: {  	s22 =	sadd.s32 s28, s7;
	s28 =	simm.s32 $0x3000  }
0x54: {  	[tilespmem:s28], [sflag:$0x1] =	stream.linear.gather [hbm4b:s22+s4], $0x400, $0x38;
	[tilespmem:$0x18680] =	vst v63  }
0x55: {  	s29 =	sadd.s32 s29, s8;
	s30 =	simm.s32 $0x7000;
	s31 =	spop (v2sf)  }
0x56: {  	[tilespmem:s30], [sflag:$0x1] =	stream.linear.gather [hbm4b:s29+s4], $0x400, $0x38;
	[tilespmem:$0x18680] =	vst v63  }
0x57: {  	s23 =	spop (v2sf);
	s26 =	sadd.s32 s1, s31;
	s28 =	simm.s32 $0x3400  }
0x58: {  	[tilespmem:s28], [sflag:$0x1] =	stream.linear.gather [hbm4b:s26+s4], $0x400, $0x38;
	[tilespmem:$0x18680] =	vst v63  }
0x59: {  	s29 =	sadd.s32 s3, s23;
	s30 =	simm.s32 $0x7400  }
0x5a: {  	[tilespmem:s30], [sflag:$0x1] =	stream.linear.gather [hbm4b:s29+s4], $0x400, $0x38;
	[tilespmem:$0x18680] =	vst v63  }
0x5b: {  	s22 =	sadd.s32 s31, s7;
	s31 =	simm.s32 $0x3800  }
0x5c: {  	[tilespmem:s31], [sflag:$0x1] =	stream.linear.gather [hbm4b:s22+s4], $0x400, $0x38;
	[tilespmem:$0x18680] =	vst v63  }
0x5d: {  	s25 =	sadd.s32 s23, s8;
	s26 =	simm.s32 $0x7800;
	s28 =	spop (v2sf)  }
0x5e: {  	[tilespmem:s26], [sflag:$0x1] =	stream.linear.gather [hbm4b:s25+s4], $0x400, $0x38;
	[tilespmem:$0x18680] =	vst v63  }
0x5f: {  	s29 =	spop (v2sf);
	s30 =	sadd.s32 s1, s28;
	s31 =	simm.s32 $0x3C00  }
0x60: {  	[tilespmem:s31], [sflag:$0x1] =	stream.linear.gather [hbm4b:s30+s4], $0x400, $0x38;
	[tilespmem:$0x18680] =	vst v63  }
0x61: {  	s25 =	sadd.s32 s3, s29;
	s26 =	simm.s32 $0x7C00  }
0x62: {  	[tilespmem:s26], [sflag:$0x1] =	stream.linear.gather [hbm4b:s25+s4], $0x400, $0x38;
	[tilespmem:$0x18680] =	vst v63  }
0x63: {  	s22 =	sadd.s32 s28, s7;
	s28 =	simm.s32 $0x4000  }
0x64: {  	[tilespmem:s28], [sflag:$0x1] =	stream.linear.gather [hbm4b:s22+s4], $0x400, $0x38;
	[tilespmem:$0x18680] =	vst v63  }
0x65: {  	s29 =	sadd.s32 s29, s8;
	s30 =	simm.s32 $0x8000  }
0x66: {  	[tilespmem:s30], [sflag:$0x1] =	stream.linear.gather [hbm4b:s29+s4], $0x400, $0x38;
	[tilespmem:$0x18680] =	vst v63  }
0x67: {  	v62 =	vld.idx.msk [tilespmem:v2+s4+$0x0], $0xffff  }
0x68: {  	v63 =	vld.idx.msk [tilespmem:v2+s12+$0x0], $0xffff;
	_ =	sdelay $0x3  }
0x69: {  	v34 =	vand.u32 $0xFFFFFF80, v62  }
0x6a: {  	v35 =	vand.u32 $0xFFFFFF80, v63;
	(v2sf) =	vpush v34, $0x0  }
0x6b: {  	(v2sf) =	vpush v35, $0x0;
	_ =	sdelay $0x5  }
0x6c: {  	(v2sf) =	vpush v34, $0x1;
	_ =	sdelay $0x1  }
0x6d: {  	(v2sf) =	vpush v35, $0x1;
	_ =	sdelay $0x5  }
0x6e: {  	s31 =	spop (v2sf);
	(v2sf) =	vpush v34, $0x2  }
0x6f: {  	s28 =	simm.s32 $0x8400;
	s23 =	spop (v2sf);
	s26 =	sadd.s32 s1, s31  }
0x70: {  	(v2sf) =	vpush v35, $0x2;
	[tilespmem:s28], [sflag:$0x2] =	stream.linear.gather [hbm4b:s26+s4], $0x400, $0x38;
	[tilespmem:$0x18680] =	vst v63  }
0x71: {  	s30 =	simm.s32 $0xC400;
	s29 =	sadd.s32 s3, s23  }
0x72: {  	[tilespmem:s30], [sflag:$0x2] =	stream.linear.gather [hbm4b:s29+s4], $0x400, $0x38;
	[tilespmem:$0x18680] =	vst v63  }
0x73: {  	s22 =	sadd.s32 s31, s7;
	s31 =	simm.s32 $0x8800  }
0x74: {  	[tilespmem:s31], [sflag:$0x2] =	stream.linear.gather [hbm4b:s22+s4], $0x400, $0x38;
	[tilespmem:$0x18680] =	vst v63  }
0x75: {  	s25 =	sadd.s32 s23, s8;
	s26 =	simm.s32 $0xC800;
	s28 =	spop (v2sf)  }
0x76: {  	(v2sf) =	vpush v34, $0x3;
	[tilespmem:s26], [sflag:$0x2] =	stream.linear.gather [hbm4b:s25+s4], $0x400, $0x38;
	[tilespmem:$0x18680] =	vst v63  }
0x77: {  	s29 =	spop (v2sf);
	s30 =	sadd.s32 s1, s28;
	s31 =	simm.s32 $0x8C00  }
0x78: {  	(v2sf) =	vpush v35, $0x3;
	[tilespmem:s31], [sflag:$0x2] =	stream.linear.gather [hbm4b:s30+s4], $0x400, $0x38;
	[tilespmem:$0x18680] =	vst v63  }
0x79: {  	s25 =	sadd.s32 s3, s29;
	s26 =	simm.s32 $0xCC00  }
0x7a: {  	[tilespmem:s26], [sflag:$0x2] =	stream.linear.gather [hbm4b:s25+s4], $0x400, $0x38;
	[tilespmem:$0x18680] =	vst v63  }
0x7b: {  	s22 =	sadd.s32 s28, s7;
	s28 =	simm.s32 $0x9000  }
0x7c: {  	[tilespmem:s28], [sflag:$0x2] =	stream.linear.gather [hbm4b:s22+s4], $0x400, $0x38;
	[tilespmem:$0x18680] =	vst v63  }
0x7d: {  	s29 =	sadd.s32 s29, s8;
	s30 =	simm.s32 $0xD000;
	s31 =	spop (v2sf)  }
0x7e: {  	(v2sf) =	vpush v34, $0x4;
	[tilespmem:s30], [sflag:$0x2] =	stream.linear.gather [hbm4b:s29+s4], $0x400, $0x38;
	[tilespmem:$0x18680] =	vst v63  }
0x7f: {  	s28 =	simm.s32 $0x9400;
	s23 =	spop (v2sf);
	s26 =	sadd.s32 s1, s31  }
0x80: {  	(v2sf) =	vpush v35, $0x4;
	[tilespmem:s28], [sflag:$0x2] =	stream.linear.gather [hbm4b:s26+s4], $0x400, $0x38;
	[tilespmem:$0x18680] =	vst v63  }
0x81: {  	s30 =	simm.s32 $0xD400;
	s29 =	sadd.s32 s3, s23  }
0x82: {  	[tilespmem:s30], [sflag:$0x2] =	stream.linear.gather [hbm4b:s29+s4], $0x400, $0x38;
	[tilespmem:$0x18680] =	vst v63  }
0x83: {  	s22 =	sadd.s32 s31, s7;
	s31 =	simm.s32 $0x9800  }
0x84: {  	[tilespmem:s31], [sflag:$0x2] =	stream.linear.gather [hbm4b:s22+s4], $0x400, $0x38;
	[tilespmem:$0x18680] =	vst v63  }
0x85: {  	s25 =	sadd.s32 s23, s8;
	s26 =	simm.s32 $0xD800;
	s28 =	spop (v2sf)  }
0x86: {  	(v2sf) =	vpush v34, $0x5;
	[tilespmem:s26], [sflag:$0x2] =	stream.linear.gather [hbm4b:s25+s4], $0x400, $0x38;
	[tilespmem:$0x18680] =	vst v63  }
0x87: {  	s29 =	spop (v2sf);
	s30 =	sadd.s32 s1, s28;
	s31 =	simm.s32 $0x9C00  }
0x88: {  	(v2sf) =	vpush v35, $0x5;
	[tilespmem:s31], [sflag:$0x2] =	stream.linear.gather [hbm4b:s30+s4], $0x400, $0x38;
	[tilespmem:$0x18680] =	vst v63  }
0x89: {  	s25 =	sadd.s32 s3, s29;
	s26 =	simm.s32 $0xDC00  }
0x8a: {  	[tilespmem:s26], [sflag:$0x2] =	stream.linear.gather [hbm4b:s25+s4], $0x400, $0x38;
	[tilespmem:$0x18680] =	vst v63  }
0x8b: {  	s22 =	sadd.s32 s28, s7;
	s28 =	simm.s32 $0xA000  }
0x8c: {  	[tilespmem:s28], [sflag:$0x2] =	stream.linear.gather [hbm4b:s22+s4], $0x400, $0x38;
	[tilespmem:$0x18680] =	vst v63  }
0x8d: {  	s29 =	sadd.s32 s29, s8;
	s30 =	simm.s32 $0xE000;
	s31 =	spop (v2sf)  }
0x8e: {  	(v2sf) =	vpush v34, $0x6;
	[tilespmem:s30], [sflag:$0x2] =	stream.linear.gather [hbm4b:s29+s4], $0x400, $0x38;
	[tilespmem:$0x18680] =	vst v63  }
0x8f: {  	s28 =	simm.s32 $0xA400;
	s23 =	spop (v2sf);
	s26 =	sadd.s32 s1, s31  }
0x90: {  	(v2sf) =	vpush v35, $0x6;
	[tilespmem:s28], [sflag:$0x2] =	stream.linear.gather [hbm4b:s26+s4], $0x400, $0x38;
	[tilespmem:$0x18680] =	vst v63  }
0x91: {  	s29 =	sadd.s32 s3, s23;
	s30 =	simm.s32 $0xE400  }
0x92: {  	[tilespmem:s30], [sflag:$0x2] =	stream.linear.gather [hbm4b:s29+s4], $0x400, $0x38;
	[tilespmem:$0x18680] =	vst v63  }
0x93: {  	s22 =	sadd.s32 s31, s7;
	s31 =	simm.s32 $0xA800  }
0x94: {  	[tilespmem:s31], [sflag:$0x2] =	stream.linear.gather [hbm4b:s22+s4], $0x400, $0x38;
	[tilespmem:$0x18680] =	vst v63  }
0x95: {  	s25 =	simm.s32 $0xE800;
	s24 =	sadd.s32 s23, s8;
	s26 =	spop (v2sf)  }
0x96: {  	(v2sf) =	vpush v34, $0x7;
	[tilespmem:s25], [sflag:$0x2] =	stream.linear.gather [hbm4b:s24+s4], $0x400, $0x38;
	[tilespmem:$0x18680] =	vst v63  }
0x97: {  	s23 =	spop (v2sf);
	s28 =	sadd.s32 s1, s26;
	s29 =	simm.s32 $0xAC00  }
0x98: {  	(v2sf) =	vpush v35, $0x7;
	[tilespmem:s29], [sflag:$0x2] =	stream.linear.gather [hbm4b:s28+s4], $0x400, $0x38;
	[tilespmem:$0x18680] =	vst v63  }
0x99: {  	s30 =	sadd.s32 s3, s23;
	s31 =	simm.s32 $0xEC00  }
0x9a: {  	[tilespmem:s31], [sflag:$0x2] =	stream.linear.gather [hbm4b:s30+s4], $0x400, $0x38;
	[tilespmem:$0x18680] =	vst v63  }
0x9b: {  	s22 =	sadd.s32 s26, s7;
	s26 =	simm.s32 $0xB000  }
0x9c: {  	[tilespmem:s26], [sflag:$0x2] =	stream.linear.gather [hbm4b:s22+s4], $0x400, $0x38;
	[tilespmem:$0x18680] =	vst v63  }
0x9d: {  	s23 =	sadd.s32 s23, s8;
	s29 =	simm.s32 $0xF000;
	s28 =	spop (v2sf)  }
0x9e: {  	[tilespmem:s29], [sflag:$0x2] =	stream.linear.gather [hbm4b:s23+s4], $0x400, $0x38;
	[tilespmem:$0x18680] =	vst v63  }
0x9f: {  	s30 =	spop (v2sf);
	s31 =	sadd.s32 s1, s28  }
0xa0: {  	[tilespmem:s0], [sflag:$0x2] =	stream.linear.gather [hbm4b:s31+s4], $0x400, $0x38;
	[tilespmem:$0x18680] =	vst v63  }
0xa1: {  	s25 =	sadd.s32 s3, s30  }
0xa2: {  	[tilespmem:s2], [sflag:$0x2] =	stream.linear.gather [hbm4b:s25+s4], $0x400, $0x38;
	[tilespmem:$0x18680] =	vst v63  }
0xa3: {  	s22 =	sadd.s32 s28, s7  }
0xa4: {  	[tilespmem:s14], [sflag:$0x2] =	stream.linear.gather [hbm4b:s22+s4], $0x400, $0x38;
	[tilespmem:$0x18680] =	vst v63  }
0xa5: {  	s23 =	sadd.s32 s30, s8;
	s26 =	spop (v2sf)  }
0xa6: {  	[tilespmem:s15], [sflag:$0x2] =	stream.linear.gather [hbm4b:s23+s4], $0x400, $0x38;
	[tilespmem:$0x18680] =	vst v63  }
0xa7: {  	s28 =	spop (v2sf);
	s29 =	sadd.s32 s1, s26  }
0xa8: {  	[tilespmem:s16], [sflag:$0x2] =	stream.linear.gather [hbm4b:s29+s4], $0x400, $0x38;
	[tilespmem:$0x18680] =	vst v63  }
0xa9: {  	s30 =	sadd.s32 s3, s28  }
0xaa: {  	[tilespmem:s17], [sflag:$0x2] =	stream.linear.gather [hbm4b:s30+s4], $0x400, $0x38;
	[tilespmem:$0x18680] =	vst v63  }
.Ltmp2:
0xab: {  	_ = 	snop;
	(pc) =	sbr.rel .LBB2_2-.Ltmp2, $4  }
0xac: {  	s24 =	simm.s32 $0x0;
	s22 =	sadd.s32 s26, s7  }
0xad: {  	[tilespmem:s18], [sflag:$0x2] =	stream.linear.gather [hbm4b:s22+s4], $0x400, $0x38;
	[tilespmem:$0x18680] =	vst v63  }
0xae: {  	s31 =	sadd.s32 s28, s8;
	s23 =	simm.s32 $0x18400;
	s22 =	simm.s32 $0x10  }
0xaf: {  	[tilespmem:s19], [sflag:$0x2] =	stream.linear.gather [hbm4b:s31+s4], $0x400, $0x38;
	[tilespmem:$0x18680] =	vst v63  }
.LBB2_4:
0xb0: {  	s25 =	smul.u32 $0xAB, s24;
	_ =	sdelay $0x1  }
0xb1: {  	s25 =	sshrl.u32 s25, $0x9  }
0xb2: {  	s25 =	sand.u32 $0x7F, s25  }
0xb3: {  	s25 =	smul.u32 $0x3, s25;
	_ =	sdelay $0x1  }
0xb4: {  	s26 =	sadd.s32 $0xFFFFFFF0, s22;
	s25 =	ssub.s32 s24, s25  }
0xb5: {  	v34 =	vor.u32 s26, v0;
	s25 =	sand.u32 $0xFF, s25  }
0xb6: {  	s31 =	sadd.s32 $0x1, s25  }
0xb7: {  	_ =	swait.ge [sflag:s31], $0x8000  }
0xb8: {  	[sflag:s31] =	ssyncset.done $0x0  }
0xb9: {  	[sflag:s31] =	ssyncadd.s32 $0xFFFF8000  }
0xba: {  	v35 =	vld.idx.msk [tilespmem:v34+s4+$0x0], $0xffff  }
0xbb: {  	v34 =	vld.idx.msk [tilespmem:v34+s12+$0x0], $0xffff;
	_ =	sdelay $0x3  }
0xbc: {  	s25 =	sshll.u32 s25, $0xF;
	v35 =	vand.u32 $0x7F, v35  }
0xbd: {  	v34 =	vand.u32 $0x7F, v34;
	v35 =	vor.u32 s25, v35  }
0xbe: {  	v34 =	vor.u32 s25, v34;
	v36 =	vor.u32 v1, v35  }
0xbf: {  	v37 =	vor.u32 v3, v34  }
0xc0: {  	v38 =	vor.u32 v4, v35  }
0xc1: {  	v39 =	vor.u32 v5, v34  }
0xc2: {  	v40 =	vor.u32 v6, v35  }
0xc3: {  	v41 =	vor.u32 v7, v34;
	v36 =	vld.idx.msk [tilespmem:v36+s13+$0x0], $0xffff  }
0xc4: {  	v42 =	vor.u32 v8, v35;
	v37 =	vld.idx.msk [tilespmem:v37+s13+$0x0], $0xffff  }
0xc5: {  	v43 =	vor.u32 v9, v34;
	v38 =	vld.idx.msk [tilespmem:v38+s13+$0x0], $0xffff  }
0xc6: {  	v44 =	vor.u32 v10, v35;
	v39 =	vld.idx.msk [tilespmem:v39+s13+$0x0], $0xffff  }
0xc7: {  	v45 =	vor.u32 v11, v34;
	v40 =	vld.idx.msk [tilespmem:v40+s13+$0x0], $0xffff  }
0xc8: {  	v46 =	vor.u32 v12, v35;
	v41 =	vld.idx.msk [tilespmem:v41+s13+$0x0], $0xffff  }
0xc9: {  	v62 =	vor.u32 v13, v34;
	v61 =	vld.idx.msk [tilespmem:v42+s13+$0x0], $0xffff  }
0xca: {  	v47 =	vor.u32 v14, v35;
	v43 =	vld.idx.msk [tilespmem:v43+s13+$0x0], $0xffff;
	v36 =	vmul.f32 v37, v36  }
0xcb: {  	v52 =	vor.u32 v15, v34;
	v63 =	vld.idx.msk [tilespmem:v44+s13+$0x0], $0xffff  }
0xcc: {  	v48 =	vor.u32 v16, v35;
	v45 =	vld.idx.msk [tilespmem:v45+s13+$0x0], $0xffff;
	v38 =	vmul.f32 v39, v38;
	v36 =	vadd.f32 $0.0e+00, v36  }
0xcd: {  	v55 =	vor.u32 v17, v34;
	v54 =	vld.idx.msk [tilespmem:v46+s13+$0x0], $0xffff  }
0xce: {  	v42 =	vld.idx.msk [tilespmem:v62+s13+$0x0], $0xffff;
	v53 =	vmul.f32 v41, v40;
	v36 =	vadd.f32 v38, v36  }
0xcf: {  	v56 =	vor.u32 v18, v35;
	v57 =	vld.idx.msk [tilespmem:v47+s13+$0x0], $0xffff  }
0xd0: {  	v58 =	vor.u32 v19, v34;
	v44 =	vld.idx.msk [tilespmem:v52+s13+$0x0], $0xffff;
	v37 =	vmul.f32 v43, v61;
	v36 =	vadd.f32 v53, v36  }
0xd1: {  	v59 =	vor.u32 v20, v35;
	v61 =	vld.idx.msk [tilespmem:v48+s13+$0x0], $0xffff  }
0xd2: {  	v62 =	vor.u32 v21, v34;
	v60 =	vmul.f32 v45, v63;
	v41 =	vld.idx.msk [tilespmem:v55+s13+$0x0], $0xffff;
	v36 =	vadd.f32 v37, v36  }
0xd3: {  	v63 =	vor.u32 v22, v35  }
0xd4: {  	v52 =	vld.idx.msk [tilespmem:v56+s13+$0x0], $0xffff;
	v51 =	vmul.f32 v42, v54;
	v53 =	vor.u32 v23, v34;
	v36 =	vadd.f32 v60, v36  }
0xd5: {  	v43 =	vld.idx.msk [tilespmem:v58+s13+$0x0], $0xffff;
	v54 =	vor.u32 v24, v35  }
0xd6: {  	v56 =	vld.idx.msk [tilespmem:v59+s13+$0x0], $0xffff;
	v55 =	vmul.f32 v44, v57;
	v57 =	vor.u32 v25, v34;
	v36 =	vadd.f32 v51, v36  }
0xd7: {  	v45 =	vld.idx.msk [tilespmem:v62+s13+$0x0], $0xffff;
	v59 =	vmul.f32 v41, v61;
	v61 =	vor.u32 v27, v34  }
0xd8: {  	v58 =	vor.u32 v26, v35;
	v60 =	vld.idx.msk [tilespmem:v63+s13+$0x0], $0xffff;
	v36 =	vadd.f32 v55, v36  }
0xd9: {  	v50 =	vor.u32 v29, v34;
	v42 =	vld.idx.msk [tilespmem:v53+s13+$0x0], $0xffff  }
0xda: {  	v62 =	vor.u32 v28, v35;
	v49 =	vld.idx.msk [tilespmem:v54+s13+$0x0], $0xffff;
	v63 =	vmul.f32 v43, v52;
	v36 =	vadd.f32 v59, v36  }
0xdb: {  	v44 =	vld.idx.msk [tilespmem:v57+s13+$0x0], $0xffff;
	v54 =	vor.u32 v31, v34  }
0xdc: {  	v52 =	vmul.f32 v45, v56;
	v41 =	vld.idx.msk [tilespmem:v61+s13+$0x0], $0xffff;
	v51 =	vor.u32 v30, v35;
	v36 =	vadd.f32 v63, v36  }
0xdd: {  	v34 =	vor.u32 v33, v34;
	v53 =	vld.idx.msk [tilespmem:v58+s13+$0x0], $0xffff  }
0xde: {  	v57 =	vld.idx.msk [tilespmem:v50+s13+$0x0], $0xffff;
	v35 =	vor.u32 v32, v35;
	v55 =	vmul.f32 v42, v60;
	v36 =	vadd.f32 v52, v36  }
0xdf: {  	v56 =	vld.idx.msk [tilespmem:v62+s13+$0x0], $0xffff  }
0xe0: {  	v58 =	vmul.f32 v44, v49;
	v60 =	vld.idx.msk [tilespmem:v54+s13+$0x0], $0xffff;
	v36 =	vadd.f32 v55, v36  }
0xe1: {  	v59 =	vld.idx.msk [tilespmem:v51+s13+$0x0], $0xffff  }
0xe2: {  	v34 =	vld.idx.msk [tilespmem:v34+s13+$0x0], $0xffff;
	v61 =	vmul.f32 v41, v53;
	v36 =	vadd.f32 v58, v36  }
0xe3: {  	v35 =	vld.idx.msk [tilespmem:v35+s13+$0x0], $0xffff  }
0xe4: {  	v62 =	vmul.f32 v57, v56;
	v36 =	vadd.f32 v61, v36;
	_ =	sdelay $0x1  }
0xe5: {  	s24 =	sadd.s32 $0x1, s24;
	v63 =	vmul.f32 v60, v59;
	v36 =	vadd.f32 v62, v36  }
0xe6: {  	p0 =	sne.s32 s24, $0x40  }
.Ltmp3:
0xe7: {  	v34 =	vmul.f32 v34, v35;
	v36 =	vadd.f32 v63, v36;
	(pc) =	sbr.rel @!p0 .LBB2_5-.Ltmp3, $3  }
0xe8: {  	_ = 	snop  }
0xe9: {  	v34 =	vadd.f32 v34, v36;
	_ =	sdelay $0x1  }
0xea: {  	s22 =	sadd.s32 $0x8, s22;
	[tilespmem:s23+$0x0] =	vst v34;
	s23 =	sadd.s32 $0x8, s23  }
.LBB2_2:
0xeb: {  	p0 =	sgt.u32 s24, $0x3D  }
.Ltmp4:
0xec: {  	_ = 	snop;
	(pc) =	sbr.rel @p0 .LBB2_4-.Ltmp4, $1  }
0xed: {  	_ =	sdelay $0x3  }
0xee: {  	v34 =	vor.u32 s22, v0;
	_ =	sdelay $0x4  }
0xef: {  	v35 =	vld.idx.msk [tilespmem:v34+s4+$0x0], $0xffff  }
0xf0: {  	v34 =	vld.idx.msk [tilespmem:v34+s12+$0x0], $0xffff;
	_ =	sdelay $0x3  }
0xf1: {  	v35 =	vand.u32 $0xFFFFFF80, v35  }
0xf2: {  	v34 =	vand.u32 $0xFFFFFF80, v34;
	(v2sf) =	vpush v35, $0x0  }
0xf3: {  	(v2sf) =	vpush v34, $0x0;
	_ =	sdelay $0x4  }
0xf4: {  	s25 =	sadd.s32 $0x2, s24  }
0xf5: {  	s26 =	smul.u32 $0xAB, s25;
	(v2sf) =	vpush v35, $0x1;
	_ =	sdelay $0x1  }
0xf6: {  	s26 =	sshrl.u32 s26, $0x9;
	(v2sf) =	vpush v34, $0x1  }
0xf7: {  	s26 =	sand.u32 $0x7F, s26  }
0xf8: {  	s26 =	smul.u32 $0x3, s26;
	_ =	sdelay $0x1  }
0xf9: {  	s25 =	ssub.s32 s25, s26  }
0xfa: {  	s25 =	sand.u32 $0xFF, s25  }
0xfb: {  	s26 =	sshll.u32 s25, $0xF;
	s25 =	sadd.s32 $0x1, s25;
	s28 =	spop (v2sf);
	(v2sf) =	vpush v35, $0x2  }
0xfc: {  	s30 =	sor.u32 $0x400, s26;
	s29 =	spop (v2sf);
	s31 =	sadd.s32 s1, s28  }
0xfd: {  	(v2sf) =	vpush v34, $0x2;
	[tilespmem:s30], [sflag:s25] =	stream.linear.gather [hbm4b:s31+s4], $0x400, $0x38;
	[tilespmem:$0x18680] =	vst v63  }
0xfe: {  	s30 =	sor.u32 $0x4400, s26;
	s31 =	sadd.s32 s3, s29  }
0xff: {  	[tilespmem:s30], [sflag:s25] =	stream.linear.gather [hbm4b:s31+s4], $0x400, $0x38;
	[tilespmem:$0x18680] =	vst v63  }
0x100: {  	s28 =	sadd.s32 s28, s7;
	s31 =	sor.u32 $0x800, s26  }
0x101: {  	[tilespmem:s31], [sflag:s25] =	stream.linear.gather [hbm4b:s28+s4], $0x400, $0x38;
	[tilespmem:$0x18680] =	vst v63  }
0x102: {  	s29 =	sadd.s32 s29, s8;
	s30 =	sor.u32 $0x4800, s26;
	s28 =	spop (v2sf)  }
0x103: {  	(v2sf) =	vpush v35, $0x3;
	[tilespmem:s30], [sflag:s25] =	stream.linear.gather [hbm4b:s29+s4], $0x400, $0x38;
	[tilespmem:$0x18680] =	vst v63  }
0x104: {  	s31 =	sadd.s32 s1, s28;
	s29 =	spop (v2sf);
	s30 =	sor.u32 $0xC00, s26  }
0x105: {  	(v2sf) =	vpush v34, $0x3;
	[tilespmem:s30], [sflag:s25] =	stream.linear.gather [hbm4b:s31+s4], $0x400, $0x38;
	[tilespmem:$0x18680] =	vst v63  }
0x106: {  	s30 =	sor.u32 $0x4C00, s26;
	s31 =	sadd.s32 s3, s29  }
0x107: {  	[tilespmem:s30], [sflag:s25] =	stream.linear.gather [hbm4b:s31+s4], $0x400, $0x38;
	[tilespmem:$0x18680] =	vst v63  }
0x108: {  	s28 =	sadd.s32 s28, s7;
	s31 =	sor.u32 $0x1000, s26  }
0x109: {  	[tilespmem:s31], [sflag:s25] =	stream.linear.gather [hbm4b:s28+s4], $0x400, $0x38;
	[tilespmem:$0x18680] =	vst v63  }
0x10a: {  	s29 =	sadd.s32 s29, s8;
	s30 =	sor.u32 $0x5000, s26;
	s28 =	spop (v2sf)  }
0x10b: {  	(v2sf) =	vpush v35, $0x4;
	[tilespmem:s30], [sflag:s25] =	stream.linear.gather [hbm4b:s29+s4], $0x400, $0x38;
	[tilespmem:$0x18680] =	vst v63  }
0x10c: {  	s29 =	spop (v2sf);
	s30 =	sor.u32 $0x1400, s26;
	s31 =	sadd.s32 s1, s28  }
0x10d: {  	(v2sf) =	vpush v34, $0x4;
	[tilespmem:s30], [sflag:s25] =	stream.linear.gather [hbm4b:s31+s4], $0x400, $0x38;
	[tilespmem:$0x18680] =	vst v63  }
0x10e: {  	s30 =	sor.u32 $0x5400, s26;
	s31 =	sadd.s32 s3, s29  }
0x10f: {  	[tilespmem:s30], [sflag:s25] =	stream.linear.gather [hbm4b:s31+s4], $0x400, $0x38;
	[tilespmem:$0x18680] =	vst v63  }
0x110: {  	s28 =	sadd.s32 s28, s7;
	s31 =	sor.u32 $0x1800, s26  }
0x111: {  	[tilespmem:s31], [sflag:s25] =	stream.linear.gather [hbm4b:s28+s4], $0x400, $0x38;
	[tilespmem:$0x18680] =	vst v63  }
0x112: {  	s29 =	sadd.s32 s29, s8;
	s30 =	sor.u32 $0x5800, s26;
	s28 =	spop (v2sf)  }
0x113: {  	(v2sf) =	vpush v35, $0x5;
	[tilespmem:s30], [sflag:s25] =	stream.linear.gather [hbm4b:s29+s4], $0x400, $0x38;
	[tilespmem:$0x18680] =	vst v63  }
0x114: {  	s31 =	sadd.s32 s1, s28;
	s29 =	spop (v2sf);
	s30 =	sor.u32 $0x1C00, s26  }
0x115: {  	(v2sf) =	vpush v34, $0x5;
	[tilespmem:s30], [sflag:s25] =	stream.linear.gather [hbm4b:s31+s4], $0x400, $0x38;
	[tilespmem:$0x18680] =	vst v63  }
0x116: {  	s30 =	sor.u32 $0x5C00, s26;
	s31 =	sadd.s32 s3, s29  }
0x117: {  	[tilespmem:s30], [sflag:s25] =	stream.linear.gather [hbm4b:s31+s4], $0x400, $0x38;
	[tilespmem:$0x18680] =	vst v63  }
0x118: {  	s28 =	sadd.s32 s28, s7;
	s31 =	sor.u32 $0x2000, s26  }
0x119: {  	[tilespmem:s31], [sflag:s25] =	stream.linear.gather [hbm4b:s28+s4], $0x400, $0x38;
	[tilespmem:$0x18680] =	vst v63  }
0x11a: {  	s29 =	sadd.s32 s29, s8;
	s30 =	sor.u32 $0x6000, s26;
	s28 =	spop (v2sf)  }
0x11b: {  	(v2sf) =	vpush v35, $0x6;
	[tilespmem:s30], [sflag:s25] =	stream.linear.gather [hbm4b:s29+s4], $0x400, $0x38;
	[tilespmem:$0x18680] =	vst v63  }
0x11c: {  	s31 =	sadd.s32 s1, s28;
	s29 =	spop (v2sf);
	s30 =	sor.u32 $0x2400, s26  }
0x11d: {  	(v2sf) =	vpush v34, $0x6;
	[tilespmem:s30], [sflag:s25] =	stream.linear.gather [hbm4b:s31+s4], $0x400, $0x38;
	[tilespmem:$0x18680] =	vst v63  }
0x11e: {  	s30 =	sor.u32 $0x6400, s26;
	s31 =	sadd.s32 s3, s29  }
0x11f: {  	[tilespmem:s30], [sflag:s25] =	stream.linear.gather [hbm4b:s31+s4], $0x400, $0x38;
	[tilespmem:$0x18680] =	vst v63  }
0x120: {  	s28 =	sadd.s32 s28, s7;
	s31 =	sor.u32 $0x2800, s26  }
0x121: {  	[tilespmem:s31], [sflag:s25] =	stream.linear.gather [hbm4b:s28+s4], $0x400, $0x38;
	[tilespmem:$0x18680] =	vst v63  }
0x122: {  	s29 =	sadd.s32 s29, s8;
	s30 =	sor.u32 $0x6800, s26;
	s28 =	spop (v2sf)  }
0x123: {  	(v2sf) =	vpush v35, $0x7;
	[tilespmem:s30], [sflag:s25] =	stream.linear.gather [hbm4b:s29+s4], $0x400, $0x38;
	[tilespmem:$0x18680] =	vst v63  }
0x124: {  	s31 =	sadd.s32 s1, s28;
	s29 =	spop (v2sf);
	s30 =	sor.u32 $0x2C00, s26  }
0x125: {  	(v2sf) =	vpush v34, $0x7;
	[tilespmem:s30], [sflag:s25] =	stream.linear.gather [hbm4b:s31+s4], $0x400, $0x38;
	[tilespmem:$0x18680] =	vst v63  }
0x126: {  	s30 =	sor.u32 $0x6C00, s26;
	s31 =	sadd.s32 s3, s29  }
0x127: {  	[tilespmem:s30], [sflag:s25] =	stream.linear.gather [hbm4b:s31+s4], $0x400, $0x38;
	[tilespmem:$0x18680] =	vst v63  }
0x128: {  	s28 =	sadd.s32 s28, s7;
	s31 =	sor.u32 $0x3000, s26  }
0x129: {  	[tilespmem:s31], [sflag:s25] =	stream.linear.gather [hbm4b:s28+s4], $0x400, $0x38;
	[tilespmem:$0x18680] =	vst v63  }
0x12a: {  	s29 =	sadd.s32 s29, s8;
	s28 =	spop (v2sf);
	s31 =	sor.u32 $0x7000, s26  }
0x12b: {  	[tilespmem:s31], [sflag:s25] =	stream.linear.gather [hbm4b:s29+s4], $0x400, $0x38;
	[tilespmem:$0x18680] =	vst v63  }
0x12c: {  	s30 =	sor.u32 $0x3400, s26;
	s29 =	spop (v2sf);
	s31 =	sadd.s32 s1, s28  }
0x12d: {  	[tilespmem:s30], [sflag:s25] =	stream.linear.gather [hbm4b:s31+s4], $0x400, $0x38;
	[tilespmem:$0x18680] =	vst v63  }
0x12e: {  	s30 =	sor.u32 $0x7400, s26;
	s31 =	sadd.s32 s3, s29  }
0x12f: {  	[tilespmem:s30], [sflag:s25] =	stream.linear.gather [hbm4b:s31+s4], $0x400, $0x38;
	[tilespmem:$0x18680] =	vst v63  }
0x130: {  	s28 =	sadd.s32 s28, s7;
	s31 =	sor.u32 $0x3800, s26  }
0x131: {  	[tilespmem:s31], [sflag:s25] =	stream.linear.gather [hbm4b:s28+s4], $0x400, $0x38;
	[tilespmem:$0x18680] =	vst v63  }
0x132: {  	s29 =	sadd.s32 s29, s8;
	s28 =	spop (v2sf);
	s31 =	sor.u32 $0x7800, s26  }
0x133: {  	[tilespmem:s31], [sflag:s25] =	stream.linear.gather [hbm4b:s29+s4], $0x400, $0x38;
	[tilespmem:$0x18680] =	vst v63  }
0x134: {  	s30 =	sor.u32 $0x3C00, s26;
	s29 =	spop (v2sf);
	s31 =	sadd.s32 s1, s28  }
0x135: {  	[tilespmem:s30], [sflag:s25] =	stream.linear.gather [hbm4b:s31+s4], $0x400, $0x38;
	[tilespmem:$0x18680] =	vst v63  }
0x136: {  	s30 =	sor.u32 $0x7C00, s26;
	s31 =	sadd.s32 s3, s29  }
0x137: {  	[tilespmem:s30], [sflag:s25] =	stream.linear.gather [hbm4b:s31+s4], $0x400, $0x38;
	[tilespmem:$0x18680] =	vst v63  }
.Ltmp5:
0x138: {  	_ = 	snop;
	(pc) =	sbr.rel .LBB2_4-.Ltmp5, $4  }
0x139: {  	s28 =	sadd.s32 s28, s7;
	s31 =	sor.u32 $0x4000, s26  }
0x13a: {  	[tilespmem:s31], [sflag:s25] =	stream.linear.gather [hbm4b:s28+s4], $0x400, $0x38;
	[tilespmem:$0x18680] =	vst v63  }
0x13b: {  	s26 =	sadd.s32 $0x8000, s26;
	s31 =	sadd.s32 s29, s8  }
0x13c: {  	[tilespmem:s26], [sflag:s25] =	stream.linear.gather [hbm4b:s31+s4], $0x400, $0x38;
	[tilespmem:$0x18680] =	vst v63  }
.LBB2_6:
0x13d: {  	_ =	sfence.sel $0x180000  }
0x13e: {  	[bflag:$0x0] =	sbarrier.arrive $0xFFFF  }
0x13f: {  	_ =	strace $0x90000047  }
0x140: {  	s0 =	stileid.u32;
	[bflag:$0x2] =	sbarrier.arrive $0xFFFF  }
0x141: {  	p0 =	sne.s32 s0, $0x0;
	s0 =	rddreg [dreg:$0x4]  }
0x142: {  	s0 =	sadd.s32 @!p0 $0x100000, s0  }
0x143: {  	[sflag:s0] =	ssyncadd.tile.s32 @!p0 $0x1;
	_ =	shalt  }
.Lfunc_end2:
_tile_overlayer_lowered:
.L_overlay_start_2:
0x144: {  	(tag) =	ssettag $0x2  }
0x145: {  	s0 =	rddreg [dreg:$0x0];
	s2 =	stileid.u32  }
0x146: {  	s1 =	rddreg [dreg:$0x1];
	p0 =	sne.s32 s2, $0x0  }
0x147: {  	s3 =	rddreg [dreg:$0x2];
	[bflag:$0x3] =	sbarrier.arrive $0xFFFF;
	s2 =	simm.s32 @!p0 $0x1C04  }
0x148: {  	[timem:s3], [sflag:s2] =	dma.local @!p0 [hbm:s0], s1  }
0x149: {  	s0 =	simm.s32 @!p0 $0x4  }
0x14a: {  	_ =	swait.ge @!p0 [sflag:s0], s1  }
0x14b: {  	s1 =	ssub.s32 @!p0 $0x0, s1;
	[sflag:s0] =	ssyncset.done @!p0 $0x0  }
0x14c: {  	[sflag:s0] =	ssyncadd.s32 @!p0 s1  }
0x14d: {  	[bflag:$0x3] =	sbarrier.arrive $0xFFFF  }
0x14e: {  	_ =	shalt  }

</sc_bundles>
